<compile_context>
chip_gen: v7x
topology: tpu7x:2x2x1
jax: 0.10.2.dev20260603
libtpu: 0.0.44.dev20260713+nightly
codegen_flags: <defaults>
</compile_context>

<pallas_src>
import dataclasses
import functools

import jax
import jax.numpy as jnp
from jax import lax
from jax.experimental import pallas as pl
from jax.experimental.pallas import tpu as pltpu
from jax.experimental.pallas import tpu_sc as plsc

F32 = jnp.float32
I32 = jnp.int32

N_NODES = 10000
NP = 10240
TRASH = 10100
E = 320000
EB = 5
EP = 32 * EB * 2048
EB0, EB1 = 8, 2
L = 100000
LB = 25
LP = 32 * LB * 128
LB0, LB1 = 40, 10

_MESH = plsc.VectorSubcoreMesh(core_axis_name="c", subcore_axis_name="s")

_CP = pltpu.CompilerParams()
if "needs_layout_passes" in pltpu.CompilerParams.__dataclass_fields__:
    _CP = dataclasses.replace(_CP, needs_layout_passes=False)


@functools.partial(
    pl.kernel,
    out_type=jax.ShapeDtypeStruct((2, NP // 128, 128), F32),
    mesh=_MESH,
    compiler_params=_CP,
    scratch_types=[
        pltpu.VMEM_SHARED((NP // 128, 128), F32),
        pltpu.VMEM((16, 128), I32),
        pltpu.VMEM((NP // 128, 128), F32),
        pltpu.VMEM((NP // 128,), I32),
    ],
)
def _count_kernel(dst_hbm, cnt_hbm, acc_c, dst_v, hist, io_v):
    c = lax.axis_index("c")
    s = lax.axis_index("s")
    w = c * 16 + s
    nrow = NP // 128

    @pl.loop(0, nrow)
    def _(i):
        @pl.loop(0, 8)
        def _(j):
            hist[i, pl.ds(j * 16, 16)] = jnp.zeros((16,), F32)

    @pl.loop(0, nrow // 16)
    def _(k):
        io_v[pl.ds(k * 16, 16)] = lax.iota(I32, 16) + k * 16
    pltpu.sync_copy(hist.at[pl.ds(0, 5)], acc_c.at[pl.ds(s * 5, 5)])
    plsc.subcore_barrier()

    @pl.loop(0, EB)
    def _(b):
        pltpu.sync_copy(dst_hbm.at[w * EB + b], dst_v)

        @pl.loop(0, 16)
        def _(i):
            @pl.loop(0, 8)
            def _(j):
                idx = dst_v[i, pl.ds(j * 16, 16)]
                hi = jax.lax.shift_right_logical(idx, 7)
                lo = jax.lax.bitwise_and(idx, 127)
                plsc.addupdate_scatter(hist, [hi, lo], jnp.ones((16,), F32))
    pltpu.sync_copy(hist, acc_c.at[io_v], add=True)
    plsc.subcore_barrier()

    @pl.when(s < nrow // 8)
    def _():
        pltpu.sync_copy(acc_c.at[pl.ds(s * 8, 8)],
                        cnt_hbm.at[c, pl.ds(s * 8, 8)])


@functools.partial(
    pl.kernel,
    out_type=jax.ShapeDtypeStruct((2, NP, 128), F32),
    mesh=_MESH,
    compiler_params=_CP,
    scratch_types=[
        pltpu.VMEM_SHARED((NP, 128), F32),
        pltpu.VMEM((16, 128), I32),
        pltpu.VMEM((16, 128), I32),
        pltpu.VMEM((128, 128), F32),
        pltpu.VMEM((128, 128), F32),
        pltpu.SemaphoreType.DMA,
        pltpu.SemaphoreType.DMA,
    ],
)
def _seg_kernel(y_hbm, src_hbm, dst_hbm, out_hbm,
                acc, src_v, dst_v, rows_a, rows_b, sem_a, sem_b):
    c = lax.axis_index("c")
    s = lax.axis_index("s")
    w = c * 16 + s

    @pl.loop(0, 128)
    def _(i):
        @pl.loop(0, 8)
        def _(j):
            rows_a[i, pl.ds(j * 16, 16)] = jnp.zeros((16,), F32)

    @pl.loop(0, 5)
    def _(k):
        pltpu.sync_copy(rows_a, acc.at[pl.ds(s * 640 + k * 128, 128)])
    plsc.subcore_barrier()

    def _block(blk):
        pltpu.sync_copy(src_hbm.at[blk], src_v)
        pltpu.sync_copy(dst_hbm.at[blk], dst_v)
        pltpu.async_copy(y_hbm.at[src_v.at[0]], rows_a, sem_a)

        @pl.loop(0, 8)
        def _(ii):
            i0 = 2 * ii
            pltpu.async_copy(y_hbm.at[src_v.at[i0 + 1]], rows_b, sem_b)
            pltpu.make_async_copy(y_hbm.at[src_v.at[i0]], rows_a,
                                  sem_a).wait()
            pltpu.sync_copy(rows_a, acc.at[dst_v.at[i0]], add=True)

            @pl.when(ii < 7)
            def _():
                pltpu.async_copy(y_hbm.at[src_v.at[i0 + 2]], rows_a, sem_a)
            pltpu.make_async_copy(y_hbm.at[src_v.at[i0 + 1]], rows_b,
                                  sem_b).wait()
            pltpu.sync_copy(rows_b, acc.at[dst_v.at[i0 + 1]], add=True)

    @pl.when(c == 0)
    def _():
        @pl.loop(0, EB0)
        def _(b):
            _block(s * EB0 + b)

    if EB1:
        @pl.when(c == 1)
        def _():
            @pl.loop(0, EB1)
            def _(b):
                _block(16 * EB0 + s * EB1 + b)
    plsc.subcore_barrier()

    pltpu.sync_copy(acc.at[pl.ds(s * 640, 640)],
                    out_hbm.at[c, pl.ds(s * 640, 640)])


@functools.partial(
    pl.kernel,
    out_type=(jax.ShapeDtypeStruct((LP, 128), F32),
              jax.ShapeDtypeStruct((LP, 128), F32)),
    mesh=_MESH,
    compiler_params=_CP,
    scratch_types=[
        pltpu.VMEM((LB0 * 128,), I32),
        pltpu.VMEM((LB0 * 128,), I32),
        pltpu.VMEM((128, 128), F32),
        pltpu.VMEM((128, 128), F32),
        pltpu.SemaphoreType.DMA,
        pltpu.SemaphoreType.DMA,
    ],
)
def _decoder_gather(p_hbm, q_hbm, sidx_hbm, didx_hbm, ps_hbm, qd_hbm,
                    sidx_v, didx_v, prow, qrow, semp, semq):
    c = lax.axis_index("c")
    s = lax.axis_index("s")

    def _run(nsteps, base):
        if not nsteps:
            return
        n = nsteps * 128
        pltpu.sync_copy(sidx_hbm.at[pl.ds(base, n)],
                        sidx_v.at[pl.ds(0, n)])
        pltpu.sync_copy(didx_hbm.at[pl.ds(base, n)],
                        didx_v.at[pl.ds(0, n)])
        pltpu.async_copy(p_hbm.at[sidx_v.at[pl.ds(0, 128)]], prow, semp)
        pltpu.async_copy(q_hbm.at[didx_v.at[pl.ds(0, 128)]], qrow, semq)

        @pl.loop(0, nsteps)
        def _(i):
            pltpu.make_async_copy(p_hbm.at[sidx_v.at[pl.ds(i * 128, 128)]],
                                  prow, semp).wait()
            pltpu.sync_copy(prow, ps_hbm.at[pl.ds(base + i * 128, 128)])

            @pl.when(i < nsteps - 1)
            def _():
                pltpu.async_copy(
                    p_hbm.at[sidx_v.at[pl.ds(i * 128 + 128, 128)]],
                    prow, semp)
            pltpu.make_async_copy(q_hbm.at[didx_v.at[pl.ds(i * 128, 128)]],
                                  qrow, semq).wait()
            pltpu.sync_copy(qrow, qd_hbm.at[pl.ds(base + i * 128, 128)])

            @pl.when(i < nsteps - 1)
            def _():
                pltpu.async_copy(
                    q_hbm.at[didx_v.at[pl.ds(i * 128 + 128, 128)]],
                    qrow, semq)

    @pl.when(c == 0)
    def _():
        _run(LB0, s * LB0 * 128)

    @pl.when(c == 1)
    def _():
        _run(LB1, 16 * LB0 * 128 + s * LB1 * 128)


_W_SPEC = pl.BlockSpec((128, 128), lambda i: (0, 0))
_B_SPEC = pl.BlockSpec((1, 128), lambda i: (0, 0))
_ROW_SPEC = pl.BlockSpec((1024, 128), lambda i: (i, 0))
_SUM_SPEC = pl.BlockSpec((2, 1024, 128), lambda i: (0, i, 0))
_CNT_SPEC = pl.BlockSpec((2, 1024, 1), lambda i: (0, i, 0))


def _tc_a_body(x_ref, wl_ref, wr_ref, bl_ref, y_ref, r_ref):
    xx = x_ref[...]
    y_ref[...] = jnp.dot(xx, wl_ref[...], preferred_element_type=F32)
    r_ref[...] = jnp.dot(xx, wr_ref[...], preferred_element_type=F32) \
        + bl_ref[...]


_tc_a = pl.pallas_call(
    _tc_a_body,
    grid=(NP // 1024,),
    in_specs=[_ROW_SPEC, _W_SPEC, _W_SPEC, _B_SPEC],
    out_specs=[_ROW_SPEC, _ROW_SPEC],
    out_shape=[jax.ShapeDtypeStruct((NP, 128), F32)] * 2,
)


def _tc_mid_body(relu, s_ref, cnt_ref, r_ref, wl_ref, wr_ref, bl_ref,
                 y_ref, r2_ref):
    sm = s_ref[0] + s_ref[1]
    cr = cnt_ref[0] + cnt_ref[1]
    inv = 1.0 / jnp.maximum(cr, 1.0)
    h = sm * inv + r_ref[...]
    if relu:
        h = jnp.maximum(h, 0.0)
    y_ref[...] = jnp.dot(h, wl_ref[...], preferred_element_type=F32)
    r2_ref[...] = jnp.dot(h, wr_ref[...], preferred_element_type=F32) \
        + bl_ref[...]


def _tc_mid(relu):
    return pl.pallas_call(
        functools.partial(_tc_mid_body, relu),
        grid=(NP // 1024,),
        in_specs=[_SUM_SPEC, _CNT_SPEC, _ROW_SPEC, _W_SPEC, _W_SPEC, _B_SPEC],
        out_specs=[_ROW_SPEC, _ROW_SPEC],
        out_shape=[jax.ShapeDtypeStruct((NP, 128), F32)] * 2,
    )


def _tc_d_body(ps_ref, qd_ref, w_ref, b_ref, o_ref):
    z = jnp.maximum(ps_ref[...] + qd_ref[...], 0.0)
    o_ref[...] = jnp.sum(z * w_ref[...], axis=1, keepdims=True) + b_ref[...]


_tc_d = pl.pallas_call(
    _tc_d_body,
    grid=(L // 2000,),
    in_specs=[pl.BlockSpec((2000, 128), lambda i: (i, 0)),
              pl.BlockSpec((2000, 128), lambda i: (i, 0)),
              _B_SPEC, pl.BlockSpec((1, 1), lambda i: (0, 0))],
    out_specs=pl.BlockSpec((2000, 1), lambda i: (i, 0)),
    out_shape=jax.ShapeDtypeStruct((L, 1), F32),
)


def _pad_idx(idx, total, fill, shape):
    idx = idx.astype(I32)
    pad = total - idx.shape[0]
    idx = jnp.concatenate([idx, jnp.full((pad,), fill, I32)])
    return idx.reshape(shape)


def kernel(x, edge_index, edge_label_index,
           Wl1, bl1, Wr1, Wl2, bl2, Wr2, Wd1, bd1, Wd2, bd2):
    xp = jnp.concatenate([x, jnp.zeros((NP - N_NODES, 128), F32)])
    src = _pad_idx(edge_index[0], EP, 0, (32 * EB, 16, 128))
    dst = _pad_idx(edge_index[1], EP, TRASH, (32 * EB, 16, 128))
    lsrc = _pad_idx(edge_label_index[0], LP, 0, (LP,))
    ldst = _pad_idx(edge_label_index[1], LP, 0, (LP,))
    bl1r = bl1.reshape(1, 128)
    bl2r = bl2.reshape(1, 128)
    bd1r = bd1.reshape(1, 128)
    wd2r = Wd2.reshape(1, 128)
    bd2r = bd2.reshape(1, 1)

    cnt_lin = _count_kernel(dst)
    y1, r1 = _tc_a(xp, Wl1, Wr1, bl1r)
    s1 = _seg_kernel(y1, src, dst)
    cnt = cnt_lin.reshape(2, NP, 1)
    y2, r2 = _tc_mid(True)(s1, cnt, r1, Wl2, Wr2, bl2r)
    s2 = _seg_kernel(y2, src, dst)
    p, q = _tc_mid(False)(s2, cnt, r2, Wd1[:128], Wd1[128:], bd1r)
    ps, qd = _decoder_gather(p, q, lsrc, ldst)
    return _tc_d(ps, qd, wd2r, bd2r)

# --- scband reference (transcript-rebuilt; emitter-appended) ---
"""Pipeline reference for scband-link-predictor-gnn-82102594830338 (READ-ONLY COPY).

The authoritative reference and input builder live on the scoring server;
editing this copy changes nothing except your own understanding.
"""

import jax, jax.numpy as jnp
import numpy as np

IN_CH = 128
HID = 128
N_NODES = 10000
N_EDGES = 320000
N_LABEL = 100000


def _init_linear(key, fan_in, fan_out, bias=True):
    k1, k2 = jax.random.split(key)
    bound = 1.0 / np.sqrt(fan_in)
    W = jax.random.uniform(k1, (fan_in, fan_out), minval=-bound, maxval=bound, dtype=jnp.float32)
    if bias:
        b = jax.random.uniform(k2, (fan_out,), minval=-bound, maxval=bound, dtype=jnp.float32)
        return W, b
    return W, None


def setup_inputs(seed: int = 0) -> dict:
    key = jax.random.key(seed)
    ks = jax.random.split(key, 16)
    x = jax.random.normal(ks[0], (N_NODES, IN_CH), dtype=jnp.float32)
    edge_index = jax.random.randint(ks[1], (2, N_EDGES), 0, N_NODES, dtype=jnp.int64)
    edge_label_index = jax.random.randint(ks[2], (2, N_LABEL), 0, N_NODES, dtype=jnp.int64)
    # SAGEConv 1: lin_l (neighbor aggregation, with bias), lin_r (root, no bias)
    Wl1, bl1 = _init_linear(ks[3], IN_CH, HID, bias=True)
    Wr1, _ = _init_linear(ks[4], IN_CH, HID, bias=False)
    # SAGEConv 2
    Wl2, bl2 = _init_linear(ks[5], HID, HID, bias=True)
    Wr2, _ = _init_linear(ks[6], HID, HID, bias=False)
    # Decoder MLP: Linear(2*HID, HID) -> ReLU -> Dropout(eval: identity) -> Linear(HID, 1)
    Wd1, bd1 = _init_linear(ks[7], 2 * HID, HID, bias=True)
    Wd2, bd2 = _init_linear(ks[8], HID, 1, bias=True)
    return {
        "x": x,
        "edge_index": edge_index,
        "edge_label_index": edge_label_index,
        "Wl1": Wl1, "bl1": bl1, "Wr1": Wr1,
        "Wl2": Wl2, "bl2": bl2, "Wr2": Wr2,
        "Wd1": Wd1, "bd1": bd1, "Wd2": Wd2, "bd2": bd2,
    }


def _sage_conv(x, edge_index, Wl, bl, Wr):
    # torch_geometric SAGEConv with mean aggregation:
    # out_i = lin_l(mean_{j in N(i)} x_j) + lin_r(x_i)
    n = x.shape[0]
    src = edge_index[0]
    dst = edge_index[1]
    msgs = jnp.take(x, src, axis=0)
    agg = jax.ops.segment_sum(msgs, dst, num_segments=n)
    cnt = jax.ops.segment_sum(jnp.ones((edge_index.shape[1],), dtype=x.dtype), dst, num_segments=n)
    mean = agg / jnp.maximum(cnt, 1.0)[:, None]
    return mean @ Wl + bl + x @ Wr


def reference(x, edge_index, edge_label_index, Wl1, bl1, Wr1, Wl2, bl2, Wr2, Wd1, bd1, Wd2, bd2):
    # encode
    h = jax.nn.relu(_sage_conv(x, edge_index, Wl1, bl1, Wr1))
    h = _sage_conv(h, edge_index, Wl2, bl2, Wr2)
    # decode (dropout is identity in eval mode)
    src_emb = jnp.take(h, edge_label_index[0], axis=0)
    dst_emb = jnp.take(h, edge_label_index[1], axis=0)
    z = jnp.concatenate([src_emb, dst_emb], axis=-1)
    z = jax.nn.relu(z @ Wd1 + bd1)
    out = z @ Wd2 + bd2
    return out

if __name__ == "__main__":
    import jax
    _d = setup_inputs()
    print(jax.jit(kernel)(*tuple(_d.values())))

</pallas_src>

<mosaic_0001>
#map = affine_map<(d0, d1) -> (0, 0, 0)>
module attributes {stable_mosaic.version = 14 : i64} {
  func.func @_count_kernel(%arg0: i32, %arg1: i32, %arg2: memref<160x16x128xi32, #tpu.memory_space<hbm>>, %arg3: memref<2x80x128xf32, #tpu.memory_space<hbm>>, %arg4: memref<80x128xf32, #tpu.memory_space<vmem_shared>>, %arg5: memref<16x128xi32, #tpu.memory_space<vmem>>, %arg6: memref<80x128xf32, #tpu.memory_space<vmem>>, %arg7: memref<80xi32, #tpu.memory_space<vmem>>) attributes {dimension_semantics = [#tpu.dimension_semantics<core_parallel>, #tpu.dimension_semantics<subcore_parallel>], iteration_bounds = array<i64: 2, 16>, scalar_prefetch = 0 : i64, scratch_operands = 4 : i64, tpu.core_type = #tpu.core_type<sc_vector_subcore>, window_params = [{transform_indices = #map}, {transform_indices = #map}]} {
    %mul3A = arith.constant 16 : i32
    %mul3A_0 = arith.muli %arg0, %mul3A : i32
    %add3A = arith.addi %mul3A_0, %arg1 : i32
    %scan3A = arith.constant 0 : i32
    %scan3A_1 = arith.constant 80 : i32
    %scan3A_2 = arith.addi %scan3A, %scan3A_1 : i32
    %scan3A_3 = arith.constant 1 : i32
    scf.for %scan3A_20 = %scan3A to %scan3A_2 step %scan3A_3  : i32 {
      %mul3A_21 = arith.constant 1 : i32
      %mul3A_22 = arith.muli %scan3A_20, %mul3A_21 : i32
      %add3A_23 = arith.constant 0 : i32
      %add3A_24 = arith.addi %add3A_23, %mul3A_22 : i32
      %scan3A_25 = arith.constant 0 : i32
      %scan3A_26 = arith.constant 8 : i32
      %scan3A_27 = arith.addi %scan3A_25, %scan3A_26 : i32
      %scan3A_28 = arith.constant 1 : i32
      scf.for %scan3A_30 = %scan3A_25 to %scan3A_27 step %scan3A_28  : i32 {
        %mul3A_31 = arith.constant 1 : i32
        %mul3A_32 = arith.muli %scan3A_30, %mul3A_31 : i32
        %add3A_33 = arith.constant 0 : i32
        %add3A_34 = arith.addi %add3A_33, %mul3A_32 : i32
        %broadcast_in_dim3A = arith.constant 0.000000e+00 : f32
        %broadcast_in_dim3A_35 = vector.broadcast %broadcast_in_dim3A : f32 to vector<16xf32>
        %mul3A_36 = arith.constant 16 : i32
        %mul3A_37 = arith.muli %add3A_34, %mul3A_36 : i32
        %swap3A = arith.index_cast %add3A_24 : i32 to index
        %swap3A_38 = arith.index_cast %mul3A_37 : i32 to index
        %swap3A_39 = tpu.vector_load %arg6[%swap3A, %swap3A_38] {strides = array<i32>} : memref<80x128xf32, #tpu.memory_space<vmem>>, vector<16xf32>,
        tpu.vector_store %arg6[%swap3A, %swap3A_38], %broadcast_in_dim3A_35 {strides = array<i32>} : memref<80x128xf32, #tpu.memory_space<vmem>>, vector<16xf32>,
      }
      %scan3A_29 = arith.constant 8 : i32
    }
    %scan3A_4 = arith.constant 80 : i32
    %scan3A_5 = arith.constant 0 : i32
    %scan3A_6 = arith.constant 5 : i32
    %scan3A_7 = arith.addi %scan3A_5, %scan3A_6 : i32
    %scan3A_8 = arith.constant 1 : i32
    scf.for %scan3A_20 = %scan3A_5 to %scan3A_7 step %scan3A_8  : i32 {
      %mul3A_21 = arith.constant 1 : i32
      %mul3A_22 = arith.muli %scan3A_20, %mul3A_21 : i32
      %add3A_23 = arith.constant 0 : i32
      %add3A_24 = arith.addi %add3A_23, %mul3A_22 : i32
      %iota3A = tpu.iota {dimensions = array<i32: 0>} : vector<16xi32>
      %mul3A_25 = arith.constant 16 : i32
      %mul3A_26 = arith.muli %add3A_24, %mul3A_25 : i32
      %add3A_27 = vector.broadcast %mul3A_26 : i32 to vector<16xi32>
      %add3A_28 = arith.addi %iota3A, %add3A_27 : vector<16xi32>
      %mul3A_29 = arith.constant 16 : i32
      %mul3A_30 = arith.muli %add3A_24, %mul3A_29 : i32
      %swap3A = arith.index_cast %mul3A_30 : i32 to index
      %swap3A_31 = tpu.vector_load %arg7[%swap3A] {strides = array<i32>} : memref<80xi32, #tpu.memory_space<vmem>>, vector<16xi32>,
      tpu.vector_store %arg7[%swap3A], %add3A_28 {strides = array<i32>} : memref<80xi32, #tpu.memory_space<vmem>>, vector<16xi32>,
    }
    %scan3A_9 = arith.constant 5 : i32
    %mul3A_10 = arith.constant 5 : i32
    %mul3A_11 = arith.muli %arg1, %mul3A_10 : i32
    "tpu.region"() ({
      %run_scoped3A = tpu.sem_alloc : memref<!tpu.dma_semaphore, #tpu.memory_space<semaphore_mem>>
      %dma_start3A = arith.constant 0 : i32
      %dma_start3A_20 = arith.constant 0 : i32
      %dma_start3A_21 = tpu.memref_slice %arg6[%dma_start3A, %dma_start3A_20] : memref<80x128xf32, #tpu.memory_space<vmem>> -> memref<5x128xf32, #tpu.memory_space<vmem>>
      %dma_start3A_22 = arith.constant 0 : i32
      %dma_start3A_23 = tpu.memref_slice %arg4[%mul3A_11, %dma_start3A_22] : memref<80x128xf32, #tpu.memory_space<vmem_shared>> -> memref<5x128xf32, #tpu.memory_space<vmem_shared>>
      %dma_start3A_24 = arith.constant 0 : i32
      %dma_start3A_25 = tpu.memref_slice %arg4[%mul3A_11, %dma_start3A_24] : memref<80x128xf32, #tpu.memory_space<vmem_shared>> -> memref<5x128xf32, #tpu.memory_space<vmem_shared>>
      %dma_start3A_26 = arith.constant 0 : i32
      %dma_start3A_27 = arith.constant 0 : i32
      %dma_start3A_28 = tpu.memref_slice %arg6[%dma_start3A_26, %dma_start3A_27] : memref<80x128xf32, #tpu.memory_space<vmem>> -> memref<5x128xf32, #tpu.memory_space<vmem>>
      tpu.enqueue_dma source(%dma_start3A_28 : memref<5x128xf32, #tpu.memory_space<vmem>>) target(%dma_start3A_25 : memref<5x128xf32, #tpu.memory_space<vmem_shared>>) target_semaphore(%run_scoped3A : memref<!tpu.dma_semaphore, #tpu.memory_space<semaphore_mem>>)
      %dma_wait3A = arith.constant 0 : i32
      %dma_wait3A_29 = arith.constant 0 : i32
      %dma_wait3A_30 = tpu.memref_slice %arg6[%dma_wait3A, %dma_wait3A_29] : memref<80x128xf32, #tpu.memory_space<vmem>> -> memref<5x128xf32, #tpu.memory_space<vmem>>
      %dma_wait3A_31 = arith.constant 0 : i32
      %dma_wait3A_32 = tpu.memref_slice %arg4[%mul3A_11, %dma_wait3A_31] : memref<80x128xf32, #tpu.memory_space<vmem_shared>> -> memref<5x128xf32, #tpu.memory_space<vmem_shared>>
      %dma_wait3A_33 = arith.constant 0 : i32
      %dma_wait3A_34 = tpu.memref_slice %arg4[%mul3A_11, %dma_wait3A_33] : memref<80x128xf32, #tpu.memory_space<vmem_shared>> -> memref<5x128xf32, #tpu.memory_space<vmem_shared>>
      %dma_wait3A_35 = arith.constant 0 : i32
      %dma_wait3A_36 = arith.constant 0 : i32
      %dma_wait3A_37 = tpu.memref_slice %arg6[%dma_wait3A_35, %dma_wait3A_36] : memref<80x128xf32, #tpu.memory_space<vmem>> -> memref<5x128xf32, #tpu.memory_space<vmem>>
      tpu.wait_dma2 semaphore(%run_scoped3A : memref<!tpu.dma_semaphore, #tpu.memory_space<semaphore_mem>>) src(%dma_wait3A_37 : memref<5x128xf32, #tpu.memory_space<vmem>>) dst(%dma_wait3A_34 : memref<5x128xf32, #tpu.memory_space<vmem_shared>>)
      tpu.yield
    }) : () -> ()
    %barrier3A = arith.constant 0 : index
    tpu.barrier barrier_id(%barrier3A)
    %scan3A_12 = arith.constant 0 : i32
    %scan3A_13 = arith.constant 5 : i32
    %scan3A_14 = arith.addi %scan3A_12, %scan3A_13 : i32
    %scan3A_15 = arith.constant 1 : i32
    scf.for %scan3A_20 = %scan3A_12 to %scan3A_14 step %scan3A_15  : i32 {
      %mul3A_21 = arith.constant 1 : i32
      %mul3A_22 = arith.muli %scan3A_20, %mul3A_21 : i32
      %add3A_23 = arith.constant 0 : i32
      %add3A_24 = arith.addi %add3A_23, %mul3A_22 : i32
      %mul3A_25 = arith.constant 5 : i32
      %mul3A_26 = arith.muli %add3A, %mul3A_25 : i32
      %add3A_27 = arith.addi %mul3A_26, %add3A_24 : i32
      "tpu.region"() ({
        %run_scoped3A = tpu.sem_alloc : memref<!tpu.dma_semaphore, #tpu.memory_space<semaphore_mem>>
        %dma_start3A = arith.constant 0 : i32
        %dma_start3A_33 = arith.constant 0 : i32
        %dma_start3A_34 = tpu.memref_slice %arg2[%add3A_27, %dma_start3A, %dma_start3A_33] : memref<160x16x128xi32, #tpu.memory_space<hbm>> -> memref<1x16x128xi32, #tpu.memory_space<hbm>>
        %dma_start3A_35 = tpu.memref_squeeze %dma_start3A_34 : memref<1x16x128xi32, #tpu.memory_space<hbm>> -> memref<16x128xi32, #tpu.memory_space<hbm>>
        %dma_start3A_36 = arith.constant 0 : i32
        %dma_start3A_37 = arith.constant 0 : i32
        %dma_start3A_38 = tpu.memref_slice %arg2[%add3A_27, %dma_start3A_36, %dma_start3A_37] : memref<160x16x128xi32, #tpu.memory_space<hbm>> -> memref<1x16x128xi32, #tpu.memory_space<hbm>>
        %dma_start3A_39 = tpu.memref_squeeze %dma_start3A_38 : memref<1x16x128xi32, #tpu.memory_space<hbm>> -> memref<16x128xi32, #tpu.memory_space<hbm>>
        tpu.enqueue_dma source(%dma_start3A_39 : memref<16x128xi32, #tpu.memory_space<hbm>>) target(%arg5 : memref<16x128xi32, #tpu.memory_space<vmem>>) target_semaphore(%run_scoped3A : memref<!tpu.dma_semaphore, #tpu.memory_space<semaphore_mem>>)
        %dma_wait3A = arith.constant 0 : i32
        %dma_wait3A_40 = arith.constant 0 : i32
        %dma_wait3A_41 = tpu.memref_slice %arg2[%add3A_27, %dma_wait3A, %dma_wait3A_40] : memref<160x16x128xi32, #tpu.memory_space<hbm>> -> memref<1x16x128xi32, #tpu.memory_space<hbm>>
        %dma_wait3A_42 = tpu.memref_squeeze %dma_wait3A_41 : memref<1x16x128xi32, #tpu.memory_space<hbm>> -> memref<16x128xi32, #tpu.memory_space<hbm>>
        %dma_wait3A_43 = arith.constant 0 : i32
        %dma_wait3A_44 = arith.constant 0 : i32
        %dma_wait3A_45 = tpu.memref_slice %arg2[%add3A_27, %dma_wait3A_43, %dma_wait3A_44] : memref<160x16x128xi32, #tpu.memory_space<hbm>> -> memref<1x16x128xi32, #tpu.memory_space<hbm>>
        %dma_wait3A_46 = tpu.memref_squeeze %dma_wait3A_45 : memref<1x16x128xi32, #tpu.memory_space<hbm>> -> memref<16x128xi32, #tpu.memory_space<hbm>>
        tpu.wait_dma2 semaphore(%run_scoped3A : memref<!tpu.dma_semaphore, #tpu.memory_space<semaphore_mem>>) src(%dma_wait3A_46 : memref<16x128xi32, #tpu.memory_space<hbm>>) dst(%arg5 : memref<16x128xi32, #tpu.memory_space<vmem>>)
        tpu.yield
      }) : () -> ()
      %scan3A_28 = arith.constant 0 : i32
      %scan3A_29 = arith.constant 16 : i32
      %scan3A_30 = arith.addi %scan3A_28, %scan3A_29 : i32
      %scan3A_31 = arith.constant 1 : i32
      scf.for %scan3A_33 = %scan3A_28 to %scan3A_30 step %scan3A_31  : i32 {
        %mul3A_34 = arith.constant 1 : i32
        %mul3A_35 = arith.muli %scan3A_33, %mul3A_34 : i32
        %add3A_36 = arith.constant 0 : i32
        %add3A_37 = arith.addi %add3A_36, %mul3A_35 : i32
        %scan3A_38 = arith.constant 0 : i32
        %scan3A_39 = arith.constant 8 : i32
        %scan3A_40 = arith.addi %scan3A_38, %scan3A_39 : i32
        %scan3A_41 = arith.constant 1 : i32
        scf.for %scan3A_43 = %scan3A_38 to %scan3A_40 step %scan3A_41  : i32 {
          %mul3A_44 = arith.constant 1 : i32
          %mul3A_45 = arith.muli %scan3A_43, %mul3A_44 : i32
          %add3A_46 = arith.constant 0 : i32
          %add3A_47 = arith.addi %add3A_46, %mul3A_45 : i32
          %mul3A_48 = arith.constant 16 : i32
          %mul3A_49 = arith.muli %add3A_47, %mul3A_48 : i32
          %get3A = arith.index_cast %add3A_37 : i32 to index
          %get3A_50 = arith.index_cast %mul3A_49 : i32 to index
          %get3A_51 = tpu.vector_load %arg5[%get3A, %get3A_50] {strides = array<i32>} : memref<16x128xi32, #tpu.memory_space<vmem>>, vector<16xi32>,
          %shift_right_logical3A = arith.constant 7 : i32
          %shift_right_logical3A_52 = vector.broadcast %shift_right_logical3A : i32 to vector<16xi32>
          %shift_right_logical3A_53 = arith.shrui %get3A_51, %shift_right_logical3A_52 : vector<16xi32>
          %and3A = arith.constant 127 : i32
          %and3A_54 = vector.broadcast %and3A : i32 to vector<16xi32>
          %and3A_55 = arith.andi %get3A_51, %and3A_54 : vector<16xi32>
          %broadcast_in_dim3A = arith.constant 1.000000e+00 : f32
          %broadcast_in_dim3A_56 = vector.broadcast %broadcast_in_dim3A : f32 to vector<16xf32>
          tpu.vector_store_idx %arg6[%shift_right_logical3A_53, %and3A_55], %broadcast_in_dim3A_56 {add = true} : memref<80x128xf32, #tpu.memory_space<vmem>>[vector<16xi32>, vector<16xi32>], vector<16xf32>,
        }
        %scan3A_42 = arith.constant 8 : i32
      }
      %scan3A_32 = arith.constant 16 : i32
    }
    %scan3A_16 = arith.constant 5 : i32
    "tpu.region"() ({
      %run_scoped3A = tpu.sem_alloc : memref<!tpu.dma_semaphore, #tpu.memory_space<semaphore_mem>>
      %dma_start3A = arith.constant 0 : i32
      %dma_start3A_20 = arith.constant 0 : i32
      %dma_start3A_21 = tpu.memref_slice %arg4[%dma_start3A, %dma_start3A_20] : memref<80x128xf32, #tpu.memory_space<vmem_shared>> -> memref<80x128xf32, #tpu.memory_space<vmem_shared>>
      tpu.enqueue_indirect_dma source(%arg6 : memref<80x128xf32, #tpu.memory_space<vmem>>) target(%dma_start3A_21 : memref<80x128xf32, #tpu.memory_space<vmem_shared>>) offsets(%arg7 : memref<80xi32, #tpu.memory_space<vmem>>) semaphore(%run_scoped3A : memref<!tpu.dma_semaphore, #tpu.memory_space<semaphore_mem>>) {add = true}
      %dma_wait3A = arith.constant 0 : i32
      %dma_wait3A_22 = arith.constant 0 : i32
      %dma_wait3A_23 = tpu.memref_slice %arg4[%dma_wait3A, %dma_wait3A_22] : memref<80x128xf32, #tpu.memory_space<vmem_shared>> -> memref<80x128xf32, #tpu.memory_space<vmem_shared>>
      tpu.wait_indirect_dma semaphore(%run_scoped3A : memref<!tpu.dma_semaphore, #tpu.memory_space<semaphore_mem>>) src(%arg6 : memref<80x128xf32, #tpu.memory_space<vmem>>) dst(%dma_wait3A_23 : memref<80x128xf32, #tpu.memory_space<vmem_shared>>)
      tpu.yield
    }) : () -> ()
    %barrier3A_17 = arith.constant 0 : index
    tpu.barrier barrier_id(%barrier3A_17)
    %lt3A = arith.constant 10 : i32
    %lt3A_18 = arith.cmpi slt, %arg1, %lt3A : i32
    %convert_element_type3A = arith.extui %lt3A_18 : i1 to i32
    %cond3A = arith.constant 0 : i32
    %cond3A_19 = arith.cmpi ne, %convert_element_type3A, %cond3A : i32
    scf.if %cond3A_19 {
      %mul3A_20 = arith.constant 8 : i32
      %mul3A_21 = arith.muli %arg1, %mul3A_20 : i32
      %mul3A_22 = arith.constant 8 : i32
      %mul3A_23 = arith.muli %arg1, %mul3A_22 : i32
      "tpu.region"() ({
        %run_scoped3A = tpu.sem_alloc : memref<!tpu.dma_semaphore, #tpu.memory_space<semaphore_mem>>
        %dma_start3A = arith.constant 0 : i32
        %dma_start3A_24 = tpu.memref_slice %arg3[%arg0, %mul3A_23, %dma_start3A] : memref<2x80x128xf32, #tpu.memory_space<hbm>> -> memref<1x8x128xf32, #tpu.memory_space<hbm>>
        %dma_start3A_25 = tpu.memref_squeeze %dma_start3A_24 : memref<1x8x128xf32, #tpu.memory_space<hbm>> -> memref<8x128xf32, #tpu.memory_space<hbm>>
        %dma_start3A_26 = arith.constant 0 : i32
        %dma_start3A_27 = tpu.memref_slice %arg4[%mul3A_21, %dma_start3A_26] : memref<80x128xf32, #tpu.memory_space<vmem_shared>> -> memref<8x128xf32, #tpu.memory_space<vmem_shared>>
        tpu.enqueue_dma source(%dma_start3A_27 : memref<8x128xf32, #tpu.memory_space<vmem_shared>>) target(%dma_start3A_25 : memref<8x128xf32, #tpu.memory_space<hbm>>) target_semaphore(%run_scoped3A : memref<!tpu.dma_semaphore, #tpu.memory_space<semaphore_mem>>)
        %dma_wait3A = arith.constant 0 : i32
        %dma_wait3A_28 = tpu.memref_slice %arg3[%arg0, %mul3A_23, %dma_wait3A] : memref<2x80x128xf32, #tpu.memory_space<hbm>> -> memref<1x8x128xf32, #tpu.memory_space<hbm>>
        %dma_wait3A_29 = tpu.memref_squeeze %dma_wait3A_28 : memref<1x8x128xf32, #tpu.memory_space<hbm>> -> memref<8x128xf32, #tpu.memory_space<hbm>>
        %dma_wait3A_30 = arith.constant 0 : i32
        %dma_wait3A_31 = tpu.memref_slice %arg4[%mul3A_21, %dma_wait3A_30] : memref<80x128xf32, #tpu.memory_space<vmem_shared>> -> memref<8x128xf32, #tpu.memory_space<vmem_shared>>
        tpu.wait_dma2 semaphore(%run_scoped3A : memref<!tpu.dma_semaphore, #tpu.memory_space<semaphore_mem>>) src(%dma_wait3A_31 : memref<8x128xf32, #tpu.memory_space<vmem_shared>>) dst(%dma_wait3A_29 : memref<8x128xf32, #tpu.memory_space<hbm>>)
        tpu.yield
      }) : () -> ()
    } else {
    }
    return
  }
}

#map = affine_map<(d0, d1) -> (0, 0)>
#map1 = affine_map<(d0, d1) -> (0, 0, 0)>
module attributes {stable_mosaic.version = 14 : i64} {
  func.func @_seg_kernel(%arg0: i32, %arg1: i32, %arg2: memref<10240x128xf32, #tpu.memory_space<hbm>>, %arg3: memref<160x16x128xi32, #tpu.memory_space<hbm>>, %arg4: memref<160x16x128xi32, #tpu.memory_space<hbm>>, %arg5: memref<2x10240x128xf32, #tpu.memory_space<hbm>>, %arg6: memref<10240x128xf32, #tpu.memory_space<vmem_shared>>, %arg7: memref<16x128xi32, #tpu.memory_space<vmem>>, %arg8: memref<16x128xi32, #tpu.memory_space<vmem>>, %arg9: memref<128x128xf32, #tpu.memory_space<vmem>>, %arg10: memref<128x128xf32, #tpu.memory_space<vmem>>, %arg11: memref<!tpu.dma_semaphore, #tpu.memory_space<semaphore_mem>>, %arg12: memref<!tpu.dma_semaphore, #tpu.memory_space<semaphore_mem>>) attributes {dimension_semantics = [#tpu.dimension_semantics<core_parallel>, #tpu.dimension_semantics<subcore_parallel>], iteration_bounds = array<i64: 2, 16>, scalar_prefetch = 0 : i64, scratch_operands = 7 : i64, tpu.core_type = #tpu.core_type<sc_vector_subcore>, window_params = [{transform_indices = #map}, {transform_indices = #map1}, {transform_indices = #map1}, {transform_indices = #map1}]} {
    %mul3A = arith.constant 16 : i32
    %mul3A_0 = arith.muli %arg0, %mul3A : i32
    %add3A = arith.addi %mul3A_0, %arg1 : i32
    %scan3A = arith.constant 0 : i32
    %scan3A_1 = arith.constant 128 : i32
    %scan3A_2 = arith.addi %scan3A, %scan3A_1 : i32
    %scan3A_3 = arith.constant 1 : i32
    scf.for %scan3A_22 = %scan3A to %scan3A_2 step %scan3A_3  : i32 {
      %mul3A_23 = arith.constant 1 : i32
      %mul3A_24 = arith.muli %scan3A_22, %mul3A_23 : i32
      %add3A_25 = arith.constant 0 : i32
      %add3A_26 = arith.addi %add3A_25, %mul3A_24 : i32
      %scan3A_27 = arith.constant 0 : i32
      %scan3A_28 = arith.constant 8 : i32
      %scan3A_29 = arith.addi %scan3A_27, %scan3A_28 : i32
      %scan3A_30 = arith.constant 1 : i32
      scf.for %scan3A_32 = %scan3A_27 to %scan3A_29 step %scan3A_30  : i32 {
        %mul3A_33 = arith.constant 1 : i32
        %mul3A_34 = arith.muli %scan3A_32, %mul3A_33 : i32
        %add3A_35 = arith.constant 0 : i32
        %add3A_36 = arith.addi %add3A_35, %mul3A_34 : i32
        %broadcast_in_dim3A = arith.constant 0.000000e+00 : f32
        %broadcast_in_dim3A_37 = vector.broadcast %broadcast_in_dim3A : f32 to vector<16xf32>
        %mul3A_38 = arith.constant 16 : i32
        %mul3A_39 = arith.muli %add3A_36, %mul3A_38 : i32
        %swap3A = arith.index_cast %add3A_26 : i32 to index
        %swap3A_40 = arith.index_cast %mul3A_39 : i32 to index
        %swap3A_41 = tpu.vector_load %arg9[%swap3A, %swap3A_40] {strides = array<i32>} : memref<128x128xf32, #tpu.memory_space<vmem>>, vector<16xf32>,
        tpu.vector_store %arg9[%swap3A, %swap3A_40], %broadcast_in_dim3A_37 {strides = array<i32>} : memref<128x128xf32, #tpu.memory_space<vmem>>, vector<16xf32>,
      }
      %scan3A_31 = arith.constant 8 : i32
    }
    %scan3A_4 = arith.constant 128 : i32
    %scan3A_5 = arith.constant 0 : i32
    %scan3A_6 = arith.constant 5 : i32
    %scan3A_7 = arith.addi %scan3A_5, %scan3A_6 : i32
    %scan3A_8 = arith.constant 1 : i32
    scf.for %scan3A_22 = %scan3A_5 to %scan3A_7 step %scan3A_8  : i32 {
      %mul3A_23 = arith.constant 1 : i32
      %mul3A_24 = arith.muli %scan3A_22, %mul3A_23 : i32
      %add3A_25 = arith.constant 0 : i32
      %add3A_26 = arith.addi %add3A_25, %mul3A_24 : i32
      %mul3A_27 = arith.constant 640 : i32
      %mul3A_28 = arith.muli %arg1, %mul3A_27 : i32
      %mul3A_29 = arith.constant 128 : i32
      %mul3A_30 = arith.muli %add3A_26, %mul3A_29 : i32
      %add3A_31 = arith.addi %mul3A_28, %mul3A_30 : i32
      "tpu.region"() ({
        %run_scoped3A = tpu.sem_alloc : memref<!tpu.dma_semaphore, #tpu.memory_space<semaphore_mem>>
        %dma_start3A = arith.constant 0 : i32
        %dma_start3A_32 = tpu.memref_slice %arg6[%add3A_31, %dma_start3A] : memref<10240x128xf32, #tpu.memory_space<vmem_shared>> -> memref<128x128xf32, #tpu.memory_space<vmem_shared>>
        %dma_start3A_33 = arith.constant 0 : i32
        %dma_start3A_34 = tpu.memref_slice %arg6[%add3A_31, %dma_start3A_33] : memref<10240x128xf32, #tpu.memory_space<vmem_shared>> -> memref<128x128xf32, #tpu.memory_space<vmem_shared>>
        tpu.enqueue_dma source(%arg9 : memref<128x128xf32, #tpu.memory_space<vmem>>) target(%dma_start3A_34 : memref<128x128xf32, #tpu.memory_space<vmem_shared>>) target_semaphore(%run_scoped3A : memref<!tpu.dma_semaphore, #tpu.memory_space<semaphore_mem>>)
        %dma_wait3A = arith.constant 0 : i32
        %dma_wait3A_35 = tpu.memref_slice %arg6[%add3A_31, %dma_wait3A] : memref<10240x128xf32, #tpu.memory_space<vmem_shared>> -> memref<128x128xf32, #tpu.memory_space<vmem_shared>>
        %dma_wait3A_36 = arith.constant 0 : i32
        %dma_wait3A_37 = tpu.memref_slice %arg6[%add3A_31, %dma_wait3A_36] : memref<10240x128xf32, #tpu.memory_space<vmem_shared>> -> memref<128x128xf32, #tpu.memory_space<vmem_shared>>
        tpu.wait_dma2 semaphore(%run_scoped3A : memref<!tpu.dma_semaphore, #tpu.memory_space<semaphore_mem>>) src(%arg9 : memref<128x128xf32, #tpu.memory_space<vmem>>) dst(%dma_wait3A_37 : memref<128x128xf32, #tpu.memory_space<vmem_shared>>)
        tpu.yield
      }) : () -> ()
    }
    %scan3A_9 = arith.constant 5 : i32
    %barrier3A = arith.constant 0 : index
    tpu.barrier barrier_id(%barrier3A)
    %eq3A = arith.constant 0 : i32
    %eq3A_10 = arith.cmpi eq, %arg0, %eq3A : i32
    %convert_element_type3A = arith.extui %eq3A_10 : i1 to i32
    %cond3A = arith.constant 0 : i32
    %cond3A_11 = arith.cmpi ne, %convert_element_type3A, %cond3A : i32
    scf.if %cond3A_11 {
      %scan3A_22 = arith.constant 0 : i32
      %scan3A_23 = arith.constant 8 : i32
      %scan3A_24 = arith.addi %scan3A_22, %scan3A_23 : i32
      %scan3A_25 = arith.constant 1 : i32
      scf.for %scan3A_27 = %scan3A_22 to %scan3A_24 step %scan3A_25  : i32 {
        %mul3A_28 = arith.constant 1 : i32
        %mul3A_29 = arith.muli %scan3A_27, %mul3A_28 : i32
        %add3A_30 = arith.constant 0 : i32
        %add3A_31 = arith.addi %add3A_30, %mul3A_29 : i32
        %mul3A_32 = arith.constant 8 : i32
        %mul3A_33 = arith.muli %arg1, %mul3A_32 : i32
        %add3A_34 = arith.addi %mul3A_33, %add3A_31 : i32
        "tpu.region"() ({
          %run_scoped3A = tpu.sem_alloc : memref<!tpu.dma_semaphore, #tpu.memory_space<semaphore_mem>>
          %dma_start3A_46 = arith.constant 0 : i32
          %dma_start3A_47 = arith.constant 0 : i32
          %dma_start3A_48 = tpu.memref_slice %arg3[%add3A_34, %dma_start3A_46, %dma_start3A_47] : memref<160x16x128xi32, #tpu.memory_space<hbm>> -> memref<1x16x128xi32, #tpu.memory_space<hbm>>
          %dma_start3A_49 = tpu.memref_squeeze %dma_start3A_48 : memref<1x16x128xi32, #tpu.memory_space<hbm>> -> memref<16x128xi32, #tpu.memory_space<hbm>>
          %dma_start3A_50 = arith.constant 0 : i32
          %dma_start3A_51 = arith.constant 0 : i32
          %dma_start3A_52 = tpu.memref_slice %arg3[%add3A_34, %dma_start3A_50, %dma_start3A_51] : memref<160x16x128xi32, #tpu.memory_space<hbm>> -> memref<1x16x128xi32, #tpu.memory_space<hbm>>
          %dma_start3A_53 = tpu.memref_squeeze %dma_start3A_52 : memref<1x16x128xi32, #tpu.memory_space<hbm>> -> memref<16x128xi32, #tpu.memory_space<hbm>>
          tpu.enqueue_dma source(%dma_start3A_53 : memref<16x128xi32, #tpu.memory_space<hbm>>) target(%arg7 : memref<16x128xi32, #tpu.memory_space<vmem>>) target_semaphore(%run_scoped3A : memref<!tpu.dma_semaphore, #tpu.memory_space<semaphore_mem>>)
          %dma_wait3A = arith.constant 0 : i32
          %dma_wait3A_54 = arith.constant 0 : i32
          %dma_wait3A_55 = tpu.memref_slice %arg3[%add3A_34, %dma_wait3A, %dma_wait3A_54] : memref<160x16x128xi32, #tpu.memory_space<hbm>> -> memref<1x16x128xi32, #tpu.memory_space<hbm>>
          %dma_wait3A_56 = tpu.memref_squeeze %dma_wait3A_55 : memref<1x16x128xi32, #tpu.memory_space<hbm>> -> memref<16x128xi32, #tpu.memory_space<hbm>>
          %dma_wait3A_57 = arith.constant 0 : i32
          %dma_wait3A_58 = arith.constant 0 : i32
          %dma_wait3A_59 = tpu.memref_slice %arg3[%add3A_34, %dma_wait3A_57, %dma_wait3A_58] : memref<160x16x128xi32, #tpu.memory_space<hbm>> -> memref<1x16x128xi32, #tpu.memory_space<hbm>>
          %dma_wait3A_60 = tpu.memref_squeeze %dma_wait3A_59 : memref<1x16x128xi32, #tpu.memory_space<hbm>> -> memref<16x128xi32, #tpu.memory_space<hbm>>
          tpu.wait_dma2 semaphore(%run_scoped3A : memref<!tpu.dma_semaphore, #tpu.memory_space<semaphore_mem>>) src(%dma_wait3A_60 : memref<16x128xi32, #tpu.memory_space<hbm>>) dst(%arg7 : memref<16x128xi32, #tpu.memory_space<vmem>>)
          tpu.yield
        }) : () -> ()
        "tpu.region"() ({
          %run_scoped3A = tpu.sem_alloc : memref<!tpu.dma_semaphore, #tpu.memory_space<semaphore_mem>>
          %dma_start3A_46 = arith.constant 0 : i32
          %dma_start3A_47 = arith.constant 0 : i32
          %dma_start3A_48 = tpu.memref_slice %arg4[%add3A_34, %dma_start3A_46, %dma_start3A_47] : memref<160x16x128xi32, #tpu.memory_space<hbm>> -> memref<1x16x128xi32, #tpu.memory_space<hbm>>
          %dma_start3A_49 = tpu.memref_squeeze %dma_start3A_48 : memref<1x16x128xi32, #tpu.memory_space<hbm>> -> memref<16x128xi32, #tpu.memory_space<hbm>>
          %dma_start3A_50 = arith.constant 0 : i32
          %dma_start3A_51 = arith.constant 0 : i32
          %dma_start3A_52 = tpu.memref_slice %arg4[%add3A_34, %dma_start3A_50, %dma_start3A_51] : memref<160x16x128xi32, #tpu.memory_space<hbm>> -> memref<1x16x128xi32, #tpu.memory_space<hbm>>
          %dma_start3A_53 = tpu.memref_squeeze %dma_start3A_52 : memref<1x16x128xi32, #tpu.memory_space<hbm>> -> memref<16x128xi32, #tpu.memory_space<hbm>>
          tpu.enqueue_dma source(%dma_start3A_53 : memref<16x128xi32, #tpu.memory_space<hbm>>) target(%arg8 : memref<16x128xi32, #tpu.memory_space<vmem>>) target_semaphore(%run_scoped3A : memref<!tpu.dma_semaphore, #tpu.memory_space<semaphore_mem>>)
          %dma_wait3A = arith.constant 0 : i32
          %dma_wait3A_54 = arith.constant 0 : i32
          %dma_wait3A_55 = tpu.memref_slice %arg4[%add3A_34, %dma_wait3A, %dma_wait3A_54] : memref<160x16x128xi32, #tpu.memory_space<hbm>> -> memref<1x16x128xi32, #tpu.memory_space<hbm>>
          %dma_wait3A_56 = tpu.memref_squeeze %dma_wait3A_55 : memref<1x16x128xi32, #tpu.memory_space<hbm>> -> memref<16x128xi32, #tpu.memory_space<hbm>>
          %dma_wait3A_57 = arith.constant 0 : i32
          %dma_wait3A_58 = arith.constant 0 : i32
          %dma_wait3A_59 = tpu.memref_slice %arg4[%add3A_34, %dma_wait3A_57, %dma_wait3A_58] : memref<160x16x128xi32, #tpu.memory_space<hbm>> -> memref<1x16x128xi32, #tpu.memory_space<hbm>>
          %dma_wait3A_60 = tpu.memref_squeeze %dma_wait3A_59 : memref<1x16x128xi32, #tpu.memory_space<hbm>> -> memref<16x128xi32, #tpu.memory_space<hbm>>
          tpu.wait_dma2 semaphore(%run_scoped3A : memref<!tpu.dma_semaphore, #tpu.memory_space<semaphore_mem>>) src(%dma_wait3A_60 : memref<16x128xi32, #tpu.memory_space<hbm>>) dst(%arg8 : memref<16x128xi32, #tpu.memory_space<vmem>>)
          tpu.yield
        }) : () -> ()
        %dma_start3A = arith.constant 0 : i32
        %dma_start3A_35 = arith.constant 0 : i32
        %dma_start3A_36 = tpu.memref_slice %arg7[%dma_start3A, %dma_start3A_35] : memref<16x128xi32, #tpu.memory_space<vmem>> -> memref<1x128xi32, #tpu.memory_space<vmem>>
        %dma_start3A_37 = tpu.memref_squeeze %dma_start3A_36 : memref<1x128xi32, #tpu.memory_space<vmem>> -> memref<128xi32, #tpu.memory_space<vmem>>
        %dma_start3A_38 = arith.constant 0 : i32
        %dma_start3A_39 = arith.constant 0 : i32
        %dma_start3A_40 = tpu.memref_slice %arg2[%dma_start3A_38, %dma_start3A_39] : memref<10240x128xf32, #tpu.memory_space<hbm>> -> memref<10240x128xf32, #tpu.memory_space<hbm>>
        tpu.enqueue_indirect_dma source(%dma_start3A_40 : memref<10240x128xf32, #tpu.memory_space<hbm>>) target(%arg9 : memref<128x128xf32, #tpu.memory_space<vmem>>) offsets(%dma_start3A_37 : memref<128xi32, #tpu.memory_space<vmem>>) semaphore(%arg11 : memref<!tpu.dma_semaphore, #tpu.memory_space<semaphore_mem>>)
        %scan3A_41 = arith.constant 0 : i32
        %scan3A_42 = arith.constant 8 : i32
        %scan3A_43 = arith.addi %scan3A_41, %scan3A_42 : i32
        %scan3A_44 = arith.constant 1 : i32
        scf.for %scan3A_46 = %scan3A_41 to %scan3A_43 step %scan3A_44  : i32 {
          %mul3A_47 = arith.constant 1 : i32
          %mul3A_48 = arith.muli %scan3A_46, %mul3A_47 : i32
          %add3A_49 = arith.constant 0 : i32
          %add3A_50 = arith.addi %add3A_49, %mul3A_48 : i32
          %mul3A_51 = arith.constant 2 : i32
          %mul3A_52 = arith.muli %mul3A_51, %add3A_50 : i32
          %add3A_53 = arith.constant 1 : i32
          %add3A_54 = arith.addi %mul3A_52, %add3A_53 : i32
          %dma_start3A_55 = arith.constant 0 : i32
          %dma_start3A_56 = tpu.memref_slice %arg7[%add3A_54, %dma_start3A_55] : memref<16x128xi32, #tpu.memory_space<vmem>> -> memref<1x128xi32, #tpu.memory_space<vmem>>
          %dma_start3A_57 = tpu.memref_squeeze %dma_start3A_56 : memref<1x128xi32, #tpu.memory_space<vmem>> -> memref<128xi32, #tpu.memory_space<vmem>>
          %dma_start3A_58 = arith.constant 0 : i32
          %dma_start3A_59 = arith.constant 0 : i32
          %dma_start3A_60 = tpu.memref_slice %arg2[%dma_start3A_58, %dma_start3A_59] : memref<10240x128xf32, #tpu.memory_space<hbm>> -> memref<10240x128xf32, #tpu.memory_space<hbm>>
          tpu.enqueue_indirect_dma source(%dma_start3A_60 : memref<10240x128xf32, #tpu.memory_space<hbm>>) target(%arg10 : memref<128x128xf32, #tpu.memory_space<vmem>>) offsets(%dma_start3A_57 : memref<128xi32, #tpu.memory_space<vmem>>) semaphore(%arg12 : memref<!tpu.dma_semaphore, #tpu.memory_space<semaphore_mem>>)
          %dma_wait3A = arith.constant 0 : i32
          %dma_wait3A_61 = tpu.memref_slice %arg7[%mul3A_52, %dma_wait3A] : memref<16x128xi32, #tpu.memory_space<vmem>> -> memref<1x128xi32, #tpu.memory_space<vmem>>
          %dma_wait3A_62 = tpu.memref_squeeze %dma_wait3A_61 : memref<1x128xi32, #tpu.memory_space<vmem>> -> memref<128xi32, #tpu.memory_space<vmem>>
          %dma_wait3A_63 = arith.constant 0 : i32
          %dma_wait3A_64 = arith.constant 0 : i32
          %dma_wait3A_65 = tpu.memref_slice %arg2[%dma_wait3A_63, %dma_wait3A_64] : memref<10240x128xf32, #tpu.memory_space<hbm>> -> memref<10240x128xf32, #tpu.memory_space<hbm>>
          tpu.wait_indirect_dma semaphore(%arg11 : memref<!tpu.dma_semaphore, #tpu.memory_space<semaphore_mem>>) src(%dma_wait3A_65 : memref<10240x128xf32, #tpu.memory_space<hbm>>) dst(%arg9 : memref<128x128xf32, #tpu.memory_space<vmem>>)
          "tpu.region"() ({
            %run_scoped3A = tpu.sem_alloc : memref<!tpu.dma_semaphore, #tpu.memory_space<semaphore_mem>>
            %dma_start3A_80 = arith.constant 0 : i32
            %dma_start3A_81 = tpu.memref_slice %arg8[%mul3A_52, %dma_start3A_80] : memref<16x128xi32, #tpu.memory_space<vmem>> -> memref<1x128xi32, #tpu.memory_space<vmem>>
            %dma_start3A_82 = tpu.memref_squeeze %dma_start3A_81 : memref<1x128xi32, #tpu.memory_space<vmem>> -> memref<128xi32, #tpu.memory_space<vmem>>
            %dma_start3A_83 = arith.constant 0 : i32
            %dma_start3A_84 = arith.constant 0 : i32
            %dma_start3A_85 = tpu.memref_slice %arg6[%dma_start3A_83, %dma_start3A_84] : memref<10240x128xf32, #tpu.memory_space<vmem_shared>> -> memref<10240x128xf32, #tpu.memory_space<vmem_shared>>
            tpu.enqueue_indirect_dma source(%arg9 : memref<128x128xf32, #tpu.memory_space<vmem>>) target(%dma_start3A_85 : memref<10240x128xf32, #tpu.memory_space<vmem_shared>>) offsets(%dma_start3A_82 : memref<128xi32, #tpu.memory_space<vmem>>) semaphore(%run_scoped3A : memref<!tpu.dma_semaphore, #tpu.memory_space<semaphore_mem>>) {add = true}
            %dma_wait3A_86 = arith.constant 0 : i32
            %dma_wait3A_87 = tpu.memref_slice %arg8[%mul3A_52, %dma_wait3A_86] : memref<16x128xi32, #tpu.memory_space<vmem>> -> memref<1x128xi32, #tpu.memory_space<vmem>>
            %dma_wait3A_88 = tpu.memref_squeeze %dma_wait3A_87 : memref<1x128xi32, #tpu.memory_space<vmem>> -> memref<128xi32, #tpu.memory_space<vmem>>
            %dma_wait3A_89 = arith.constant 0 : i32
            %dma_wait3A_90 = arith.constant 0 : i32
            %dma_wait3A_91 = tpu.memref_slice %arg6[%dma_wait3A_89, %dma_wait3A_90] : memref<10240x128xf32, #tpu.memory_space<vmem_shared>> -> memref<10240x128xf32, #tpu.memory_space<vmem_shared>>
            tpu.wait_indirect_dma semaphore(%run_scoped3A : memref<!tpu.dma_semaphore, #tpu.memory_space<semaphore_mem>>) src(%arg9 : memref<128x128xf32, #tpu.memory_space<vmem>>) dst(%dma_wait3A_91 : memref<10240x128xf32, #tpu.memory_space<vmem_shared>>)
            tpu.yield
          }) : () -> ()
          %lt3A = arith.constant 7 : i32
          %lt3A_66 = arith.cmpi slt, %add3A_50, %lt3A : i32
          %convert_element_type3A_67 = arith.extui %lt3A_66 : i1 to i32
          %cond3A_68 = arith.constant 0 : i32
          %cond3A_69 = arith.cmpi ne, %convert_element_type3A_67, %cond3A_68 : i32
          scf.if %cond3A_69 {
            %add3A_80 = arith.constant 2 : i32
            %add3A_81 = arith.addi %mul3A_52, %add3A_80 : i32
            %dma_start3A_82 = arith.constant 0 : i32
            %dma_start3A_83 = tpu.memref_slice %arg7[%add3A_81, %dma_start3A_82] : memref<16x128xi32, #tpu.memory_space<vmem>> -> memref<1x128xi32, #tpu.memory_space<vmem>>
            %dma_start3A_84 = tpu.memref_squeeze %dma_start3A_83 : memref<1x128xi32, #tpu.memory_space<vmem>> -> memref<128xi32, #tpu.memory_space<vmem>>
            %dma_start3A_85 = arith.constant 0 : i32
            %dma_start3A_86 = arith.constant 0 : i32
            %dma_start3A_87 = tpu.memref_slice %arg2[%dma_start3A_85, %dma_start3A_86] : memref<10240x128xf32, #tpu.memory_space<hbm>> -> memref<10240x128xf32, #tpu.memory_space<hbm>>
            tpu.enqueue_indirect_dma source(%dma_start3A_87 : memref<10240x128xf32, #tpu.memory_space<hbm>>) target(%arg9 : memref<128x128xf32, #tpu.memory_space<vmem>>) offsets(%dma_start3A_84 : memref<128xi32, #tpu.memory_space<vmem>>) semaphore(%arg11 : memref<!tpu.dma_semaphore, #tpu.memory_space<semaphore_mem>>)
          } else {
          }
          %add3A_70 = arith.constant 1 : i32
          %add3A_71 = arith.addi %mul3A_52, %add3A_70 : i32
          %dma_wait3A_72 = arith.constant 0 : i32
          %dma_wait3A_73 = tpu.memref_slice %arg7[%add3A_71, %dma_wait3A_72] : memref<16x128xi32, #tpu.memory_space<vmem>> -> memref<1x128xi32, #tpu.memory_space<vmem>>
          %dma_wait3A_74 = tpu.memref_squeeze %dma_wait3A_73 : memref<1x128xi32, #tpu.memory_space<vmem>> -> memref<128xi32, #tpu.memory_space<vmem>>
          %dma_wait3A_75 = arith.constant 0 : i32
          %dma_wait3A_76 = arith.constant 0 : i32
          %dma_wait3A_77 = tpu.memref_slice %arg2[%dma_wait3A_75, %dma_wait3A_76] : memref<10240x128xf32, #tpu.memory_space<hbm>> -> memref<10240x128xf32, #tpu.memory_space<hbm>>
          tpu.wait_indirect_dma semaphore(%arg12 : memref<!tpu.dma_semaphore, #tpu.memory_space<semaphore_mem>>) src(%dma_wait3A_77 : memref<10240x128xf32, #tpu.memory_space<hbm>>) dst(%arg10 : memref<128x128xf32, #tpu.memory_space<vmem>>)
          %add3A_78 = arith.constant 1 : i32
          %add3A_79 = arith.addi %mul3A_52, %add3A_78 : i32
          "tpu.region"() ({
            %run_scoped3A = tpu.sem_alloc : memref<!tpu.dma_semaphore, #tpu.memory_space<semaphore_mem>>
            %dma_start3A_80 = arith.constant 0 : i32
            %dma_start3A_81 = tpu.memref_slice %arg8[%add3A_79, %dma_start3A_80] : memref<16x128xi32, #tpu.memory_space<vmem>> -> memref<1x128xi32, #tpu.memory_space<vmem>>
            %dma_start3A_82 = tpu.memref_squeeze %dma_start3A_81 : memref<1x128xi32, #tpu.memory_space<vmem>> -> memref<128xi32, #tpu.memory_space<vmem>>
            %dma_start3A_83 = arith.constant 0 : i32
            %dma_start3A_84 = arith.constant 0 : i32
            %dma_start3A_85 = tpu.memref_slice %arg6[%dma_start3A_83, %dma_start3A_84] : memref<10240x128xf32, #tpu.memory_space<vmem_shared>> -> memref<10240x128xf32, #tpu.memory_space<vmem_shared>>
            tpu.enqueue_indirect_dma source(%arg10 : memref<128x128xf32, #tpu.memory_space<vmem>>) target(%dma_start3A_85 : memref<10240x128xf32, #tpu.memory_space<vmem_shared>>) offsets(%dma_start3A_82 : memref<128xi32, #tpu.memory_space<vmem>>) semaphore(%run_scoped3A : memref<!tpu.dma_semaphore, #tpu.memory_space<semaphore_mem>>) {add = true}
            %dma_wait3A_86 = arith.constant 0 : i32
            %dma_wait3A_87 = tpu.memref_slice %arg8[%add3A_79, %dma_wait3A_86] : memref<16x128xi32, #tpu.memory_space<vmem>> -> memref<1x128xi32, #tpu.memory_space<vmem>>
            %dma_wait3A_88 = tpu.memref_squeeze %dma_wait3A_87 : memref<1x128xi32, #tpu.memory_space<vmem>> -> memref<128xi32, #tpu.memory_space<vmem>>
            %dma_wait3A_89 = arith.constant 0 : i32
            %dma_wait3A_90 = arith.constant 0 : i32
            %dma_wait3A_91 = tpu.memref_slice %arg6[%dma_wait3A_89, %dma_wait3A_90] : memref<10240x128xf32, #tpu.memory_space<vmem_shared>> -> memref<10240x128xf32, #tpu.memory_space<vmem_shared>>
            tpu.wait_indirect_dma semaphore(%run_scoped3A : memref<!tpu.dma_semaphore, #tpu.memory_space<semaphore_mem>>) src(%arg10 : memref<128x128xf32, #tpu.memory_space<vmem>>) dst(%dma_wait3A_91 : memref<10240x128xf32, #tpu.memory_space<vmem_shared>>)
            tpu.yield
          }) : () -> ()
        }
        %scan3A_45 = arith.constant 8 : i32
      }
      %scan3A_26 = arith.constant 8 : i32
    } else {
    }
    %eq3A_12 = arith.constant 1 : i32
    %eq3A_13 = arith.cmpi eq, %arg0, %eq3A_12 : i32
    %convert_element_type3A_14 = arith.extui %eq3A_13 : i1 to i32
    %cond3A_15 = arith.constant 0 : i32
    %cond3A_16 = arith.cmpi ne, %convert_element_type3A_14, %cond3A_15 : i32
    scf.if %cond3A_16 {
      %scan3A_22 = arith.constant 0 : i32
      %scan3A_23 = arith.constant 2 : i32
      %scan3A_24 = arith.addi %scan3A_22, %scan3A_23 : i32
      %scan3A_25 = arith.constant 1 : i32
      scf.for %scan3A_27 = %scan3A_22 to %scan3A_24 step %scan3A_25  : i32 {
        %mul3A_28 = arith.constant 1 : i32
        %mul3A_29 = arith.muli %scan3A_27, %mul3A_28 : i32
        %add3A_30 = arith.constant 0 : i32
        %add3A_31 = arith.addi %add3A_30, %mul3A_29 : i32
        %mul3A_32 = arith.constant 2 : i32
        %mul3A_33 = arith.muli %arg1, %mul3A_32 : i32
        %add3A_34 = arith.constant 128 : i32
        %add3A_35 = arith.addi %add3A_34, %mul3A_33 : i32
        %add3A_36 = arith.addi %add3A_35, %add3A_31 : i32
        "tpu.region"() ({
          %run_scoped3A = tpu.sem_alloc : memref<!tpu.dma_semaphore, #tpu.memory_space<semaphore_mem>>
          %dma_start3A_48 = arith.constant 0 : i32
          %dma_start3A_49 = arith.constant 0 : i32
          %dma_start3A_50 = tpu.memref_slice %arg3[%add3A_36, %dma_start3A_48, %dma_start3A_49] : memref<160x16x128xi32, #tpu.memory_space<hbm>> -> memref<1x16x128xi32, #tpu.memory_space<hbm>>
          %dma_start3A_51 = tpu.memref_squeeze %dma_start3A_50 : memref<1x16x128xi32, #tpu.memory_space<hbm>> -> memref<16x128xi32, #tpu.memory_space<hbm>>
          %dma_start3A_52 = arith.constant 0 : i32
          %dma_start3A_53 = arith.constant 0 : i32
          %dma_start3A_54 = tpu.memref_slice %arg3[%add3A_36, %dma_start3A_52, %dma_start3A_53] : memref<160x16x128xi32, #tpu.memory_space<hbm>> -> memref<1x16x128xi32, #tpu.memory_space<hbm>>
          %dma_start3A_55 = tpu.memref_squeeze %dma_start3A_54 : memref<1x16x128xi32, #tpu.memory_space<hbm>> -> memref<16x128xi32, #tpu.memory_space<hbm>>
          tpu.enqueue_dma source(%dma_start3A_55 : memref<16x128xi32, #tpu.memory_space<hbm>>) target(%arg7 : memref<16x128xi32, #tpu.memory_space<vmem>>) target_semaphore(%run_scoped3A : memref<!tpu.dma_semaphore, #tpu.memory_space<semaphore_mem>>)
          %dma_wait3A = arith.constant 0 : i32
          %dma_wait3A_56 = arith.constant 0 : i32
          %dma_wait3A_57 = tpu.memref_slice %arg3[%add3A_36, %dma_wait3A, %dma_wait3A_56] : memref<160x16x128xi32, #tpu.memory_space<hbm>> -> memref<1x16x128xi32, #tpu.memory_space<hbm>>
          %dma_wait3A_58 = tpu.memref_squeeze %dma_wait3A_57 : memref<1x16x128xi32, #tpu.memory_space<hbm>> -> memref<16x128xi32, #tpu.memory_space<hbm>>
          %dma_wait3A_59 = arith.constant 0 : i32
          %dma_wait3A_60 = arith.constant 0 : i32
          %dma_wait3A_61 = tpu.memref_slice %arg3[%add3A_36, %dma_wait3A_59, %dma_wait3A_60] : memref<160x16x128xi32, #tpu.memory_space<hbm>> -> memref<1x16x128xi32, #tpu.memory_space<hbm>>
          %dma_wait3A_62 = tpu.memref_squeeze %dma_wait3A_61 : memref<1x16x128xi32, #tpu.memory_space<hbm>> -> memref<16x128xi32, #tpu.memory_space<hbm>>
          tpu.wait_dma2 semaphore(%run_scoped3A : memref<!tpu.dma_semaphore, #tpu.memory_space<semaphore_mem>>) src(%dma_wait3A_62 : memref<16x128xi32, #tpu.memory_space<hbm>>) dst(%arg7 : memref<16x128xi32, #tpu.memory_space<vmem>>)
          tpu.yield
        }) : () -> ()
        "tpu.region"() ({
          %run_scoped3A = tpu.sem_alloc : memref<!tpu.dma_semaphore, #tpu.memory_space<semaphore_mem>>
          %dma_start3A_48 = arith.constant 0 : i32
          %dma_start3A_49 = arith.constant 0 : i32
          %dma_start3A_50 = tpu.memref_slice %arg4[%add3A_36, %dma_start3A_48, %dma_start3A_49] : memref<160x16x128xi32, #tpu.memory_space<hbm>> -> memref<1x16x128xi32, #tpu.memory_space<hbm>>
          %dma_start3A_51 = tpu.memref_squeeze %dma_start3A_50 : memref<1x16x128xi32, #tpu.memory_space<hbm>> -> memref<16x128xi32, #tpu.memory_space<hbm>>
          %dma_start3A_52 = arith.constant 0 : i32
          %dma_start3A_53 = arith.constant 0 : i32
          %dma_start3A_54 = tpu.memref_slice %arg4[%add3A_36, %dma_start3A_52, %dma_start3A_53] : memref<160x16x128xi32, #tpu.memory_space<hbm>> -> memref<1x16x128xi32, #tpu.memory_space<hbm>>
          %dma_start3A_55 = tpu.memref_squeeze %dma_start3A_54 : memref<1x16x128xi32, #tpu.memory_space<hbm>> -> memref<16x128xi32, #tpu.memory_space<hbm>>
          tpu.enqueue_dma source(%dma_start3A_55 : memref<16x128xi32, #tpu.memory_space<hbm>>) target(%arg8 : memref<16x128xi32, #tpu.memory_space<vmem>>) target_semaphore(%run_scoped3A : memref<!tpu.dma_semaphore, #tpu.memory_space<semaphore_mem>>)
          %dma_wait3A = arith.constant 0 : i32
          %dma_wait3A_56 = arith.constant 0 : i32
          %dma_wait3A_57 = tpu.memref_slice %arg4[%add3A_36, %dma_wait3A, %dma_wait3A_56] : memref<160x16x128xi32, #tpu.memory_space<hbm>> -> memref<1x16x128xi32, #tpu.memory_space<hbm>>
          %dma_wait3A_58 = tpu.memref_squeeze %dma_wait3A_57 : memref<1x16x128xi32, #tpu.memory_space<hbm>> -> memref<16x128xi32, #tpu.memory_space<hbm>>
          %dma_wait3A_59 = arith.constant 0 : i32
          %dma_wait3A_60 = arith.constant 0 : i32
          %dma_wait3A_61 = tpu.memref_slice %arg4[%add3A_36, %dma_wait3A_59, %dma_wait3A_60] : memref<160x16x128xi32, #tpu.memory_space<hbm>> -> memref<1x16x128xi32, #tpu.memory_space<hbm>>
          %dma_wait3A_62 = tpu.memref_squeeze %dma_wait3A_61 : memref<1x16x128xi32, #tpu.memory_space<hbm>> -> memref<16x128xi32, #tpu.memory_space<hbm>>
          tpu.wait_dma2 semaphore(%run_scoped3A : memref<!tpu.dma_semaphore, #tpu.memory_space<semaphore_mem>>) src(%dma_wait3A_62 : memref<16x128xi32, #tpu.memory_space<hbm>>) dst(%arg8 : memref<16x128xi32, #tpu.memory_space<vmem>>)
          tpu.yield
        }) : () -> ()
        %dma_start3A = arith.constant 0 : i32
        %dma_start3A_37 = arith.constant 0 : i32
        %dma_start3A_38 = tpu.memref_slice %arg7[%dma_start3A, %dma_start3A_37] : memref<16x128xi32, #tpu.memory_space<vmem>> -> memref<1x128xi32, #tpu.memory_space<vmem>>
        %dma_start3A_39 = tpu.memref_squeeze %dma_start3A_38 : memref<1x128xi32, #tpu.memory_space<vmem>> -> memref<128xi32, #tpu.memory_space<vmem>>
        %dma_start3A_40 = arith.constant 0 : i32
        %dma_start3A_41 = arith.constant 0 : i32
        %dma_start3A_42 = tpu.memref_slice %arg2[%dma_start3A_40, %dma_start3A_41] : memref<10240x128xf32, #tpu.memory_space<hbm>> -> memref<10240x128xf32, #tpu.memory_space<hbm>>
        tpu.enqueue_indirect_dma source(%dma_start3A_42 : memref<10240x128xf32, #tpu.memory_space<hbm>>) target(%arg9 : memref<128x128xf32, #tpu.memory_space<vmem>>) offsets(%dma_start3A_39 : memref<128xi32, #tpu.memory_space<vmem>>) semaphore(%arg11 : memref<!tpu.dma_semaphore, #tpu.memory_space<semaphore_mem>>)
        %scan3A_43 = arith.constant 0 : i32
        %scan3A_44 = arith.constant 8 : i32
        %scan3A_45 = arith.addi %scan3A_43, %scan3A_44 : i32
        %scan3A_46 = arith.constant 1 : i32
        scf.for %scan3A_48 = %scan3A_43 to %scan3A_45 step %scan3A_46  : i32 {
          %mul3A_49 = arith.constant 1 : i32
          %mul3A_50 = arith.muli %scan3A_48, %mul3A_49 : i32
          %add3A_51 = arith.constant 0 : i32
          %add3A_52 = arith.addi %add3A_51, %mul3A_50 : i32
          %mul3A_53 = arith.constant 2 : i32
          %mul3A_54 = arith.muli %mul3A_53, %add3A_52 : i32
          %add3A_55 = arith.constant 1 : i32
          %add3A_56 = arith.addi %mul3A_54, %add3A_55 : i32
          %dma_start3A_57 = arith.constant 0 : i32
          %dma_start3A_58 = tpu.memref_slice %arg7[%add3A_56, %dma_start3A_57] : memref<16x128xi32, #tpu.memory_space<vmem>> -> memref<1x128xi32, #tpu.memory_space<vmem>>
          %dma_start3A_59 = tpu.memref_squeeze %dma_start3A_58 : memref<1x128xi32, #tpu.memory_space<vmem>> -> memref<128xi32, #tpu.memory_space<vmem>>
          %dma_start3A_60 = arith.constant 0 : i32
          %dma_start3A_61 = arith.constant 0 : i32
          %dma_start3A_62 = tpu.memref_slice %arg2[%dma_start3A_60, %dma_start3A_61] : memref<10240x128xf32, #tpu.memory_space<hbm>> -> memref<10240x128xf32, #tpu.memory_space<hbm>>
          tpu.enqueue_indirect_dma source(%dma_start3A_62 : memref<10240x128xf32, #tpu.memory_space<hbm>>) target(%arg10 : memref<128x128xf32, #tpu.memory_space<vmem>>) offsets(%dma_start3A_59 : memref<128xi32, #tpu.memory_space<vmem>>) semaphore(%arg12 : memref<!tpu.dma_semaphore, #tpu.memory_space<semaphore_mem>>)
          %dma_wait3A = arith.constant 0 : i32
          %dma_wait3A_63 = tpu.memref_slice %arg7[%mul3A_54, %dma_wait3A] : memref<16x128xi32, #tpu.memory_space<vmem>> -> memref<1x128xi32, #tpu.memory_space<vmem>>
          %dma_wait3A_64 = tpu.memref_squeeze %dma_wait3A_63 : memref<1x128xi32, #tpu.memory_space<vmem>> -> memref<128xi32, #tpu.memory_space<vmem>>
          %dma_wait3A_65 = arith.constant 0 : i32
          %dma_wait3A_66 = arith.constant 0 : i32
          %dma_wait3A_67 = tpu.memref_slice %arg2[%dma_wait3A_65, %dma_wait3A_66] : memref<10240x128xf32, #tpu.memory_space<hbm>> -> memref<10240x128xf32, #tpu.memory_space<hbm>>
          tpu.wait_indirect_dma semaphore(%arg11 : memref<!tpu.dma_semaphore, #tpu.memory_space<semaphore_mem>>) src(%dma_wait3A_67 : memref<10240x128xf32, #tpu.memory_space<hbm>>) dst(%arg9 : memref<128x128xf32, #tpu.memory_space<vmem>>)
          "tpu.region"() ({
            %run_scoped3A = tpu.sem_alloc : memref<!tpu.dma_semaphore, #tpu.memory_space<semaphore_mem>>
            %dma_start3A_82 = arith.constant 0 : i32
            %dma_start3A_83 = tpu.memref_slice %arg8[%mul3A_54, %dma_start3A_82] : memref<16x128xi32, #tpu.memory_space<vmem>> -> memref<1x128xi32, #tpu.memory_space<vmem>>
            %dma_start3A_84 = tpu.memref_squeeze %dma_start3A_83 : memref<1x128xi32, #tpu.memory_space<vmem>> -> memref<128xi32, #tpu.memory_space<vmem>>
            %dma_start3A_85 = arith.constant 0 : i32
            %dma_start3A_86 = arith.constant 0 : i32
            %dma_start3A_87 = tpu.memref_slice %arg6[%dma_start3A_85, %dma_start3A_86] : memref<10240x128xf32, #tpu.memory_space<vmem_shared>> -> memref<10240x128xf32, #tpu.memory_space<vmem_shared>>
            tpu.enqueue_indirect_dma source(%arg9 : memref<128x128xf32, #tpu.memory_space<vmem>>) target(%dma_start3A_87 : memref<10240x128xf32, #tpu.memory_space<vmem_shared>>) offsets(%dma_start3A_84 : memref<128xi32, #tpu.memory_space<vmem>>) semaphore(%run_scoped3A : memref<!tpu.dma_semaphore, #tpu.memory_space<semaphore_mem>>) {add = true}
            %dma_wait3A_88 = arith.constant 0 : i32
            %dma_wait3A_89 = tpu.memref_slice %arg8[%mul3A_54, %dma_wait3A_88] : memref<16x128xi32, #tpu.memory_space<vmem>> -> memref<1x128xi32, #tpu.memory_space<vmem>>
            %dma_wait3A_90 = tpu.memref_squeeze %dma_wait3A_89 : memref<1x128xi32, #tpu.memory_space<vmem>> -> memref<128xi32, #tpu.memory_space<vmem>>
            %dma_wait3A_91 = arith.constant 0 : i32
            %dma_wait3A_92 = arith.constant 0 : i32
            %dma_wait3A_93 = tpu.memref_slice %arg6[%dma_wait3A_91, %dma_wait3A_92] : memref<10240x128xf32, #tpu.memory_space<vmem_shared>> -> memref<10240x128xf32, #tpu.memory_space<vmem_shared>>
            tpu.wait_indirect_dma semaphore(%run_scoped3A : memref<!tpu.dma_semaphore, #tpu.memory_space<semaphore_mem>>) src(%arg9 : memref<128x128xf32, #tpu.memory_space<vmem>>) dst(%dma_wait3A_93 : memref<10240x128xf32, #tpu.memory_space<vmem_shared>>)
            tpu.yield
          }) : () -> ()
          %lt3A = arith.constant 7 : i32
          %lt3A_68 = arith.cmpi slt, %add3A_52, %lt3A : i32
          %convert_element_type3A_69 = arith.extui %lt3A_68 : i1 to i32
          %cond3A_70 = arith.constant 0 : i32
          %cond3A_71 = arith.cmpi ne, %convert_element_type3A_69, %cond3A_70 : i32
          scf.if %cond3A_71 {
            %add3A_82 = arith.constant 2 : i32
            %add3A_83 = arith.addi %mul3A_54, %add3A_82 : i32
            %dma_start3A_84 = arith.constant 0 : i32
            %dma_start3A_85 = tpu.memref_slice %arg7[%add3A_83, %dma_start3A_84] : memref<16x128xi32, #tpu.memory_space<vmem>> -> memref<1x128xi32, #tpu.memory_space<vmem>>
            %dma_start3A_86 = tpu.memref_squeeze %dma_start3A_85 : memref<1x128xi32, #tpu.memory_space<vmem>> -> memref<128xi32, #tpu.memory_space<vmem>>
            %dma_start3A_87 = arith.constant 0 : i32
            %dma_start3A_88 = arith.constant 0 : i32
            %dma_start3A_89 = tpu.memref_slice %arg2[%dma_start3A_87, %dma_start3A_88] : memref<10240x128xf32, #tpu.memory_space<hbm>> -> memref<10240x128xf32, #tpu.memory_space<hbm>>
            tpu.enqueue_indirect_dma source(%dma_start3A_89 : memref<10240x128xf32, #tpu.memory_space<hbm>>) target(%arg9 : memref<128x128xf32, #tpu.memory_space<vmem>>) offsets(%dma_start3A_86 : memref<128xi32, #tpu.memory_space<vmem>>) semaphore(%arg11 : memref<!tpu.dma_semaphore, #tpu.memory_space<semaphore_mem>>)
          } else {
          }
          %add3A_72 = arith.constant 1 : i32
          %add3A_73 = arith.addi %mul3A_54, %add3A_72 : i32
          %dma_wait3A_74 = arith.constant 0 : i32
          %dma_wait3A_75 = tpu.memref_slice %arg7[%add3A_73, %dma_wait3A_74] : memref<16x128xi32, #tpu.memory_space<vmem>> -> memref<1x128xi32, #tpu.memory_space<vmem>>
          %dma_wait3A_76 = tpu.memref_squeeze %dma_wait3A_75 : memref<1x128xi32, #tpu.memory_space<vmem>> -> memref<128xi32, #tpu.memory_space<vmem>>
          %dma_wait3A_77 = arith.constant 0 : i32
          %dma_wait3A_78 = arith.constant 0 : i32
          %dma_wait3A_79 = tpu.memref_slice %arg2[%dma_wait3A_77, %dma_wait3A_78] : memref<10240x128xf32, #tpu.memory_space<hbm>> -> memref<10240x128xf32, #tpu.memory_space<hbm>>
          tpu.wait_indirect_dma semaphore(%arg12 : memref<!tpu.dma_semaphore, #tpu.memory_space<semaphore_mem>>) src(%dma_wait3A_79 : memref<10240x128xf32, #tpu.memory_space<hbm>>) dst(%arg10 : memref<128x128xf32, #tpu.memory_space<vmem>>)
          %add3A_80 = arith.constant 1 : i32
          %add3A_81 = arith.addi %mul3A_54, %add3A_80 : i32
          "tpu.region"() ({
            %run_scoped3A = tpu.sem_alloc : memref<!tpu.dma_semaphore, #tpu.memory_space<semaphore_mem>>
            %dma_start3A_82 = arith.constant 0 : i32
            %dma_start3A_83 = tpu.memref_slice %arg8[%add3A_81, %dma_start3A_82] : memref<16x128xi32, #tpu.memory_space<vmem>> -> memref<1x128xi32, #tpu.memory_space<vmem>>
            %dma_start3A_84 = tpu.memref_squeeze %dma_start3A_83 : memref<1x128xi32, #tpu.memory_space<vmem>> -> memref<128xi32, #tpu.memory_space<vmem>>
            %dma_start3A_85 = arith.constant 0 : i32
            %dma_start3A_86 = arith.constant 0 : i32
            %dma_start3A_87 = tpu.memref_slice %arg6[%dma_start3A_85, %dma_start3A_86] : memref<10240x128xf32, #tpu.memory_space<vmem_shared>> -> memref<10240x128xf32, #tpu.memory_space<vmem_shared>>
            tpu.enqueue_indirect_dma source(%arg10 : memref<128x128xf32, #tpu.memory_space<vmem>>) target(%dma_start3A_87 : memref<10240x128xf32, #tpu.memory_space<vmem_shared>>) offsets(%dma_start3A_84 : memref<128xi32, #tpu.memory_space<vmem>>) semaphore(%run_scoped3A : memref<!tpu.dma_semaphore, #tpu.memory_space<semaphore_mem>>) {add = true}
            %dma_wait3A_88 = arith.constant 0 : i32
            %dma_wait3A_89 = tpu.memref_slice %arg8[%add3A_81, %dma_wait3A_88] : memref<16x128xi32, #tpu.memory_space<vmem>> -> memref<1x128xi32, #tpu.memory_space<vmem>>
            %dma_wait3A_90 = tpu.memref_squeeze %dma_wait3A_89 : memref<1x128xi32, #tpu.memory_space<vmem>> -> memref<128xi32, #tpu.memory_space<vmem>>
            %dma_wait3A_91 = arith.constant 0 : i32
            %dma_wait3A_92 = arith.constant 0 : i32
            %dma_wait3A_93 = tpu.memref_slice %arg6[%dma_wait3A_91, %dma_wait3A_92] : memref<10240x128xf32, #tpu.memory_space<vmem_shared>> -> memref<10240x128xf32, #tpu.memory_space<vmem_shared>>
            tpu.wait_indirect_dma semaphore(%run_scoped3A : memref<!tpu.dma_semaphore, #tpu.memory_space<semaphore_mem>>) src(%arg10 : memref<128x128xf32, #tpu.memory_space<vmem>>) dst(%dma_wait3A_93 : memref<10240x128xf32, #tpu.memory_space<vmem_shared>>)
            tpu.yield
          }) : () -> ()
        }
        %scan3A_47 = arith.constant 8 : i32
      }
      %scan3A_26 = arith.constant 2 : i32
    } else {
    }
    %barrier3A_17 = arith.constant 0 : index
    tpu.barrier barrier_id(%barrier3A_17)
    %mul3A_18 = arith.constant 640 : i32
    %mul3A_19 = arith.muli %arg1, %mul3A_18 : i32
    %mul3A_20 = arith.constant 640 : i32
    %mul3A_21 = arith.muli %arg1, %mul3A_20 : i32
    "tpu.region"() ({
      %run_scoped3A = tpu.sem_alloc : memref<!tpu.dma_semaphore, #tpu.memory_space<semaphore_mem>>
      %dma_start3A = arith.constant 0 : i32
      %dma_start3A_22 = tpu.memref_slice %arg5[%arg0, %mul3A_21, %dma_start3A] : memref<2x10240x128xf32, #tpu.memory_space<hbm>> -> memref<1x640x128xf32, #tpu.memory_space<hbm>>
      %dma_start3A_23 = tpu.memref_squeeze %dma_start3A_22 : memref<1x640x128xf32, #tpu.memory_space<hbm>> -> memref<640x128xf32, #tpu.memory_space<hbm>>
      %dma_start3A_24 = arith.constant 0 : i32
      %dma_start3A_25 = tpu.memref_slice %arg6[%mul3A_19, %dma_start3A_24] : memref<10240x128xf32, #tpu.memory_space<vmem_shared>> -> memref<640x128xf32, #tpu.memory_space<vmem_shared>>
      tpu.enqueue_dma source(%dma_start3A_25 : memref<640x128xf32, #tpu.memory_space<vmem_shared>>) target(%dma_start3A_23 : memref<640x128xf32, #tpu.memory_space<hbm>>) target_semaphore(%run_scoped3A : memref<!tpu.dma_semaphore, #tpu.memory_space<semaphore_mem>>)
      %dma_wait3A = arith.constant 0 : i32
      %dma_wait3A_26 = tpu.memref_slice %arg5[%arg0, %mul3A_21, %dma_wait3A] : memref<2x10240x128xf32, #tpu.memory_space<hbm>> -> memref<1x640x128xf32, #tpu.memory_space<hbm>>
      %dma_wait3A_27 = tpu.memref_squeeze %dma_wait3A_26 : memref<1x640x128xf32, #tpu.memory_space<hbm>> -> memref<640x128xf32, #tpu.memory_space<hbm>>
      %dma_wait3A_28 = arith.constant 0 : i32
      %dma_wait3A_29 = tpu.memref_slice %arg6[%mul3A_19, %dma_wait3A_28] : memref<10240x128xf32, #tpu.memory_space<vmem_shared>> -> memref<640x128xf32, #tpu.memory_space<vmem_shared>>
      tpu.wait_dma2 semaphore(%run_scoped3A : memref<!tpu.dma_semaphore, #tpu.memory_space<semaphore_mem>>) src(%dma_wait3A_29 : memref<640x128xf32, #tpu.memory_space<vmem_shared>>) dst(%dma_wait3A_27 : memref<640x128xf32, #tpu.memory_space<hbm>>)
      tpu.yield
    }) : () -> ()
    return
  }
}

#map = affine_map<(d0, d1) -> (0, 0)>
#map1 = affine_map<(d0, d1) -> (0, 0, 0)>
module attributes {stable_mosaic.version = 14 : i64} {
  func.func @_seg_kernel(%arg0: i32, %arg1: i32, %arg2: memref<10240x128xf32, #tpu.memory_space<hbm>>, %arg3: memref<160x16x128xi32, #tpu.memory_space<hbm>>, %arg4: memref<160x16x128xi32, #tpu.memory_space<hbm>>, %arg5: memref<2x10240x128xf32, #tpu.memory_space<hbm>>, %arg6: memref<10240x128xf32, #tpu.memory_space<vmem_shared>>, %arg7: memref<16x128xi32, #tpu.memory_space<vmem>>, %arg8: memref<16x128xi32, #tpu.memory_space<vmem>>, %arg9: memref<128x128xf32, #tpu.memory_space<vmem>>, %arg10: memref<128x128xf32, #tpu.memory_space<vmem>>, %arg11: memref<!tpu.dma_semaphore, #tpu.memory_space<semaphore_mem>>, %arg12: memref<!tpu.dma_semaphore, #tpu.memory_space<semaphore_mem>>) attributes {dimension_semantics = [#tpu.dimension_semantics<core_parallel>, #tpu.dimension_semantics<subcore_parallel>], iteration_bounds = array<i64: 2, 16>, scalar_prefetch = 0 : i64, scratch_operands = 7 : i64, tpu.core_type = #tpu.core_type<sc_vector_subcore>, window_params = [{transform_indices = #map}, {transform_indices = #map1}, {transform_indices = #map1}, {transform_indices = #map1}]} {
    %mul3A = arith.constant 16 : i32
    %mul3A_0 = arith.muli %arg0, %mul3A : i32
    %add3A = arith.addi %mul3A_0, %arg1 : i32
    %scan3A = arith.constant 0 : i32
    %scan3A_1 = arith.constant 128 : i32
    %scan3A_2 = arith.addi %scan3A, %scan3A_1 : i32
    %scan3A_3 = arith.constant 1 : i32
    scf.for %scan3A_22 = %scan3A to %scan3A_2 step %scan3A_3  : i32 {
      %mul3A_23 = arith.constant 1 : i32
      %mul3A_24 = arith.muli %scan3A_22, %mul3A_23 : i32
      %add3A_25 = arith.constant 0 : i32
      %add3A_26 = arith.addi %add3A_25, %mul3A_24 : i32
      %scan3A_27 = arith.constant 0 : i32
      %scan3A_28 = arith.constant 8 : i32
      %scan3A_29 = arith.addi %scan3A_27, %scan3A_28 : i32
      %scan3A_30 = arith.constant 1 : i32
      scf.for %scan3A_32 = %scan3A_27 to %scan3A_29 step %scan3A_30  : i32 {
        %mul3A_33 = arith.constant 1 : i32
        %mul3A_34 = arith.muli %scan3A_32, %mul3A_33 : i32
        %add3A_35 = arith.constant 0 : i32
        %add3A_36 = arith.addi %add3A_35, %mul3A_34 : i32
        %broadcast_in_dim3A = arith.constant 0.000000e+00 : f32
        %broadcast_in_dim3A_37 = vector.broadcast %broadcast_in_dim3A : f32 to vector<16xf32>
        %mul3A_38 = arith.constant 16 : i32
        %mul3A_39 = arith.muli %add3A_36, %mul3A_38 : i32
        %swap3A = arith.index_cast %add3A_26 : i32 to index
        %swap3A_40 = arith.index_cast %mul3A_39 : i32 to index
        %swap3A_41 = tpu.vector_load %arg9[%swap3A, %swap3A_40] {strides = array<i32>} : memref<128x128xf32, #tpu.memory_space<vmem>>, vector<16xf32>,
        tpu.vector_store %arg9[%swap3A, %swap3A_40], %broadcast_in_dim3A_37 {strides = array<i32>} : memref<128x128xf32, #tpu.memory_space<vmem>>, vector<16xf32>,
      }
      %scan3A_31 = arith.constant 8 : i32
    }
    %scan3A_4 = arith.constant 128 : i32
    %scan3A_5 = arith.constant 0 : i32
    %scan3A_6 = arith.constant 5 : i32
    %scan3A_7 = arith.addi %scan3A_5, %scan3A_6 : i32
    %scan3A_8 = arith.constant 1 : i32
    scf.for %scan3A_22 = %scan3A_5 to %scan3A_7 step %scan3A_8  : i32 {
      %mul3A_23 = arith.constant 1 : i32
      %mul3A_24 = arith.muli %scan3A_22, %mul3A_23 : i32
      %add3A_25 = arith.constant 0 : i32
      %add3A_26 = arith.addi %add3A_25, %mul3A_24 : i32
      %mul3A_27 = arith.constant 640 : i32
      %mul3A_28 = arith.muli %arg1, %mul3A_27 : i32
      %mul3A_29 = arith.constant 128 : i32
      %mul3A_30 = arith.muli %add3A_26, %mul3A_29 : i32
      %add3A_31 = arith.addi %mul3A_28, %mul3A_30 : i32
      "tpu.region"() ({
        %run_scoped3A = tpu.sem_alloc : memref<!tpu.dma_semaphore, #tpu.memory_space<semaphore_mem>>
        %dma_start3A = arith.constant 0 : i32
        %dma_start3A_32 = tpu.memref_slice %arg6[%add3A_31, %dma_start3A] : memref<10240x128xf32, #tpu.memory_space<vmem_shared>> -> memref<128x128xf32, #tpu.memory_space<vmem_shared>>
        %dma_start3A_33 = arith.constant 0 : i32
        %dma_start3A_34 = tpu.memref_slice %arg6[%add3A_31, %dma_start3A_33] : memref<10240x128xf32, #tpu.memory_space<vmem_shared>> -> memref<128x128xf32, #tpu.memory_space<vmem_shared>>
        tpu.enqueue_dma source(%arg9 : memref<128x128xf32, #tpu.memory_space<vmem>>) target(%dma_start3A_34 : memref<128x128xf32, #tpu.memory_space<vmem_shared>>) target_semaphore(%run_scoped3A : memref<!tpu.dma_semaphore, #tpu.memory_space<semaphore_mem>>)
        %dma_wait3A = arith.constant 0 : i32
        %dma_wait3A_35 = tpu.memref_slice %arg6[%add3A_31, %dma_wait3A] : memref<10240x128xf32, #tpu.memory_space<vmem_shared>> -> memref<128x128xf32, #tpu.memory_space<vmem_shared>>
        %dma_wait3A_36 = arith.constant 0 : i32
        %dma_wait3A_37 = tpu.memref_slice %arg6[%add3A_31, %dma_wait3A_36] : memref<10240x128xf32, #tpu.memory_space<vmem_shared>> -> memref<128x128xf32, #tpu.memory_space<vmem_shared>>
        tpu.wait_dma2 semaphore(%run_scoped3A : memref<!tpu.dma_semaphore, #tpu.memory_space<semaphore_mem>>) src(%arg9 : memref<128x128xf32, #tpu.memory_space<vmem>>) dst(%dma_wait3A_37 : memref<128x128xf32, #tpu.memory_space<vmem_shared>>)
        tpu.yield
      }) : () -> ()
    }
    %scan3A_9 = arith.constant 5 : i32
    %barrier3A = arith.constant 0 : index
    tpu.barrier barrier_id(%barrier3A)
    %eq3A = arith.constant 0 : i32
    %eq3A_10 = arith.cmpi eq, %arg0, %eq3A : i32
    %convert_element_type3A = arith.extui %eq3A_10 : i1 to i32
    %cond3A = arith.constant 0 : i32
    %cond3A_11 = arith.cmpi ne, %convert_element_type3A, %cond3A : i32
    scf.if %cond3A_11 {
      %scan3A_22 = arith.constant 0 : i32
      %scan3A_23 = arith.constant 8 : i32
      %scan3A_24 = arith.addi %scan3A_22, %scan3A_23 : i32
      %scan3A_25 = arith.constant 1 : i32
      scf.for %scan3A_27 = %scan3A_22 to %scan3A_24 step %scan3A_25  : i32 {
        %mul3A_28 = arith.constant 1 : i32
        %mul3A_29 = arith.muli %scan3A_27, %mul3A_28 : i32
        %add3A_30 = arith.constant 0 : i32
        %add3A_31 = arith.addi %add3A_30, %mul3A_29 : i32
        %mul3A_32 = arith.constant 8 : i32
        %mul3A_33 = arith.muli %arg1, %mul3A_32 : i32
        %add3A_34 = arith.addi %mul3A_33, %add3A_31 : i32
        "tpu.region"() ({
          %run_scoped3A = tpu.sem_alloc : memref<!tpu.dma_semaphore, #tpu.memory_space<semaphore_mem>>
          %dma_start3A_46 = arith.constant 0 : i32
          %dma_start3A_47 = arith.constant 0 : i32
          %dma_start3A_48 = tpu.memref_slice %arg3[%add3A_34, %dma_start3A_46, %dma_start3A_47] : memref<160x16x128xi32, #tpu.memory_space<hbm>> -> memref<1x16x128xi32, #tpu.memory_space<hbm>>
          %dma_start3A_49 = tpu.memref_squeeze %dma_start3A_48 : memref<1x16x128xi32, #tpu.memory_space<hbm>> -> memref<16x128xi32, #tpu.memory_space<hbm>>
          %dma_start3A_50 = arith.constant 0 : i32
          %dma_start3A_51 = arith.constant 0 : i32
          %dma_start3A_52 = tpu.memref_slice %arg3[%add3A_34, %dma_start3A_50, %dma_start3A_51] : memref<160x16x128xi32, #tpu.memory_space<hbm>> -> memref<1x16x128xi32, #tpu.memory_space<hbm>>
          %dma_start3A_53 = tpu.memref_squeeze %dma_start3A_52 : memref<1x16x128xi32, #tpu.memory_space<hbm>> -> memref<16x128xi32, #tpu.memory_space<hbm>>
          tpu.enqueue_dma source(%dma_start3A_53 : memref<16x128xi32, #tpu.memory_space<hbm>>) target(%arg7 : memref<16x128xi32, #tpu.memory_space<vmem>>) target_semaphore(%run_scoped3A : memref<!tpu.dma_semaphore, #tpu.memory_space<semaphore_mem>>)
          %dma_wait3A = arith.constant 0 : i32
          %dma_wait3A_54 = arith.constant 0 : i32
          %dma_wait3A_55 = tpu.memref_slice %arg3[%add3A_34, %dma_wait3A, %dma_wait3A_54] : memref<160x16x128xi32, #tpu.memory_space<hbm>> -> memref<1x16x128xi32, #tpu.memory_space<hbm>>
          %dma_wait3A_56 = tpu.memref_squeeze %dma_wait3A_55 : memref<1x16x128xi32, #tpu.memory_space<hbm>> -> memref<16x128xi32, #tpu.memory_space<hbm>>
          %dma_wait3A_57 = arith.constant 0 : i32
          %dma_wait3A_58 = arith.constant 0 : i32
          %dma_wait3A_59 = tpu.memref_slice %arg3[%add3A_34, %dma_wait3A_57, %dma_wait3A_58] : memref<160x16x128xi32, #tpu.memory_space<hbm>> -> memref<1x16x128xi32, #tpu.memory_space<hbm>>
          %dma_wait3A_60 = tpu.memref_squeeze %dma_wait3A_59 : memref<1x16x128xi32, #tpu.memory_space<hbm>> -> memref<16x128xi32, #tpu.memory_space<hbm>>
          tpu.wait_dma2 semaphore(%run_scoped3A : memref<!tpu.dma_semaphore, #tpu.memory_space<semaphore_mem>>) src(%dma_wait3A_60 : memref<16x128xi32, #tpu.memory_space<hbm>>) dst(%arg7 : memref<16x128xi32, #tpu.memory_space<vmem>>)
          tpu.yield
        }) : () -> ()
        "tpu.region"() ({
          %run_scoped3A = tpu.sem_alloc : memref<!tpu.dma_semaphore, #tpu.memory_space<semaphore_mem>>
          %dma_start3A_46 = arith.constant 0 : i32
          %dma_start3A_47 = arith.constant 0 : i32
          %dma_start3A_48 = tpu.memref_slice %arg4[%add3A_34, %dma_start3A_46, %dma_start3A_47] : memref<160x16x128xi32, #tpu.memory_space<hbm>> -> memref<1x16x128xi32, #tpu.memory_space<hbm>>
          %dma_start3A_49 = tpu.memref_squeeze %dma_start3A_48 : memref<1x16x128xi32, #tpu.memory_space<hbm>> -> memref<16x128xi32, #tpu.memory_space<hbm>>
          %dma_start3A_50 = arith.constant 0 : i32
          %dma_start3A_51 = arith.constant 0 : i32
          %dma_start3A_52 = tpu.memref_slice %arg4[%add3A_34, %dma_start3A_50, %dma_start3A_51] : memref<160x16x128xi32, #tpu.memory_space<hbm>> -> memref<1x16x128xi32, #tpu.memory_space<hbm>>
          %dma_start3A_53 = tpu.memref_squeeze %dma_start3A_52 : memref<1x16x128xi32, #tpu.memory_space<hbm>> -> memref<16x128xi32, #tpu.memory_space<hbm>>
          tpu.enqueue_dma source(%dma_start3A_53 : memref<16x128xi32, #tpu.memory_space<hbm>>) target(%arg8 : memref<16x128xi32, #tpu.memory_space<vmem>>) target_semaphore(%run_scoped3A : memref<!tpu.dma_semaphore, #tpu.memory_space<semaphore_mem>>)
          %dma_wait3A = arith.constant 0 : i32
          %dma_wait3A_54 = arith.constant 0 : i32
          %dma_wait3A_55 = tpu.memref_slice %arg4[%add3A_34, %dma_wait3A, %dma_wait3A_54] : memref<160x16x128xi32, #tpu.memory_space<hbm>> -> memref<1x16x128xi32, #tpu.memory_space<hbm>>
          %dma_wait3A_56 = tpu.memref_squeeze %dma_wait3A_55 : memref<1x16x128xi32, #tpu.memory_space<hbm>> -> memref<16x128xi32, #tpu.memory_space<hbm>>
          %dma_wait3A_57 = arith.constant 0 : i32
          %dma_wait3A_58 = arith.constant 0 : i32
          %dma_wait3A_59 = tpu.memref_slice %arg4[%add3A_34, %dma_wait3A_57, %dma_wait3A_58] : memref<160x16x128xi32, #tpu.memory_space<hbm>> -> memref<1x16x128xi32, #tpu.memory_space<hbm>>
          %dma_wait3A_60 = tpu.memref_squeeze %dma_wait3A_59 : memref<1x16x128xi32, #tpu.memory_space<hbm>> -> memref<16x128xi32, #tpu.memory_space<hbm>>
          tpu.wait_dma2 semaphore(%run_scoped3A : memref<!tpu.dma_semaphore, #tpu.memory_space<semaphore_mem>>) src(%dma_wait3A_60 : memref<16x128xi32, #tpu.memory_space<hbm>>) dst(%arg8 : memref<16x128xi32, #tpu.memory_space<vmem>>)
          tpu.yield
        }) : () -> ()
        %dma_start3A = arith.constant 0 : i32
        %dma_start3A_35 = arith.constant 0 : i32
        %dma_start3A_36 = tpu.memref_slice %arg7[%dma_start3A, %dma_start3A_35] : memref<16x128xi32, #tpu.memory_space<vmem>> -> memref<1x128xi32, #tpu.memory_space<vmem>>
        %dma_start3A_37 = tpu.memref_squeeze %dma_start3A_36 : memref<1x128xi32, #tpu.memory_space<vmem>> -> memref<128xi32, #tpu.memory_space<vmem>>
        %dma_start3A_38 = arith.constant 0 : i32
        %dma_start3A_39 = arith.constant 0 : i32
        %dma_start3A_40 = tpu.memref_slice %arg2[%dma_start3A_38, %dma_start3A_39] : memref<10240x128xf32, #tpu.memory_space<hbm>> -> memref<10240x128xf32, #tpu.memory_space<hbm>>
        tpu.enqueue_indirect_dma source(%dma_start3A_40 : memref<10240x128xf32, #tpu.memory_space<hbm>>) target(%arg9 : memref<128x128xf32, #tpu.memory_space<vmem>>) offsets(%dma_start3A_37 : memref<128xi32, #tpu.memory_space<vmem>>) semaphore(%arg11 : memref<!tpu.dma_semaphore, #tpu.memory_space<semaphore_mem>>)
        %scan3A_41 = arith.constant 0 : i32
        %scan3A_42 = arith.constant 8 : i32
        %scan3A_43 = arith.addi %scan3A_41, %scan3A_42 : i32
        %scan3A_44 = arith.constant 1 : i32
        scf.for %scan3A_46 = %scan3A_41 to %scan3A_43 step %scan3A_44  : i32 {
          %mul3A_47 = arith.constant 1 : i32
          %mul3A_48 = arith.muli %scan3A_46, %mul3A_47 : i32
          %add3A_49 = arith.constant 0 : i32
          %add3A_50 = arith.addi %add3A_49, %mul3A_48 : i32
          %mul3A_51 = arith.constant 2 : i32
          %mul3A_52 = arith.muli %mul3A_51, %add3A_50 : i32
          %add3A_53 = arith.constant 1 : i32
          %add3A_54 = arith.addi %mul3A_52, %add3A_53 : i32
          %dma_start3A_55 = arith.constant 0 : i32
          %dma_start3A_56 = tpu.memref_slice %arg7[%add3A_54, %dma_start3A_55] : memref<16x128xi32, #tpu.memory_space<vmem>> -> memref<1x128xi32, #tpu.memory_space<vmem>>
          %dma_start3A_57 = tpu.memref_squeeze %dma_start3A_56 : memref<1x128xi32, #tpu.memory_space<vmem>> -> memref<128xi32, #tpu.memory_space<vmem>>
          %dma_start3A_58 = arith.constant 0 : i32
          %dma_start3A_59 = arith.constant 0 : i32
          %dma_start3A_60 = tpu.memref_slice %arg2[%dma_start3A_58, %dma_start3A_59] : memref<10240x128xf32, #tpu.memory_space<hbm>> -> memref<10240x128xf32, #tpu.memory_space<hbm>>
          tpu.enqueue_indirect_dma source(%dma_start3A_60 : memref<10240x128xf32, #tpu.memory_space<hbm>>) target(%arg10 : memref<128x128xf32, #tpu.memory_space<vmem>>) offsets(%dma_start3A_57 : memref<128xi32, #tpu.memory_space<vmem>>) semaphore(%arg12 : memref<!tpu.dma_semaphore, #tpu.memory_space<semaphore_mem>>)
          %dma_wait3A = arith.constant 0 : i32
          %dma_wait3A_61 = tpu.memref_slice %arg7[%mul3A_52, %dma_wait3A] : memref<16x128xi32, #tpu.memory_space<vmem>> -> memref<1x128xi32, #tpu.memory_space<vmem>>
          %dma_wait3A_62 = tpu.memref_squeeze %dma_wait3A_61 : memref<1x128xi32, #tpu.memory_space<vmem>> -> memref<128xi32, #tpu.memory_space<vmem>>
          %dma_wait3A_63 = arith.constant 0 : i32
          %dma_wait3A_64 = arith.constant 0 : i32
          %dma_wait3A_65 = tpu.memref_slice %arg2[%dma_wait3A_63, %dma_wait3A_64] : memref<10240x128xf32, #tpu.memory_space<hbm>> -> memref<10240x128xf32, #tpu.memory_space<hbm>>
          tpu.wait_indirect_dma semaphore(%arg11 : memref<!tpu.dma_semaphore, #tpu.memory_space<semaphore_mem>>) src(%dma_wait3A_65 : memref<10240x128xf32, #tpu.memory_space<hbm>>) dst(%arg9 : memref<128x128xf32, #tpu.memory_space<vmem>>)
          "tpu.region"() ({
            %run_scoped3A = tpu.sem_alloc : memref<!tpu.dma_semaphore, #tpu.memory_space<semaphore_mem>>
            %dma_start3A_80 = arith.constant 0 : i32
            %dma_start3A_81 = tpu.memref_slice %arg8[%mul3A_52, %dma_start3A_80] : memref<16x128xi32, #tpu.memory_space<vmem>> -> memref<1x128xi32, #tpu.memory_space<vmem>>
            %dma_start3A_82 = tpu.memref_squeeze %dma_start3A_81 : memref<1x128xi32, #tpu.memory_space<vmem>> -> memref<128xi32, #tpu.memory_space<vmem>>
            %dma_start3A_83 = arith.constant 0 : i32
            %dma_start3A_84 = arith.constant 0 : i32
            %dma_start3A_85 = tpu.memref_slice %arg6[%dma_start3A_83, %dma_start3A_84] : memref<10240x128xf32, #tpu.memory_space<vmem_shared>> -> memref<10240x128xf32, #tpu.memory_space<vmem_shared>>
            tpu.enqueue_indirect_dma source(%arg9 : memref<128x128xf32, #tpu.memory_space<vmem>>) target(%dma_start3A_85 : memref<10240x128xf32, #tpu.memory_space<vmem_shared>>) offsets(%dma_start3A_82 : memref<128xi32, #tpu.memory_space<vmem>>) semaphore(%run_scoped3A : memref<!tpu.dma_semaphore, #tpu.memory_space<semaphore_mem>>) {add = true}
            %dma_wait3A_86 = arith.constant 0 : i32
            %dma_wait3A_87 = tpu.memref_slice %arg8[%mul3A_52, %dma_wait3A_86] : memref<16x128xi32, #tpu.memory_space<vmem>> -> memref<1x128xi32, #tpu.memory_space<vmem>>
            %dma_wait3A_88 = tpu.memref_squeeze %dma_wait3A_87 : memref<1x128xi32, #tpu.memory_space<vmem>> -> memref<128xi32, #tpu.memory_space<vmem>>
            %dma_wait3A_89 = arith.constant 0 : i32
            %dma_wait3A_90 = arith.constant 0 : i32
            %dma_wait3A_91 = tpu.memref_slice %arg6[%dma_wait3A_89, %dma_wait3A_90] : memref<10240x128xf32, #tpu.memory_space<vmem_shared>> -> memref<10240x128xf32, #tpu.memory_space<vmem_shared>>
            tpu.wait_indirect_dma semaphore(%run_scoped3A : memref<!tpu.dma_semaphore, #tpu.memory_space<semaphore_mem>>) src(%arg9 : memref<128x128xf32, #tpu.memory_space<vmem>>) dst(%dma_wait3A_91 : memref<10240x128xf32, #tpu.memory_space<vmem_shared>>)
            tpu.yield
          }) : () -> ()
          %lt3A = arith.constant 7 : i32
          %lt3A_66 = arith.cmpi slt, %add3A_50, %lt3A : i32
          %convert_element_type3A_67 = arith.extui %lt3A_66 : i1 to i32
          %cond3A_68 = arith.constant 0 : i32
          %cond3A_69 = arith.cmpi ne, %convert_element_type3A_67, %cond3A_68 : i32
          scf.if %cond3A_69 {
            %add3A_80 = arith.constant 2 : i32
            %add3A_81 = arith.addi %mul3A_52, %add3A_80 : i32
            %dma_start3A_82 = arith.constant 0 : i32
            %dma_start3A_83 = tpu.memref_slice %arg7[%add3A_81, %dma_start3A_82] : memref<16x128xi32, #tpu.memory_space<vmem>> -> memref<1x128xi32, #tpu.memory_space<vmem>>
            %dma_start3A_84 = tpu.memref_squeeze %dma_start3A_83 : memref<1x128xi32, #tpu.memory_space<vmem>> -> memref<128xi32, #tpu.memory_space<vmem>>
            %dma_start3A_85 = arith.constant 0 : i32
            %dma_start3A_86 = arith.constant 0 : i32
            %dma_start3A_87 = tpu.memref_slice %arg2[%dma_start3A_85, %dma_start3A_86] : memref<10240x128xf32, #tpu.memory_space<hbm>> -> memref<10240x128xf32, #tpu.memory_space<hbm>>
            tpu.enqueue_indirect_dma source(%dma_start3A_87 : memref<10240x128xf32, #tpu.memory_space<hbm>>) target(%arg9 : memref<128x128xf32, #tpu.memory_space<vmem>>) offsets(%dma_start3A_84 : memref<128xi32, #tpu.memory_space<vmem>>) semaphore(%arg11 : memref<!tpu.dma_semaphore, #tpu.memory_space<semaphore_mem>>)
          } else {
          }
          %add3A_70 = arith.constant 1 : i32
          %add3A_71 = arith.addi %mul3A_52, %add3A_70 : i32
          %dma_wait3A_72 = arith.constant 0 : i32
          %dma_wait3A_73 = tpu.memref_slice %arg7[%add3A_71, %dma_wait3A_72] : memref<16x128xi32, #tpu.memory_space<vmem>> -> memref<1x128xi32, #tpu.memory_space<vmem>>
          %dma_wait3A_74 = tpu.memref_squeeze %dma_wait3A_73 : memref<1x128xi32, #tpu.memory_space<vmem>> -> memref<128xi32, #tpu.memory_space<vmem>>
          %dma_wait3A_75 = arith.constant 0 : i32
          %dma_wait3A_76 = arith.constant 0 : i32
          %dma_wait3A_77 = tpu.memref_slice %arg2[%dma_wait3A_75, %dma_wait3A_76] : memref<10240x128xf32, #tpu.memory_space<hbm>> -> memref<10240x128xf32, #tpu.memory_space<hbm>>
          tpu.wait_indirect_dma semaphore(%arg12 : memref<!tpu.dma_semaphore, #tpu.memory_space<semaphore_mem>>) src(%dma_wait3A_77 : memref<10240x128xf32, #tpu.memory_space<hbm>>) dst(%arg10 : memref<128x128xf32, #tpu.memory_space<vmem>>)
          %add3A_78 = arith.constant 1 : i32
          %add3A_79 = arith.addi %mul3A_52, %add3A_78 : i32
          "tpu.region"() ({
            %run_scoped3A = tpu.sem_alloc : memref<!tpu.dma_semaphore, #tpu.memory_space<semaphore_mem>>
            %dma_start3A_80 = arith.constant 0 : i32
            %dma_start3A_81 = tpu.memref_slice %arg8[%add3A_79, %dma_start3A_80] : memref<16x128xi32, #tpu.memory_space<vmem>> -> memref<1x128xi32, #tpu.memory_space<vmem>>
            %dma_start3A_82 = tpu.memref_squeeze %dma_start3A_81 : memref<1x128xi32, #tpu.memory_space<vmem>> -> memref<128xi32, #tpu.memory_space<vmem>>
            %dma_start3A_83 = arith.constant 0 : i32
            %dma_start3A_84 = arith.constant 0 : i32
            %dma_start3A_85 = tpu.memref_slice %arg6[%dma_start3A_83, %dma_start3A_84] : memref<10240x128xf32, #tpu.memory_space<vmem_shared>> -> memref<10240x128xf32, #tpu.memory_space<vmem_shared>>
            tpu.enqueue_indirect_dma source(%arg10 : memref<128x128xf32, #tpu.memory_space<vmem>>) target(%dma_start3A_85 : memref<10240x128xf32, #tpu.memory_space<vmem_shared>>) offsets(%dma_start3A_82 : memref<128xi32, #tpu.memory_space<vmem>>) semaphore(%run_scoped3A : memref<!tpu.dma_semaphore, #tpu.memory_space<semaphore_mem>>) {add = true}
            %dma_wait3A_86 = arith.constant 0 : i32
            %dma_wait3A_87 = tpu.memref_slice %arg8[%add3A_79, %dma_wait3A_86] : memref<16x128xi32, #tpu.memory_space<vmem>> -> memref<1x128xi32, #tpu.memory_space<vmem>>
            %dma_wait3A_88 = tpu.memref_squeeze %dma_wait3A_87 : memref<1x128xi32, #tpu.memory_space<vmem>> -> memref<128xi32, #tpu.memory_space<vmem>>
            %dma_wait3A_89 = arith.constant 0 : i32
            %dma_wait3A_90 = arith.constant 0 : i32
            %dma_wait3A_91 = tpu.memref_slice %arg6[%dma_wait3A_89, %dma_wait3A_90] : memref<10240x128xf32, #tpu.memory_space<vmem_shared>> -> memref<10240x128xf32, #tpu.memory_space<vmem_shared>>
            tpu.wait_indirect_dma semaphore(%run_scoped3A : memref<!tpu.dma_semaphore, #tpu.memory_space<semaphore_mem>>) src(%arg10 : memref<128x128xf32, #tpu.memory_space<vmem>>) dst(%dma_wait3A_91 : memref<10240x128xf32, #tpu.memory_space<vmem_shared>>)
            tpu.yield
          }) : () -> ()
        }
        %scan3A_45 = arith.constant 8 : i32
      }
      %scan3A_26 = arith.constant 8 : i32
    } else {
    }
    %eq3A_12 = arith.constant 1 : i32
    %eq3A_13 = arith.cmpi eq, %arg0, %eq3A_12 : i32
    %convert_element_type3A_14 = arith.extui %eq3A_13 : i1 to i32
    %cond3A_15 = arith.constant 0 : i32
    %cond3A_16 = arith.cmpi ne, %convert_element_type3A_14, %cond3A_15 : i32
    scf.if %cond3A_16 {
      %scan3A_22 = arith.constant 0 : i32
      %scan3A_23 = arith.constant 2 : i32
      %scan3A_24 = arith.addi %scan3A_22, %scan3A_23 : i32
      %scan3A_25 = arith.constant 1 : i32
      scf.for %scan3A_27 = %scan3A_22 to %scan3A_24 step %scan3A_25  : i32 {
        %mul3A_28 = arith.constant 1 : i32
        %mul3A_29 = arith.muli %scan3A_27, %mul3A_28 : i32
        %add3A_30 = arith.constant 0 : i32
        %add3A_31 = arith.addi %add3A_30, %mul3A_29 : i32
        %mul3A_32 = arith.constant 2 : i32
        %mul3A_33 = arith.muli %arg1, %mul3A_32 : i32
        %add3A_34 = arith.constant 128 : i32
        %add3A_35 = arith.addi %add3A_34, %mul3A_33 : i32
        %add3A_36 = arith.addi %add3A_35, %add3A_31 : i32
        "tpu.region"() ({
          %run_scoped3A = tpu.sem_alloc : memref<!tpu.dma_semaphore, #tpu.memory_space<semaphore_mem>>
          %dma_start3A_48 = arith.constant 0 : i32
          %dma_start3A_49 = arith.constant 0 : i32
          %dma_start3A_50 = tpu.memref_slice %arg3[%add3A_36, %dma_start3A_48, %dma_start3A_49] : memref<160x16x128xi32, #tpu.memory_space<hbm>> -> memref<1x16x128xi32, #tpu.memory_space<hbm>>
          %dma_start3A_51 = tpu.memref_squeeze %dma_start3A_50 : memref<1x16x128xi32, #tpu.memory_space<hbm>> -> memref<16x128xi32, #tpu.memory_space<hbm>>
          %dma_start3A_52 = arith.constant 0 : i32
          %dma_start3A_53 = arith.constant 0 : i32
          %dma_start3A_54 = tpu.memref_slice %arg3[%add3A_36, %dma_start3A_52, %dma_start3A_53] : memref<160x16x128xi32, #tpu.memory_space<hbm>> -> memref<1x16x128xi32, #tpu.memory_space<hbm>>
          %dma_start3A_55 = tpu.memref_squeeze %dma_start3A_54 : memref<1x16x128xi32, #tpu.memory_space<hbm>> -> memref<16x128xi32, #tpu.memory_space<hbm>>
          tpu.enqueue_dma source(%dma_start3A_55 : memref<16x128xi32, #tpu.memory_space<hbm>>) target(%arg7 : memref<16x128xi32, #tpu.memory_space<vmem>>) target_semaphore(%run_scoped3A : memref<!tpu.dma_semaphore, #tpu.memory_space<semaphore_mem>>)
          %dma_wait3A = arith.constant 0 : i32
          %dma_wait3A_56 = arith.constant 0 : i32
          %dma_wait3A_57 = tpu.memref_slice %arg3[%add3A_36, %dma_wait3A, %dma_wait3A_56] : memref<160x16x128xi32, #tpu.memory_space<hbm>> -> memref<1x16x128xi32, #tpu.memory_space<hbm>>
          %dma_wait3A_58 = tpu.memref_squeeze %dma_wait3A_57 : memref<1x16x128xi32, #tpu.memory_space<hbm>> -> memref<16x128xi32, #tpu.memory_space<hbm>>
          %dma_wait3A_59 = arith.constant 0 : i32
          %dma_wait3A_60 = arith.constant 0 : i32
          %dma_wait3A_61 = tpu.memref_slice %arg3[%add3A_36, %dma_wait3A_59, %dma_wait3A_60] : memref<160x16x128xi32, #tpu.memory_space<hbm>> -> memref<1x16x128xi32, #tpu.memory_space<hbm>>
          %dma_wait3A_62 = tpu.memref_squeeze %dma_wait3A_61 : memref<1x16x128xi32, #tpu.memory_space<hbm>> -> memref<16x128xi32, #tpu.memory_space<hbm>>
          tpu.wait_dma2 semaphore(%run_scoped3A : memref<!tpu.dma_semaphore, #tpu.memory_space<semaphore_mem>>) src(%dma_wait3A_62 : memref<16x128xi32, #tpu.memory_space<hbm>>) dst(%arg7 : memref<16x128xi32, #tpu.memory_space<vmem>>)
          tpu.yield
        }) : () -> ()
        "tpu.region"() ({
          %run_scoped3A = tpu.sem_alloc : memref<!tpu.dma_semaphore, #tpu.memory_space<semaphore_mem>>
          %dma_start3A_48 = arith.constant 0 : i32
          %dma_start3A_49 = arith.constant 0 : i32
          %dma_start3A_50 = tpu.memref_slice %arg4[%add3A_36, %dma_start3A_48, %dma_start3A_49] : memref<160x16x128xi32, #tpu.memory_space<hbm>> -> memref<1x16x128xi32, #tpu.memory_space<hbm>>
          %dma_start3A_51 = tpu.memref_squeeze %dma_start3A_50 : memref<1x16x128xi32, #tpu.memory_space<hbm>> -> memref<16x128xi32, #tpu.memory_space<hbm>>
          %dma_start3A_52 = arith.constant 0 : i32
          %dma_start3A_53 = arith.constant 0 : i32
          %dma_start3A_54 = tpu.memref_slice %arg4[%add3A_36, %dma_start3A_52, %dma_start3A_53] : memref<160x16x128xi32, #tpu.memory_space<hbm>> -> memref<1x16x128xi32, #tpu.memory_space<hbm>>
          %dma_start3A_55 = tpu.memref_squeeze %dma_start3A_54 : memref<1x16x128xi32, #tpu.memory_space<hbm>> -> memref<16x128xi32, #tpu.memory_space<hbm>>
          tpu.enqueue_dma source(%dma_start3A_55 : memref<16x128xi32, #tpu.memory_space<hbm>>) target(%arg8 : memref<16x128xi32, #tpu.memory_space<vmem>>) target_semaphore(%run_scoped3A : memref<!tpu.dma_semaphore, #tpu.memory_space<semaphore_mem>>)
          %dma_wait3A = arith.constant 0 : i32
          %dma_wait3A_56 = arith.constant 0 : i32
          %dma_wait3A_57 = tpu.memref_slice %arg4[%add3A_36, %dma_wait3A, %dma_wait3A_56] : memref<160x16x128xi32, #tpu.memory_space<hbm>> -> memref<1x16x128xi32, #tpu.memory_space<hbm>>
          %dma_wait3A_58 = tpu.memref_squeeze %dma_wait3A_57 : memref<1x16x128xi32, #tpu.memory_space<hbm>> -> memref<16x128xi32, #tpu.memory_space<hbm>>
          %dma_wait3A_59 = arith.constant 0 : i32
          %dma_wait3A_60 = arith.constant 0 : i32
          %dma_wait3A_61 = tpu.memref_slice %arg4[%add3A_36, %dma_wait3A_59, %dma_wait3A_60] : memref<160x16x128xi32, #tpu.memory_space<hbm>> -> memref<1x16x128xi32, #tpu.memory_space<hbm>>
          %dma_wait3A_62 = tpu.memref_squeeze %dma_wait3A_61 : memref<1x16x128xi32, #tpu.memory_space<hbm>> -> memref<16x128xi32, #tpu.memory_space<hbm>>
          tpu.wait_dma2 semaphore(%run_scoped3A : memref<!tpu.dma_semaphore, #tpu.memory_space<semaphore_mem>>) src(%dma_wait3A_62 : memref<16x128xi32, #tpu.memory_space<hbm>>) dst(%arg8 : memref<16x128xi32, #tpu.memory_space<vmem>>)
          tpu.yield
        }) : () -> ()
        %dma_start3A = arith.constant 0 : i32
        %dma_start3A_37 = arith.constant 0 : i32
        %dma_start3A_38 = tpu.memref_slice %arg7[%dma_start3A, %dma_start3A_37] : memref<16x128xi32, #tpu.memory_space<vmem>> -> memref<1x128xi32, #tpu.memory_space<vmem>>
        %dma_start3A_39 = tpu.memref_squeeze %dma_start3A_38 : memref<1x128xi32, #tpu.memory_space<vmem>> -> memref<128xi32, #tpu.memory_space<vmem>>
        %dma_start3A_40 = arith.constant 0 : i32
        %dma_start3A_41 = arith.constant 0 : i32
        %dma_start3A_42 = tpu.memref_slice %arg2[%dma_start3A_40, %dma_start3A_41] : memref<10240x128xf32, #tpu.memory_space<hbm>> -> memref<10240x128xf32, #tpu.memory_space<hbm>>
        tpu.enqueue_indirect_dma source(%dma_start3A_42 : memref<10240x128xf32, #tpu.memory_space<hbm>>) target(%arg9 : memref<128x128xf32, #tpu.memory_space<vmem>>) offsets(%dma_start3A_39 : memref<128xi32, #tpu.memory_space<vmem>>) semaphore(%arg11 : memref<!tpu.dma_semaphore, #tpu.memory_space<semaphore_mem>>)
        %scan3A_43 = arith.constant 0 : i32
        %scan3A_44 = arith.constant 8 : i32
        %scan3A_45 = arith.addi %scan3A_43, %scan3A_44 : i32
        %scan3A_46 = arith.constant 1 : i32
        scf.for %scan3A_48 = %scan3A_43 to %scan3A_45 step %scan3A_46  : i32 {
          %mul3A_49 = arith.constant 1 : i32
          %mul3A_50 = arith.muli %scan3A_48, %mul3A_49 : i32
          %add3A_51 = arith.constant 0 : i32
          %add3A_52 = arith.addi %add3A_51, %mul3A_50 : i32
          %mul3A_53 = arith.constant 2 : i32
          %mul3A_54 = arith.muli %mul3A_53, %add3A_52 : i32
          %add3A_55 = arith.constant 1 : i32
          %add3A_56 = arith.addi %mul3A_54, %add3A_55 : i32
          %dma_start3A_57 = arith.constant 0 : i32
          %dma_start3A_58 = tpu.memref_slice %arg7[%add3A_56, %dma_start3A_57] : memref<16x128xi32, #tpu.memory_space<vmem>> -> memref<1x128xi32, #tpu.memory_space<vmem>>
          %dma_start3A_59 = tpu.memref_squeeze %dma_start3A_58 : memref<1x128xi32, #tpu.memory_space<vmem>> -> memref<128xi32, #tpu.memory_space<vmem>>
          %dma_start3A_60 = arith.constant 0 : i32
          %dma_start3A_61 = arith.constant 0 : i32
          %dma_start3A_62 = tpu.memref_slice %arg2[%dma_start3A_60, %dma_start3A_61] : memref<10240x128xf32, #tpu.memory_space<hbm>> -> memref<10240x128xf32, #tpu.memory_space<hbm>>
          tpu.enqueue_indirect_dma source(%dma_start3A_62 : memref<10240x128xf32, #tpu.memory_space<hbm>>) target(%arg10 : memref<128x128xf32, #tpu.memory_space<vmem>>) offsets(%dma_start3A_59 : memref<128xi32, #tpu.memory_space<vmem>>) semaphore(%arg12 : memref<!tpu.dma_semaphore, #tpu.memory_space<semaphore_mem>>)
          %dma_wait3A = arith.constant 0 : i32
          %dma_wait3A_63 = tpu.memref_slice %arg7[%mul3A_54, %dma_wait3A] : memref<16x128xi32, #tpu.memory_space<vmem>> -> memref<1x128xi32, #tpu.memory_space<vmem>>
          %dma_wait3A_64 = tpu.memref_squeeze %dma_wait3A_63 : memref<1x128xi32, #tpu.memory_space<vmem>> -> memref<128xi32, #tpu.memory_space<vmem>>
          %dma_wait3A_65 = arith.constant 0 : i32
          %dma_wait3A_66 = arith.constant 0 : i32
          %dma_wait3A_67 = tpu.memref_slice %arg2[%dma_wait3A_65, %dma_wait3A_66] : memref<10240x128xf32, #tpu.memory_space<hbm>> -> memref<10240x128xf32, #tpu.memory_space<hbm>>
          tpu.wait_indirect_dma semaphore(%arg11 : memref<!tpu.dma_semaphore, #tpu.memory_space<semaphore_mem>>) src(%dma_wait3A_67 : memref<10240x128xf32, #tpu.memory_space<hbm>>) dst(%arg9 : memref<128x128xf32, #tpu.memory_space<vmem>>)
          "tpu.region"() ({
            %run_scoped3A = tpu.sem_alloc : memref<!tpu.dma_semaphore, #tpu.memory_space<semaphore_mem>>
            %dma_start3A_82 = arith.constant 0 : i32
            %dma_start3A_83 = tpu.memref_slice %arg8[%mul3A_54, %dma_start3A_82] : memref<16x128xi32, #tpu.memory_space<vmem>> -> memref<1x128xi32, #tpu.memory_space<vmem>>
            %dma_start3A_84 = tpu.memref_squeeze %dma_start3A_83 : memref<1x128xi32, #tpu.memory_space<vmem>> -> memref<128xi32, #tpu.memory_space<vmem>>
            %dma_start3A_85 = arith.constant 0 : i32
            %dma_start3A_86 = arith.constant 0 : i32
            %dma_start3A_87 = tpu.memref_slice %arg6[%dma_start3A_85, %dma_start3A_86] : memref<10240x128xf32, #tpu.memory_space<vmem_shared>> -> memref<10240x128xf32, #tpu.memory_space<vmem_shared>>
            tpu.enqueue_indirect_dma source(%arg9 : memref<128x128xf32, #tpu.memory_space<vmem>>) target(%dma_start3A_87 : memref<10240x128xf32, #tpu.memory_space<vmem_shared>>) offsets(%dma_start3A_84 : memref<128xi32, #tpu.memory_space<vmem>>) semaphore(%run_scoped3A : memref<!tpu.dma_semaphore, #tpu.memory_space<semaphore_mem>>) {add = true}
            %dma_wait3A_88 = arith.constant 0 : i32
            %dma_wait3A_89 = tpu.memref_slice %arg8[%mul3A_54, %dma_wait3A_88] : memref<16x128xi32, #tpu.memory_space<vmem>> -> memref<1x128xi32, #tpu.memory_space<vmem>>
            %dma_wait3A_90 = tpu.memref_squeeze %dma_wait3A_89 : memref<1x128xi32, #tpu.memory_space<vmem>> -> memref<128xi32, #tpu.memory_space<vmem>>
            %dma_wait3A_91 = arith.constant 0 : i32
            %dma_wait3A_92 = arith.constant 0 : i32
            %dma_wait3A_93 = tpu.memref_slice %arg6[%dma_wait3A_91, %dma_wait3A_92] : memref<10240x128xf32, #tpu.memory_space<vmem_shared>> -> memref<10240x128xf32, #tpu.memory_space<vmem_shared>>
            tpu.wait_indirect_dma semaphore(%run_scoped3A : memref<!tpu.dma_semaphore, #tpu.memory_space<semaphore_mem>>) src(%arg9 : memref<128x128xf32, #tpu.memory_space<vmem>>) dst(%dma_wait3A_93 : memref<10240x128xf32, #tpu.memory_space<vmem_shared>>)
            tpu.yield
          }) : () -> ()
          %lt3A = arith.constant 7 : i32
          %lt3A_68 = arith.cmpi slt, %add3A_52, %lt3A : i32
          %convert_element_type3A_69 = arith.extui %lt3A_68 : i1 to i32
          %cond3A_70 = arith.constant 0 : i32
          %cond3A_71 = arith.cmpi ne, %convert_element_type3A_69, %cond3A_70 : i32
          scf.if %cond3A_71 {
            %add3A_82 = arith.constant 2 : i32
            %add3A_83 = arith.addi %mul3A_54, %add3A_82 : i32
            %dma_start3A_84 = arith.constant 0 : i32
            %dma_start3A_85 = tpu.memref_slice %arg7[%add3A_83, %dma_start3A_84] : memref<16x128xi32, #tpu.memory_space<vmem>> -> memref<1x128xi32, #tpu.memory_space<vmem>>
            %dma_start3A_86 = tpu.memref_squeeze %dma_start3A_85 : memref<1x128xi32, #tpu.memory_space<vmem>> -> memref<128xi32, #tpu.memory_space<vmem>>
            %dma_start3A_87 = arith.constant 0 : i32
            %dma_start3A_88 = arith.constant 0 : i32
            %dma_start3A_89 = tpu.memref_slice %arg2[%dma_start3A_87, %dma_start3A_88] : memref<10240x128xf32, #tpu.memory_space<hbm>> -> memref<10240x128xf32, #tpu.memory_space<hbm>>
            tpu.enqueue_indirect_dma source(%dma_start3A_89 : memref<10240x128xf32, #tpu.memory_space<hbm>>) target(%arg9 : memref<128x128xf32, #tpu.memory_space<vmem>>) offsets(%dma_start3A_86 : memref<128xi32, #tpu.memory_space<vmem>>) semaphore(%arg11 : memref<!tpu.dma_semaphore, #tpu.memory_space<semaphore_mem>>)
          } else {
          }
          %add3A_72 = arith.constant 1 : i32
          %add3A_73 = arith.addi %mul3A_54, %add3A_72 : i32
          %dma_wait3A_74 = arith.constant 0 : i32
          %dma_wait3A_75 = tpu.memref_slice %arg7[%add3A_73, %dma_wait3A_74] : memref<16x128xi32, #tpu.memory_space<vmem>> -> memref<1x128xi32, #tpu.memory_space<vmem>>
          %dma_wait3A_76 = tpu.memref_squeeze %dma_wait3A_75 : memref<1x128xi32, #tpu.memory_space<vmem>> -> memref<128xi32, #tpu.memory_space<vmem>>
          %dma_wait3A_77 = arith.constant 0 : i32
          %dma_wait3A_78 = arith.constant 0 : i32
          %dma_wait3A_79 = tpu.memref_slice %arg2[%dma_wait3A_77, %dma_wait3A_78] : memref<10240x128xf32, #tpu.memory_space<hbm>> -> memref<10240x128xf32, #tpu.memory_space<hbm>>
          tpu.wait_indirect_dma semaphore(%arg12 : memref<!tpu.dma_semaphore, #tpu.memory_space<semaphore_mem>>) src(%dma_wait3A_79 : memref<10240x128xf32, #tpu.memory_space<hbm>>) dst(%arg10 : memref<128x128xf32, #tpu.memory_space<vmem>>)
          %add3A_80 = arith.constant 1 : i32
          %add3A_81 = arith.addi %mul3A_54, %add3A_80 : i32
          "tpu.region"() ({
            %run_scoped3A = tpu.sem_alloc : memref<!tpu.dma_semaphore, #tpu.memory_space<semaphore_mem>>
            %dma_start3A_82 = arith.constant 0 : i32
            %dma_start3A_83 = tpu.memref_slice %arg8[%add3A_81, %dma_start3A_82] : memref<16x128xi32, #tpu.memory_space<vmem>> -> memref<1x128xi32, #tpu.memory_space<vmem>>
            %dma_start3A_84 = tpu.memref_squeeze %dma_start3A_83 : memref<1x128xi32, #tpu.memory_space<vmem>> -> memref<128xi32, #tpu.memory_space<vmem>>
            %dma_start3A_85 = arith.constant 0 : i32
            %dma_start3A_86 = arith.constant 0 : i32
            %dma_start3A_87 = tpu.memref_slice %arg6[%dma_start3A_85, %dma_start3A_86] : memref<10240x128xf32, #tpu.memory_space<vmem_shared>> -> memref<10240x128xf32, #tpu.memory_space<vmem_shared>>
            tpu.enqueue_indirect_dma source(%arg10 : memref<128x128xf32, #tpu.memory_space<vmem>>) target(%dma_start3A_87 : memref<10240x128xf32, #tpu.memory_space<vmem_shared>>) offsets(%dma_start3A_84 : memref<128xi32, #tpu.memory_space<vmem>>) semaphore(%run_scoped3A : memref<!tpu.dma_semaphore, #tpu.memory_space<semaphore_mem>>) {add = true}
            %dma_wait3A_88 = arith.constant 0 : i32
            %dma_wait3A_89 = tpu.memref_slice %arg8[%add3A_81, %dma_wait3A_88] : memref<16x128xi32, #tpu.memory_space<vmem>> -> memref<1x128xi32, #tpu.memory_space<vmem>>
            %dma_wait3A_90 = tpu.memref_squeeze %dma_wait3A_89 : memref<1x128xi32, #tpu.memory_space<vmem>> -> memref<128xi32, #tpu.memory_space<vmem>>
            %dma_wait3A_91 = arith.constant 0 : i32
            %dma_wait3A_92 = arith.constant 0 : i32
            %dma_wait3A_93 = tpu.memref_slice %arg6[%dma_wait3A_91, %dma_wait3A_92] : memref<10240x128xf32, #tpu.memory_space<vmem_shared>> -> memref<10240x128xf32, #tpu.memory_space<vmem_shared>>
            tpu.wait_indirect_dma semaphore(%run_scoped3A : memref<!tpu.dma_semaphore, #tpu.memory_space<semaphore_mem>>) src(%arg10 : memref<128x128xf32, #tpu.memory_space<vmem>>) dst(%dma_wait3A_93 : memref<10240x128xf32, #tpu.memory_space<vmem_shared>>)
            tpu.yield
          }) : () -> ()
        }
        %scan3A_47 = arith.constant 8 : i32
      }
      %scan3A_26 = arith.constant 2 : i32
    } else {
    }
    %barrier3A_17 = arith.constant 0 : index
    tpu.barrier barrier_id(%barrier3A_17)
    %mul3A_18 = arith.constant 640 : i32
    %mul3A_19 = arith.muli %arg1, %mul3A_18 : i32
    %mul3A_20 = arith.constant 640 : i32
    %mul3A_21 = arith.muli %arg1, %mul3A_20 : i32
    "tpu.region"() ({
      %run_scoped3A = tpu.sem_alloc : memref<!tpu.dma_semaphore, #tpu.memory_space<semaphore_mem>>
      %dma_start3A = arith.constant 0 : i32
      %dma_start3A_22 = tpu.memref_slice %arg5[%arg0, %mul3A_21, %dma_start3A] : memref<2x10240x128xf32, #tpu.memory_space<hbm>> -> memref<1x640x128xf32, #tpu.memory_space<hbm>>
      %dma_start3A_23 = tpu.memref_squeeze %dma_start3A_22 : memref<1x640x128xf32, #tpu.memory_space<hbm>> -> memref<640x128xf32, #tpu.memory_space<hbm>>
      %dma_start3A_24 = arith.constant 0 : i32
      %dma_start3A_25 = tpu.memref_slice %arg6[%mul3A_19, %dma_start3A_24] : memref<10240x128xf32, #tpu.memory_space<vmem_shared>> -> memref<640x128xf32, #tpu.memory_space<vmem_shared>>
      tpu.enqueue_dma source(%dma_start3A_25 : memref<640x128xf32, #tpu.memory_space<vmem_shared>>) target(%dma_start3A_23 : memref<640x128xf32, #tpu.memory_space<hbm>>) target_semaphore(%run_scoped3A : memref<!tpu.dma_semaphore, #tpu.memory_space<semaphore_mem>>)
      %dma_wait3A = arith.constant 0 : i32
      %dma_wait3A_26 = tpu.memref_slice %arg5[%arg0, %mul3A_21, %dma_wait3A] : memref<2x10240x128xf32, #tpu.memory_space<hbm>> -> memref<1x640x128xf32, #tpu.memory_space<hbm>>
      %dma_wait3A_27 = tpu.memref_squeeze %dma_wait3A_26 : memref<1x640x128xf32, #tpu.memory_space<hbm>> -> memref<640x128xf32, #tpu.memory_space<hbm>>
      %dma_wait3A_28 = arith.constant 0 : i32
      %dma_wait3A_29 = tpu.memref_slice %arg6[%mul3A_19, %dma_wait3A_28] : memref<10240x128xf32, #tpu.memory_space<vmem_shared>> -> memref<640x128xf32, #tpu.memory_space<vmem_shared>>
      tpu.wait_dma2 semaphore(%run_scoped3A : memref<!tpu.dma_semaphore, #tpu.memory_space<semaphore_mem>>) src(%dma_wait3A_29 : memref<640x128xf32, #tpu.memory_space<vmem_shared>>) dst(%dma_wait3A_27 : memref<640x128xf32, #tpu.memory_space<hbm>>)
      tpu.yield
    }) : () -> ()
    return
  }
}

#map = affine_map<(d0, d1) -> (0, 0)>
#map1 = affine_map<(d0, d1) -> (0)>
module attributes {stable_mosaic.version = 14 : i64} {
  func.func @_decoder_gather(%arg0: i32, %arg1: i32, %arg2: memref<10240x128xf32, #tpu.memory_space<hbm>>, %arg3: memref<10240x128xf32, #tpu.memory_space<hbm>>, %arg4: memref<102400xi32, #tpu.memory_space<hbm>>, %arg5: memref<102400xi32, #tpu.memory_space<hbm>>, %arg6: memref<102400x128xf32, #tpu.memory_space<hbm>>, %arg7: memref<102400x128xf32, #tpu.memory_space<hbm>>, %arg8: memref<5120xi32, #tpu.memory_space<vmem>>, %arg9: memref<5120xi32, #tpu.memory_space<vmem>>, %arg10: memref<128x128xf32, #tpu.memory_space<vmem>>, %arg11: memref<128x128xf32, #tpu.memory_space<vmem>>, %arg12: memref<!tpu.dma_semaphore, #tpu.memory_space<semaphore_mem>>, %arg13: memref<!tpu.dma_semaphore, #tpu.memory_space<semaphore_mem>>) attributes {dimension_semantics = [#tpu.dimension_semantics<core_parallel>, #tpu.dimension_semantics<subcore_parallel>], iteration_bounds = array<i64: 2, 16>, scalar_prefetch = 0 : i64, scratch_operands = 6 : i64, tpu.core_type = #tpu.core_type<sc_vector_subcore>, window_params = [{transform_indices = #map}, {transform_indices = #map}, {transform_indices = #map1}, {transform_indices = #map1}, {transform_indices = #map}, {transform_indices = #map}]} {
    %eq3A = arith.constant 0 : i32
    %eq3A_0 = arith.cmpi eq, %arg0, %eq3A : i32
    %convert_element_type3A = arith.extui %eq3A_0 : i1 to i32
    %cond3A = arith.constant 0 : i32
    %cond3A_1 = arith.cmpi ne, %convert_element_type3A, %cond3A : i32
    scf.if %cond3A_1 {
      %mul3A = arith.constant 40 : i32
      %mul3A_7 = arith.muli %arg1, %mul3A : i32
      %mul3A_8 = arith.constant 128 : i32
      %mul3A_9 = arith.muli %mul3A_7, %mul3A_8 : i32
      "tpu.region"() ({
        %run_scoped3A = tpu.sem_alloc : memref<!tpu.dma_semaphore, #tpu.memory_space<semaphore_mem>>
        %dma_start3A_23 = arith.constant 0 : i32
        %dma_start3A_24 = tpu.memref_slice %arg8[%dma_start3A_23] : memref<5120xi32, #tpu.memory_space<vmem>> -> memref<5120xi32, #tpu.memory_space<vmem>>
        %dma_start3A_25 = tpu.memref_slice %arg4[%mul3A_9] : memref<102400xi32, #tpu.memory_space<hbm>> -> memref<5120xi32, #tpu.memory_space<hbm>>
        %dma_start3A_26 = arith.constant 0 : i32
        %dma_start3A_27 = tpu.memref_slice %arg8[%dma_start3A_26] : memref<5120xi32, #tpu.memory_space<vmem>> -> memref<5120xi32, #tpu.memory_space<vmem>>
        %dma_start3A_28 = tpu.memref_slice %arg4[%mul3A_9] : memref<102400xi32, #tpu.memory_space<hbm>> -> memref<5120xi32, #tpu.memory_space<hbm>>
        tpu.enqueue_dma source(%dma_start3A_28 : memref<5120xi32, #tpu.memory_space<hbm>>) target(%dma_start3A_27 : memref<5120xi32, #tpu.memory_space<vmem>>) target_semaphore(%run_scoped3A : memref<!tpu.dma_semaphore, #tpu.memory_space<semaphore_mem>>)
        %dma_wait3A = arith.constant 0 : i32
        %dma_wait3A_29 = tpu.memref_slice %arg8[%dma_wait3A] : memref<5120xi32, #tpu.memory_space<vmem>> -> memref<5120xi32, #tpu.memory_space<vmem>>
        %dma_wait3A_30 = tpu.memref_slice %arg4[%mul3A_9] : memref<102400xi32, #tpu.memory_space<hbm>> -> memref<5120xi32, #tpu.memory_space<hbm>>
        %dma_wait3A_31 = arith.constant 0 : i32
        %dma_wait3A_32 = tpu.memref_slice %arg8[%dma_wait3A_31] : memref<5120xi32, #tpu.memory_space<vmem>> -> memref<5120xi32, #tpu.memory_space<vmem>>
        %dma_wait3A_33 = tpu.memref_slice %arg4[%mul3A_9] : memref<102400xi32, #tpu.memory_space<hbm>> -> memref<5120xi32, #tpu.memory_space<hbm>>
        tpu.wait_dma2 semaphore(%run_scoped3A : memref<!tpu.dma_semaphore, #tpu.memory_space<semaphore_mem>>) src(%dma_wait3A_33 : memref<5120xi32, #tpu.memory_space<hbm>>) dst(%dma_wait3A_32 : memref<5120xi32, #tpu.memory_space<vmem>>)
        tpu.yield
      }) : () -> ()
      "tpu.region"() ({
        %run_scoped3A = tpu.sem_alloc : memref<!tpu.dma_semaphore, #tpu.memory_space<semaphore_mem>>
        %dma_start3A_23 = arith.constant 0 : i32
        %dma_start3A_24 = tpu.memref_slice %arg9[%dma_start3A_23] : memref<5120xi32, #tpu.memory_space<vmem>> -> memref<5120xi32, #tpu.memory_space<vmem>>
        %dma_start3A_25 = tpu.memref_slice %arg5[%mul3A_9] : memref<102400xi32, #tpu.memory_space<hbm>> -> memref<5120xi32, #tpu.memory_space<hbm>>
        %dma_start3A_26 = arith.constant 0 : i32
        %dma_start3A_27 = tpu.memref_slice %arg9[%dma_start3A_26] : memref<5120xi32, #tpu.memory_space<vmem>> -> memref<5120xi32, #tpu.memory_space<vmem>>
        %dma_start3A_28 = tpu.memref_slice %arg5[%mul3A_9] : memref<102400xi32, #tpu.memory_space<hbm>> -> memref<5120xi32, #tpu.memory_space<hbm>>
        tpu.enqueue_dma source(%dma_start3A_28 : memref<5120xi32, #tpu.memory_space<hbm>>) target(%dma_start3A_27 : memref<5120xi32, #tpu.memory_space<vmem>>) target_semaphore(%run_scoped3A : memref<!tpu.dma_semaphore, #tpu.memory_space<semaphore_mem>>)
        %dma_wait3A = arith.constant 0 : i32
        %dma_wait3A_29 = tpu.memref_slice %arg9[%dma_wait3A] : memref<5120xi32, #tpu.memory_space<vmem>> -> memref<5120xi32, #tpu.memory_space<vmem>>
        %dma_wait3A_30 = tpu.memref_slice %arg5[%mul3A_9] : memref<102400xi32, #tpu.memory_space<hbm>> -> memref<5120xi32, #tpu.memory_space<hbm>>
        %dma_wait3A_31 = arith.constant 0 : i32
        %dma_wait3A_32 = tpu.memref_slice %arg9[%dma_wait3A_31] : memref<5120xi32, #tpu.memory_space<vmem>> -> memref<5120xi32, #tpu.memory_space<vmem>>
        %dma_wait3A_33 = tpu.memref_slice %arg5[%mul3A_9] : memref<102400xi32, #tpu.memory_space<hbm>> -> memref<5120xi32, #tpu.memory_space<hbm>>
        tpu.wait_dma2 semaphore(%run_scoped3A : memref<!tpu.dma_semaphore, #tpu.memory_space<semaphore_mem>>) src(%dma_wait3A_33 : memref<5120xi32, #tpu.memory_space<hbm>>) dst(%dma_wait3A_32 : memref<5120xi32, #tpu.memory_space<vmem>>)
        tpu.yield
      }) : () -> ()
      %dma_start3A = arith.constant 0 : i32
      %dma_start3A_10 = tpu.memref_slice %arg8[%dma_start3A] : memref<5120xi32, #tpu.memory_space<vmem>> -> memref<128xi32, #tpu.memory_space<vmem>>
      %dma_start3A_11 = arith.constant 0 : i32
      %dma_start3A_12 = arith.constant 0 : i32
      %dma_start3A_13 = tpu.memref_slice %arg2[%dma_start3A_11, %dma_start3A_12] : memref<10240x128xf32, #tpu.memory_space<hbm>> -> memref<10240x128xf32, #tpu.memory_space<hbm>>
      tpu.enqueue_indirect_dma source(%dma_start3A_13 : memref<10240x128xf32, #tpu.memory_space<hbm>>) target(%arg10 : memref<128x128xf32, #tpu.memory_space<vmem>>) offsets(%dma_start3A_10 : memref<128xi32, #tpu.memory_space<vmem>>) semaphore(%arg12 : memref<!tpu.dma_semaphore, #tpu.memory_space<semaphore_mem>>)
      %dma_start3A_14 = arith.constant 0 : i32
      %dma_start3A_15 = tpu.memref_slice %arg9[%dma_start3A_14] : memref<5120xi32, #tpu.memory_space<vmem>> -> memref<128xi32, #tpu.memory_space<vmem>>
      %dma_start3A_16 = arith.constant 0 : i32
      %dma_start3A_17 = arith.constant 0 : i32
      %dma_start3A_18 = tpu.memref_slice %arg3[%dma_start3A_16, %dma_start3A_17] : memref<10240x128xf32, #tpu.memory_space<hbm>> -> memref<10240x128xf32, #tpu.memory_space<hbm>>
      tpu.enqueue_indirect_dma source(%dma_start3A_18 : memref<10240x128xf32, #tpu.memory_space<hbm>>) target(%arg11 : memref<128x128xf32, #tpu.memory_space<vmem>>) offsets(%dma_start3A_15 : memref<128xi32, #tpu.memory_space<vmem>>) semaphore(%arg13 : memref<!tpu.dma_semaphore, #tpu.memory_space<semaphore_mem>>)
      %scan3A = arith.constant 0 : i32
      %scan3A_19 = arith.constant 40 : i32
      %scan3A_20 = arith.addi %scan3A, %scan3A_19 : i32
      %scan3A_21 = arith.constant 1 : i32
      scf.for %scan3A_23 = %scan3A to %scan3A_20 step %scan3A_21  : i32 {
        %mul3A_24 = arith.constant 1 : i32
        %mul3A_25 = arith.muli %scan3A_23, %mul3A_24 : i32
        %add3A = arith.constant 0 : i32
        %add3A_26 = arith.addi %add3A, %mul3A_25 : i32
        %mul3A_27 = arith.constant 128 : i32
        %mul3A_28 = arith.muli %add3A_26, %mul3A_27 : i32
        %dma_wait3A = tpu.memref_slice %arg8[%mul3A_28] : memref<5120xi32, #tpu.memory_space<vmem>> -> memref<128xi32, #tpu.memory_space<vmem>>
        %dma_wait3A_29 = arith.constant 0 : i32
        %dma_wait3A_30 = arith.constant 0 : i32
        %dma_wait3A_31 = tpu.memref_slice %arg2[%dma_wait3A_29, %dma_wait3A_30] : memref<10240x128xf32, #tpu.memory_space<hbm>> -> memref<10240x128xf32, #tpu.memory_space<hbm>>
        tpu.wait_indirect_dma semaphore(%arg12 : memref<!tpu.dma_semaphore, #tpu.memory_space<semaphore_mem>>) src(%dma_wait3A_31 : memref<10240x128xf32, #tpu.memory_space<hbm>>) dst(%arg10 : memref<128x128xf32, #tpu.memory_space<vmem>>)
        %mul3A_32 = arith.constant 128 : i32
        %mul3A_33 = arith.muli %add3A_26, %mul3A_32 : i32
        %add3A_34 = arith.addi %mul3A_9, %mul3A_33 : i32
        "tpu.region"() ({
          %run_scoped3A = tpu.sem_alloc : memref<!tpu.dma_semaphore, #tpu.memory_space<semaphore_mem>>
          %dma_start3A_53 = arith.constant 0 : i32
          %dma_start3A_54 = tpu.memref_slice %arg6[%add3A_34, %dma_start3A_53] : memref<102400x128xf32, #tpu.memory_space<hbm>> -> memref<128x128xf32, #tpu.memory_space<hbm>>
          %dma_start3A_55 = arith.constant 0 : i32
          %dma_start3A_56 = tpu.memref_slice %arg6[%add3A_34, %dma_start3A_55] : memref<102400x128xf32, #tpu.memory_space<hbm>> -> memref<128x128xf32, #tpu.memory_space<hbm>>
          tpu.enqueue_dma source(%arg10 : memref<128x128xf32, #tpu.memory_space<vmem>>) target(%dma_start3A_56 : memref<128x128xf32, #tpu.memory_space<hbm>>) target_semaphore(%run_scoped3A : memref<!tpu.dma_semaphore, #tpu.memory_space<semaphore_mem>>)
          %dma_wait3A_57 = arith.constant 0 : i32
          %dma_wait3A_58 = tpu.memref_slice %arg6[%add3A_34, %dma_wait3A_57] : memref<102400x128xf32, #tpu.memory_space<hbm>> -> memref<128x128xf32, #tpu.memory_space<hbm>>
          %dma_wait3A_59 = arith.constant 0 : i32
          %dma_wait3A_60 = tpu.memref_slice %arg6[%add3A_34, %dma_wait3A_59] : memref<102400x128xf32, #tpu.memory_space<hbm>> -> memref<128x128xf32, #tpu.memory_space<hbm>>
          tpu.wait_dma2 semaphore(%run_scoped3A : memref<!tpu.dma_semaphore, #tpu.memory_space<semaphore_mem>>) src(%arg10 : memref<128x128xf32, #tpu.memory_space<vmem>>) dst(%dma_wait3A_60 : memref<128x128xf32, #tpu.memory_space<hbm>>)
          tpu.yield
        }) : () -> ()
        %lt3A = arith.constant 39 : i32
        %lt3A_35 = arith.cmpi slt, %add3A_26, %lt3A : i32
        %convert_element_type3A_36 = arith.extui %lt3A_35 : i1 to i32
        %cond3A_37 = arith.constant 0 : i32
        %cond3A_38 = arith.cmpi ne, %convert_element_type3A_36, %cond3A_37 : i32
        scf.if %cond3A_38 {
          %mul3A_53 = arith.constant 128 : i32
          %mul3A_54 = arith.muli %add3A_26, %mul3A_53 : i32
          %add3A_55 = arith.constant 128 : i32
          %add3A_56 = arith.addi %mul3A_54, %add3A_55 : i32
          %dma_start3A_57 = tpu.memref_slice %arg8[%add3A_56] : memref<5120xi32, #tpu.memory_space<vmem>> -> memref<128xi32, #tpu.memory_space<vmem>>
          %dma_start3A_58 = arith.constant 0 : i32
          %dma_start3A_59 = arith.constant 0 : i32
          %dma_start3A_60 = tpu.memref_slice %arg2[%dma_start3A_58, %dma_start3A_59] : memref<10240x128xf32, #tpu.memory_space<hbm>> -> memref<10240x128xf32, #tpu.memory_space<hbm>>
          tpu.enqueue_indirect_dma source(%dma_start3A_60 : memref<10240x128xf32, #tpu.memory_space<hbm>>) target(%arg10 : memref<128x128xf32, #tpu.memory_space<vmem>>) offsets(%dma_start3A_57 : memref<128xi32, #tpu.memory_space<vmem>>) semaphore(%arg12 : memref<!tpu.dma_semaphore, #tpu.memory_space<semaphore_mem>>)
        } else {
        }
        %mul3A_39 = arith.constant 128 : i32
        %mul3A_40 = arith.muli %add3A_26, %mul3A_39 : i32
        %dma_wait3A_41 = tpu.memref_slice %arg9[%mul3A_40] : memref<5120xi32, #tpu.memory_space<vmem>> -> memref<128xi32, #tpu.memory_space<vmem>>
        %dma_wait3A_42 = arith.constant 0 : i32
        %dma_wait3A_43 = arith.constant 0 : i32
        %dma_wait3A_44 = tpu.memref_slice %arg3[%dma_wait3A_42, %dma_wait3A_43] : memref<10240x128xf32, #tpu.memory_space<hbm>> -> memref<10240x128xf32, #tpu.memory_space<hbm>>
        tpu.wait_indirect_dma semaphore(%arg13 : memref<!tpu.dma_semaphore, #tpu.memory_space<semaphore_mem>>) src(%dma_wait3A_44 : memref<10240x128xf32, #tpu.memory_space<hbm>>) dst(%arg11 : memref<128x128xf32, #tpu.memory_space<vmem>>)
        %mul3A_45 = arith.constant 128 : i32
        %mul3A_46 = arith.muli %add3A_26, %mul3A_45 : i32
        %add3A_47 = arith.addi %mul3A_9, %mul3A_46 : i32
        "tpu.region"() ({
          %run_scoped3A = tpu.sem_alloc : memref<!tpu.dma_semaphore, #tpu.memory_space<semaphore_mem>>
          %dma_start3A_53 = arith.constant 0 : i32
          %dma_start3A_54 = tpu.memref_slice %arg7[%add3A_47, %dma_start3A_53] : memref<102400x128xf32, #tpu.memory_space<hbm>> -> memref<128x128xf32, #tpu.memory_space<hbm>>
          %dma_start3A_55 = arith.constant 0 : i32
          %dma_start3A_56 = tpu.memref_slice %arg7[%add3A_47, %dma_start3A_55] : memref<102400x128xf32, #tpu.memory_space<hbm>> -> memref<128x128xf32, #tpu.memory_space<hbm>>
          tpu.enqueue_dma source(%arg11 : memref<128x128xf32, #tpu.memory_space<vmem>>) target(%dma_start3A_56 : memref<128x128xf32, #tpu.memory_space<hbm>>) target_semaphore(%run_scoped3A : memref<!tpu.dma_semaphore, #tpu.memory_space<semaphore_mem>>)
          %dma_wait3A_57 = arith.constant 0 : i32
          %dma_wait3A_58 = tpu.memref_slice %arg7[%add3A_47, %dma_wait3A_57] : memref<102400x128xf32, #tpu.memory_space<hbm>> -> memref<128x128xf32, #tpu.memory_space<hbm>>
          %dma_wait3A_59 = arith.constant 0 : i32
          %dma_wait3A_60 = tpu.memref_slice %arg7[%add3A_47, %dma_wait3A_59] : memref<102400x128xf32, #tpu.memory_space<hbm>> -> memref<128x128xf32, #tpu.memory_space<hbm>>
          tpu.wait_dma2 semaphore(%run_scoped3A : memref<!tpu.dma_semaphore, #tpu.memory_space<semaphore_mem>>) src(%arg11 : memref<128x128xf32, #tpu.memory_space<vmem>>) dst(%dma_wait3A_60 : memref<128x128xf32, #tpu.memory_space<hbm>>)
          tpu.yield
        }) : () -> ()
        %lt3A_48 = arith.constant 39 : i32
        %lt3A_49 = arith.cmpi slt, %add3A_26, %lt3A_48 : i32
        %convert_element_type3A_50 = arith.extui %lt3A_49 : i1 to i32
        %cond3A_51 = arith.constant 0 : i32
        %cond3A_52 = arith.cmpi ne, %convert_element_type3A_50, %cond3A_51 : i32
        scf.if %cond3A_52 {
          %mul3A_53 = arith.constant 128 : i32
          %mul3A_54 = arith.muli %add3A_26, %mul3A_53 : i32
          %add3A_55 = arith.constant 128 : i32
          %add3A_56 = arith.addi %mul3A_54, %add3A_55 : i32
          %dma_start3A_57 = tpu.memref_slice %arg9[%add3A_56] : memref<5120xi32, #tpu.memory_space<vmem>> -> memref<128xi32, #tpu.memory_space<vmem>>
          %dma_start3A_58 = arith.constant 0 : i32
          %dma_start3A_59 = arith.constant 0 : i32
          %dma_start3A_60 = tpu.memref_slice %arg3[%dma_start3A_58, %dma_start3A_59] : memref<10240x128xf32, #tpu.memory_space<hbm>> -> memref<10240x128xf32, #tpu.memory_space<hbm>>
          tpu.enqueue_indirect_dma source(%dma_start3A_60 : memref<10240x128xf32, #tpu.memory_space<hbm>>) target(%arg11 : memref<128x128xf32, #tpu.memory_space<vmem>>) offsets(%dma_start3A_57 : memref<128xi32, #tpu.memory_space<vmem>>) semaphore(%arg13 : memref<!tpu.dma_semaphore, #tpu.memory_space<semaphore_mem>>)
        } else {
        }
      }
      %scan3A_22 = arith.constant 40 : i32
    } else {
    }
    %eq3A_2 = arith.constant 1 : i32
    %eq3A_3 = arith.cmpi eq, %arg0, %eq3A_2 : i32
    %convert_element_type3A_4 = arith.extui %eq3A_3 : i1 to i32
    %cond3A_5 = arith.constant 0 : i32
    %cond3A_6 = arith.cmpi ne, %convert_element_type3A_4, %cond3A_5 : i32
    scf.if %cond3A_6 {
      %mul3A = arith.constant 10 : i32
      %mul3A_7 = arith.muli %arg1, %mul3A : i32
      %mul3A_8 = arith.constant 128 : i32
      %mul3A_9 = arith.muli %mul3A_7, %mul3A_8 : i32
      %add3A = arith.constant 81920 : i32
      %add3A_10 = arith.addi %add3A, %mul3A_9 : i32
      "tpu.region"() ({
        %run_scoped3A = tpu.sem_alloc : memref<!tpu.dma_semaphore, #tpu.memory_space<semaphore_mem>>
        %dma_start3A_24 = arith.constant 0 : i32
        %dma_start3A_25 = tpu.memref_slice %arg8[%dma_start3A_24] : memref<5120xi32, #tpu.memory_space<vmem>> -> memref<1280xi32, #tpu.memory_space<vmem>>
        %dma_start3A_26 = tpu.memref_slice %arg4[%add3A_10] : memref<102400xi32, #tpu.memory_space<hbm>> -> memref<1280xi32, #tpu.memory_space<hbm>>
        %dma_start3A_27 = arith.constant 0 : i32
        %dma_start3A_28 = tpu.memref_slice %arg8[%dma_start3A_27] : memref<5120xi32, #tpu.memory_space<vmem>> -> memref<1280xi32, #tpu.memory_space<vmem>>
        %dma_start3A_29 = tpu.memref_slice %arg4[%add3A_10] : memref<102400xi32, #tpu.memory_space<hbm>> -> memref<1280xi32, #tpu.memory_space<hbm>>
        tpu.enqueue_dma source(%dma_start3A_29 : memref<1280xi32, #tpu.memory_space<hbm>>) target(%dma_start3A_28 : memref<1280xi32, #tpu.memory_space<vmem>>) target_semaphore(%run_scoped3A : memref<!tpu.dma_semaphore, #tpu.memory_space<semaphore_mem>>)
        %dma_wait3A = arith.constant 0 : i32
        %dma_wait3A_30 = tpu.memref_slice %arg8[%dma_wait3A] : memref<5120xi32, #tpu.memory_space<vmem>> -> memref<1280xi32, #tpu.memory_space<vmem>>
        %dma_wait3A_31 = tpu.memref_slice %arg4[%add3A_10] : memref<102400xi32, #tpu.memory_space<hbm>> -> memref<1280xi32, #tpu.memory_space<hbm>>
        %dma_wait3A_32 = arith.constant 0 : i32
        %dma_wait3A_33 = tpu.memref_slice %arg8[%dma_wait3A_32] : memref<5120xi32, #tpu.memory_space<vmem>> -> memref<1280xi32, #tpu.memory_space<vmem>>
        %dma_wait3A_34 = tpu.memref_slice %arg4[%add3A_10] : memref<102400xi32, #tpu.memory_space<hbm>> -> memref<1280xi32, #tpu.memory_space<hbm>>
        tpu.wait_dma2 semaphore(%run_scoped3A : memref<!tpu.dma_semaphore, #tpu.memory_space<semaphore_mem>>) src(%dma_wait3A_34 : memref<1280xi32, #tpu.memory_space<hbm>>) dst(%dma_wait3A_33 : memref<1280xi32, #tpu.memory_space<vmem>>)
        tpu.yield
      }) : () -> ()
      "tpu.region"() ({
        %run_scoped3A = tpu.sem_alloc : memref<!tpu.dma_semaphore, #tpu.memory_space<semaphore_mem>>
        %dma_start3A_24 = arith.constant 0 : i32
        %dma_start3A_25 = tpu.memref_slice %arg9[%dma_start3A_24] : memref<5120xi32, #tpu.memory_space<vmem>> -> memref<1280xi32, #tpu.memory_space<vmem>>
        %dma_start3A_26 = tpu.memref_slice %arg5[%add3A_10] : memref<102400xi32, #tpu.memory_space<hbm>> -> memref<1280xi32, #tpu.memory_space<hbm>>
        %dma_start3A_27 = arith.constant 0 : i32
        %dma_start3A_28 = tpu.memref_slice %arg9[%dma_start3A_27] : memref<5120xi32, #tpu.memory_space<vmem>> -> memref<1280xi32, #tpu.memory_space<vmem>>
        %dma_start3A_29 = tpu.memref_slice %arg5[%add3A_10] : memref<102400xi32, #tpu.memory_space<hbm>> -> memref<1280xi32, #tpu.memory_space<hbm>>
        tpu.enqueue_dma source(%dma_start3A_29 : memref<1280xi32, #tpu.memory_space<hbm>>) target(%dma_start3A_28 : memref<1280xi32, #tpu.memory_space<vmem>>) target_semaphore(%run_scoped3A : memref<!tpu.dma_semaphore, #tpu.memory_space<semaphore_mem>>)
        %dma_wait3A = arith.constant 0 : i32
        %dma_wait3A_30 = tpu.memref_slice %arg9[%dma_wait3A] : memref<5120xi32, #tpu.memory_space<vmem>> -> memref<1280xi32, #tpu.memory_space<vmem>>
        %dma_wait3A_31 = tpu.memref_slice %arg5[%add3A_10] : memref<102400xi32, #tpu.memory_space<hbm>> -> memref<1280xi32, #tpu.memory_space<hbm>>
        %dma_wait3A_32 = arith.constant 0 : i32
        %dma_wait3A_33 = tpu.memref_slice %arg9[%dma_wait3A_32] : memref<5120xi32, #tpu.memory_space<vmem>> -> memref<1280xi32, #tpu.memory_space<vmem>>
        %dma_wait3A_34 = tpu.memref_slice %arg5[%add3A_10] : memref<102400xi32, #tpu.memory_space<hbm>> -> memref<1280xi32, #tpu.memory_space<hbm>>
        tpu.wait_dma2 semaphore(%run_scoped3A : memref<!tpu.dma_semaphore, #tpu.memory_space<semaphore_mem>>) src(%dma_wait3A_34 : memref<1280xi32, #tpu.memory_space<hbm>>) dst(%dma_wait3A_33 : memref<1280xi32, #tpu.memory_space<vmem>>)
        tpu.yield
      }) : () -> ()
      %dma_start3A = arith.constant 0 : i32
      %dma_start3A_11 = tpu.memref_slice %arg8[%dma_start3A] : memref<5120xi32, #tpu.memory_space<vmem>> -> memref<128xi32, #tpu.memory_space<vmem>>
      %dma_start3A_12 = arith.constant 0 : i32
      %dma_start3A_13 = arith.constant 0 : i32
      %dma_start3A_14 = tpu.memref_slice %arg2[%dma_start3A_12, %dma_start3A_13] : memref<10240x128xf32, #tpu.memory_space<hbm>> -> memref<10240x128xf32, #tpu.memory_space<hbm>>
      tpu.enqueue_indirect_dma source(%dma_start3A_14 : memref<10240x128xf32, #tpu.memory_space<hbm>>) target(%arg10 : memref<128x128xf32, #tpu.memory_space<vmem>>) offsets(%dma_start3A_11 : memref<128xi32, #tpu.memory_space<vmem>>) semaphore(%arg12 : memref<!tpu.dma_semaphore, #tpu.memory_space<semaphore_mem>>)
      %dma_start3A_15 = arith.constant 0 : i32
      %dma_start3A_16 = tpu.memref_slice %arg9[%dma_start3A_15] : memref<5120xi32, #tpu.memory_space<vmem>> -> memref<128xi32, #tpu.memory_space<vmem>>
      %dma_start3A_17 = arith.constant 0 : i32
      %dma_start3A_18 = arith.constant 0 : i32
      %dma_start3A_19 = tpu.memref_slice %arg3[%dma_start3A_17, %dma_start3A_18] : memref<10240x128xf32, #tpu.memory_space<hbm>> -> memref<10240x128xf32, #tpu.memory_space<hbm>>
      tpu.enqueue_indirect_dma source(%dma_start3A_19 : memref<10240x128xf32, #tpu.memory_space<hbm>>) target(%arg11 : memref<128x128xf32, #tpu.memory_space<vmem>>) offsets(%dma_start3A_16 : memref<128xi32, #tpu.memory_space<vmem>>) semaphore(%arg13 : memref<!tpu.dma_semaphore, #tpu.memory_space<semaphore_mem>>)
      %scan3A = arith.constant 0 : i32
      %scan3A_20 = arith.constant 10 : i32
      %scan3A_21 = arith.addi %scan3A, %scan3A_20 : i32
      %scan3A_22 = arith.constant 1 : i32
      scf.for %scan3A_24 = %scan3A to %scan3A_21 step %scan3A_22  : i32 {
        %mul3A_25 = arith.constant 1 : i32
        %mul3A_26 = arith.muli %scan3A_24, %mul3A_25 : i32
        %add3A_27 = arith.constant 0 : i32
        %add3A_28 = arith.addi %add3A_27, %mul3A_26 : i32
        %mul3A_29 = arith.constant 128 : i32
        %mul3A_30 = arith.muli %add3A_28, %mul3A_29 : i32
        %dma_wait3A = tpu.memref_slice %arg8[%mul3A_30] : memref<5120xi32, #tpu.memory_space<vmem>> -> memref<128xi32, #tpu.memory_space<vmem>>
        %dma_wait3A_31 = arith.constant 0 : i32
        %dma_wait3A_32 = arith.constant 0 : i32
        %dma_wait3A_33 = tpu.memref_slice %arg2[%dma_wait3A_31, %dma_wait3A_32] : memref<10240x128xf32, #tpu.memory_space<hbm>> -> memref<10240x128xf32, #tpu.memory_space<hbm>>
        tpu.wait_indirect_dma semaphore(%arg12 : memref<!tpu.dma_semaphore, #tpu.memory_space<semaphore_mem>>) src(%dma_wait3A_33 : memref<10240x128xf32, #tpu.memory_space<hbm>>) dst(%arg10 : memref<128x128xf32, #tpu.memory_space<vmem>>)
        %mul3A_34 = arith.constant 128 : i32
        %mul3A_35 = arith.muli %add3A_28, %mul3A_34 : i32
        %add3A_36 = arith.addi %add3A_10, %mul3A_35 : i32
        "tpu.region"() ({
          %run_scoped3A = tpu.sem_alloc : memref<!tpu.dma_semaphore, #tpu.memory_space<semaphore_mem>>
          %dma_start3A_55 = arith.constant 0 : i32
          %dma_start3A_56 = tpu.memref_slice %arg6[%add3A_36, %dma_start3A_55] : memref<102400x128xf32, #tpu.memory_space<hbm>> -> memref<128x128xf32, #tpu.memory_space<hbm>>
          %dma_start3A_57 = arith.constant 0 : i32
          %dma_start3A_58 = tpu.memref_slice %arg6[%add3A_36, %dma_start3A_57] : memref<102400x128xf32, #tpu.memory_space<hbm>> -> memref<128x128xf32, #tpu.memory_space<hbm>>
          tpu.enqueue_dma source(%arg10 : memref<128x128xf32, #tpu.memory_space<vmem>>) target(%dma_start3A_58 : memref<128x128xf32, #tpu.memory_space<hbm>>) target_semaphore(%run_scoped3A : memref<!tpu.dma_semaphore, #tpu.memory_space<semaphore_mem>>)
          %dma_wait3A_59 = arith.constant 0 : i32
          %dma_wait3A_60 = tpu.memref_slice %arg6[%add3A_36, %dma_wait3A_59] : memref<102400x128xf32, #tpu.memory_space<hbm>> -> memref<128x128xf32, #tpu.memory_space<hbm>>
          %dma_wait3A_61 = arith.constant 0 : i32
          %dma_wait3A_62 = tpu.memref_slice %arg6[%add3A_36, %dma_wait3A_61] : memref<102400x128xf32, #tpu.memory_space<hbm>> -> memref<128x128xf32, #tpu.memory_space<hbm>>
          tpu.wait_dma2 semaphore(%run_scoped3A : memref<!tpu.dma_semaphore, #tpu.memory_space<semaphore_mem>>) src(%arg10 : memref<128x128xf32, #tpu.memory_space<vmem>>) dst(%dma_wait3A_62 : memref<128x128xf32, #tpu.memory_space<hbm>>)
          tpu.yield
        }) : () -> ()
        %lt3A = arith.constant 9 : i32
        %lt3A_37 = arith.cmpi slt, %add3A_28, %lt3A : i32
        %convert_element_type3A_38 = arith.extui %lt3A_37 : i1 to i32
        %cond3A_39 = arith.constant 0 : i32
        %cond3A_40 = arith.cmpi ne, %convert_element_type3A_38, %cond3A_39 : i32
        scf.if %cond3A_40 {
          %mul3A_55 = arith.constant 128 : i32
          %mul3A_56 = arith.muli %add3A_28, %mul3A_55 : i32
          %add3A_57 = arith.constant 128 : i32
          %add3A_58 = arith.addi %mul3A_56, %add3A_57 : i32
          %dma_start3A_59 = tpu.memref_slice %arg8[%add3A_58] : memref<5120xi32, #tpu.memory_space<vmem>> -> memref<128xi32, #tpu.memory_space<vmem>>
          %dma_start3A_60 = arith.constant 0 : i32
          %dma_start3A_61 = arith.constant 0 : i32
          %dma_start3A_62 = tpu.memref_slice %arg2[%dma_start3A_60, %dma_start3A_61] : memref<10240x128xf32, #tpu.memory_space<hbm>> -> memref<10240x128xf32, #tpu.memory_space<hbm>>
          tpu.enqueue_indirect_dma source(%dma_start3A_62 : memref<10240x128xf32, #tpu.memory_space<hbm>>) target(%arg10 : memref<128x128xf32, #tpu.memory_space<vmem>>) offsets(%dma_start3A_59 : memref<128xi32, #tpu.memory_space<vmem>>) semaphore(%arg12 : memref<!tpu.dma_semaphore, #tpu.memory_space<semaphore_mem>>)
        } else {
        }
        %mul3A_41 = arith.constant 128 : i32
        %mul3A_42 = arith.muli %add3A_28, %mul3A_41 : i32
        %dma_wait3A_43 = tpu.memref_slice %arg9[%mul3A_42] : memref<5120xi32, #tpu.memory_space<vmem>> -> memref<128xi32, #tpu.memory_space<vmem>>
        %dma_wait3A_44 = arith.constant 0 : i32
        %dma_wait3A_45 = arith.constant 0 : i32
        %dma_wait3A_46 = tpu.memref_slice %arg3[%dma_wait3A_44, %dma_wait3A_45] : memref<10240x128xf32, #tpu.memory_space<hbm>> -> memref<10240x128xf32, #tpu.memory_space<hbm>>
        tpu.wait_indirect_dma semaphore(%arg13 : memref<!tpu.dma_semaphore, #tpu.memory_space<semaphore_mem>>) src(%dma_wait3A_46 : memref<10240x128xf32, #tpu.memory_space<hbm>>) dst(%arg11 : memref<128x128xf32, #tpu.memory_space<vmem>>)
        %mul3A_47 = arith.constant 128 : i32
        %mul3A_48 = arith.muli %add3A_28, %mul3A_47 : i32
        %add3A_49 = arith.addi %add3A_10, %mul3A_48 : i32
        "tpu.region"() ({
          %run_scoped3A = tpu.sem_alloc : memref<!tpu.dma_semaphore, #tpu.memory_space<semaphore_mem>>
          %dma_start3A_55 = arith.constant 0 : i32
          %dma_start3A_56 = tpu.memref_slice %arg7[%add3A_49, %dma_start3A_55] : memref<102400x128xf32, #tpu.memory_space<hbm>> -> memref<128x128xf32, #tpu.memory_space<hbm>>
          %dma_start3A_57 = arith.constant 0 : i32
          %dma_start3A_58 = tpu.memref_slice %arg7[%add3A_49, %dma_start3A_57] : memref<102400x128xf32, #tpu.memory_space<hbm>> -> memref<128x128xf32, #tpu.memory_space<hbm>>
          tpu.enqueue_dma source(%arg11 : memref<128x128xf32, #tpu.memory_space<vmem>>) target(%dma_start3A_58 : memref<128x128xf32, #tpu.memory_space<hbm>>) target_semaphore(%run_scoped3A : memref<!tpu.dma_semaphore, #tpu.memory_space<semaphore_mem>>)
          %dma_wait3A_59 = arith.constant 0 : i32
          %dma_wait3A_60 = tpu.memref_slice %arg7[%add3A_49, %dma_wait3A_59] : memref<102400x128xf32, #tpu.memory_space<hbm>> -> memref<128x128xf32, #tpu.memory_space<hbm>>
          %dma_wait3A_61 = arith.constant 0 : i32
          %dma_wait3A_62 = tpu.memref_slice %arg7[%add3A_49, %dma_wait3A_61] : memref<102400x128xf32, #tpu.memory_space<hbm>> -> memref<128x128xf32, #tpu.memory_space<hbm>>
          tpu.wait_dma2 semaphore(%run_scoped3A : memref<!tpu.dma_semaphore, #tpu.memory_space<semaphore_mem>>) src(%arg11 : memref<128x128xf32, #tpu.memory_space<vmem>>) dst(%dma_wait3A_62 : memref<128x128xf32, #tpu.memory_space<hbm>>)
          tpu.yield
        }) : () -> ()
        %lt3A_50 = arith.constant 9 : i32
        %lt3A_51 = arith.cmpi slt, %add3A_28, %lt3A_50 : i32
        %convert_element_type3A_52 = arith.extui %lt3A_51 : i1 to i32
        %cond3A_53 = arith.constant 0 : i32
        %cond3A_54 = arith.cmpi ne, %convert_element_type3A_52, %cond3A_53 : i32
        scf.if %cond3A_54 {
          %mul3A_55 = arith.constant 128 : i32
          %mul3A_56 = arith.muli %add3A_28, %mul3A_55 : i32
          %add3A_57 = arith.constant 128 : i32
          %add3A_58 = arith.addi %mul3A_56, %add3A_57 : i32
          %dma_start3A_59 = tpu.memref_slice %arg9[%add3A_58] : memref<5120xi32, #tpu.memory_space<vmem>> -> memref<128xi32, #tpu.memory_space<vmem>>
          %dma_start3A_60 = arith.constant 0 : i32
          %dma_start3A_61 = arith.constant 0 : i32
          %dma_start3A_62 = tpu.memref_slice %arg3[%dma_start3A_60, %dma_start3A_61] : memref<10240x128xf32, #tpu.memory_space<hbm>> -> memref<10240x128xf32, #tpu.memory_space<hbm>>
          tpu.enqueue_indirect_dma source(%dma_start3A_62 : memref<10240x128xf32, #tpu.memory_space<hbm>>) target(%arg11 : memref<128x128xf32, #tpu.memory_space<vmem>>) offsets(%dma_start3A_59 : memref<128xi32, #tpu.memory_space<vmem>>) semaphore(%arg13 : memref<!tpu.dma_semaphore, #tpu.memory_space<semaphore_mem>>)
        } else {
        }
      }
      %scan3A_23 = arith.constant 10 : i32
    } else {
    }
    return
  }
}

module attributes {stable_mosaic.version = 14 : i64} {
  func.func @_tc_a_body(%arg0: i32, %arg1: memref<1024x128xf32, #tpu.memory_space<vmem>>, %arg2: memref<128x128xf32, #tpu.memory_space<vmem>>, %arg3: memref<128x128xf32, #tpu.memory_space<vmem>>, %arg4: memref<1x128xf32, #tpu.memory_space<vmem>>, %arg5: memref<1024x128xf32, #tpu.memory_space<vmem>>, %arg6: memref<1024x128xf32, #tpu.memory_space<vmem>>) attributes {dimension_semantics = [#tpu.dimension_semantics<arbitrary>], iteration_bounds = array<i64: 10>, scalar_prefetch = 0 : i64, scratch_operands = 0 : i64, tpu.core_type = #tpu.core_type<tc>, window_params = [{transform_indices = @transform_0, window_bounds = array<i64: 1024, 128>}, {pipeline_mode = #tpu.pipeline_mode<synchronous>, transform_indices = @transform_1, window_bounds = array<i64: 128, 128>}, {pipeline_mode = #tpu.pipeline_mode<synchronous>, transform_indices = @transform_2, window_bounds = array<i64: 128, 128>}, {pipeline_mode = #tpu.pipeline_mode<synchronous>, transform_indices = @transform_3, window_bounds = array<i64: 1, 128>}, {transform_indices = @transform_4, window_bounds = array<i64: 1024, 128>}, {transform_indices = @transform_5, window_bounds = array<i64: 1024, 128>}]} {
    %get3A = arith.constant 0 : index
    %get3A_0 = arith.constant 0 : index
    %get3A_1 = vector.load %arg1[%get3A, %get3A_0] : memref<1024x128xf32, #tpu.memory_space<vmem>>, vector<1024x128xf32>
    %get3A_2 = arith.constant 0 : index
    %get3A_3 = arith.constant 0 : index
    %get3A_4 = vector.load %arg2[%get3A_2, %get3A_3] : memref<128x128xf32, #tpu.memory_space<vmem>>, vector<128x128xf32>
    %dot_general3A = arith.constant dense<0.000000e+00> : vector<1024x128xf32>
    %dot_general3A_5 = tpu.matmul %get3A_1, %get3A_4, %dot_general3A {dimension_numbers = #tpu.dot_dimension_numbers<[1], [0], [0], [1], [0, 0, 1, 1], [], []>, transpose_lhs_hint = false} : vector<1024x128xf32>, vector<128x128xf32>, vector<1024x128xf32> -> vector<1024x128xf32>
    %swap3A = arith.constant 0 : index
    %swap3A_6 = arith.constant 0 : index
    %swap3A_7 = vector.load %arg5[%swap3A, %swap3A_6] : memref<1024x128xf32, #tpu.memory_space<vmem>>, vector<1024x128xf32>
    tpu.vector_store %arg5[%swap3A, %swap3A_6], %dot_general3A_5 {strides = array<i32>} : memref<1024x128xf32, #tpu.memory_space<vmem>>, vector<1024x128xf32>,
    %get3A_8 = arith.constant 0 : index
    %get3A_9 = arith.constant 0 : index
    %get3A_10 = vector.load %arg3[%get3A_8, %get3A_9] : memref<128x128xf32, #tpu.memory_space<vmem>>, vector<128x128xf32>
    %dot_general3A_11 = arith.constant dense<0.000000e+00> : vector<1024x128xf32>
    %dot_general3A_12 = tpu.matmul %get3A_1, %get3A_10, %dot_general3A_11 {dimension_numbers = #tpu.dot_dimension_numbers<[1], [0], [0], [1], [0, 0, 1, 1], [], []>, transpose_lhs_hint = false} : vector<1024x128xf32>, vector<128x128xf32>, vector<1024x128xf32> -> vector<1024x128xf32>
    %get3A_13 = arith.constant 0 : index
    %get3A_14 = arith.constant 0 : index
    %get3A_15 = vector.load %arg4[%get3A_13, %get3A_14] : memref<1x128xf32, #tpu.memory_space<vmem>>, vector<1x128xf32>
    %add3A = vector.broadcast %get3A_15 : vector<1x128xf32> to vector<1024x128xf32>
    %add3A_16 = arith.addf %dot_general3A_12, %add3A : vector<1024x128xf32>
    %swap3A_17 = arith.constant 0 : index
    %swap3A_18 = arith.constant 0 : index
    %swap3A_19 = vector.load %arg6[%swap3A_17, %swap3A_18] : memref<1024x128xf32, #tpu.memory_space<vmem>>, vector<1024x128xf32>
    tpu.vector_store %arg6[%swap3A_17, %swap3A_18], %add3A_16 {strides = array<i32>} : memref<1024x128xf32, #tpu.memory_space<vmem>>, vector<1024x128xf32>,
    return
  }
  func.func @transform_0(%arg0: i32) -> (i32, i32) {
    %c0_i32 = arith.constant 0 : i32
    %c0_i32_0 = arith.constant 0 : i32
    return %arg0, %c0_i32 : i32, i32
  }
  func.func @transform_1(%arg0: i32) -> (i32, i32) {
    %c0_i32 = arith.constant 0 : i32
    %c0_i32_0 = arith.constant 0 : i32
    %c0_i32_1 = arith.constant 0 : i32
    return %c0_i32, %c0_i32_0 : i32, i32
  }
  func.func @transform_2(%arg0: i32) -> (i32, i32) {
    %c0_i32 = arith.constant 0 : i32
    %c0_i32_0 = arith.constant 0 : i32
    %c0_i32_1 = arith.constant 0 : i32
    return %c0_i32, %c0_i32_0 : i32, i32
  }
  func.func @transform_3(%arg0: i32) -> (i32, i32) {
    %c0_i32 = arith.constant 0 : i32
    %c0_i32_0 = arith.constant 0 : i32
    %c0_i32_1 = arith.constant 0 : i32
    return %c0_i32, %c0_i32_0 : i32, i32
  }
  func.func @transform_4(%arg0: i32) -> (i32, i32) {
    %c0_i32 = arith.constant 0 : i32
    %c0_i32_0 = arith.constant 0 : i32
    return %arg0, %c0_i32 : i32, i32
  }
  func.func @transform_5(%arg0: i32) -> (i32, i32) {
    %c0_i32 = arith.constant 0 : i32
    %c0_i32_0 = arith.constant 0 : i32
    return %arg0, %c0_i32 : i32, i32
  }
}

module attributes {stable_mosaic.version = 14 : i64} {
  func.func @_tc_mid_body(%arg0: i32, %arg1: memref<2x1024x128xf32, #tpu.memory_space<vmem>>, %arg2: memref<2x1024x1xf32, #tpu.memory_space<vmem>>, %arg3: memref<1024x128xf32, #tpu.memory_space<vmem>>, %arg4: memref<128x128xf32, #tpu.memory_space<vmem>>, %arg5: memref<128x128xf32, #tpu.memory_space<vmem>>, %arg6: memref<1x128xf32, #tpu.memory_space<vmem>>, %arg7: memref<1024x128xf32, #tpu.memory_space<vmem>>, %arg8: memref<1024x128xf32, #tpu.memory_space<vmem>>) attributes {dimension_semantics = [#tpu.dimension_semantics<arbitrary>], iteration_bounds = array<i64: 10>, scalar_prefetch = 0 : i64, scratch_operands = 0 : i64, tpu.core_type = #tpu.core_type<tc>, window_params = [{transform_indices = @transform_0, window_bounds = array<i64: 2, 1024, 128>}, {transform_indices = @transform_1, window_bounds = array<i64: 2, 1024, 1>}, {transform_indices = @transform_2, window_bounds = array<i64: 1024, 128>}, {pipeline_mode = #tpu.pipeline_mode<synchronous>, transform_indices = @transform_3, window_bounds = array<i64: 128, 128>}, {pipeline_mode = #tpu.pipeline_mode<synchronous>, transform_indices = @transform_4, window_bounds = array<i64: 128, 128>}, {pipeline_mode = #tpu.pipeline_mode<synchronous>, transform_indices = @transform_5, window_bounds = array<i64: 1, 128>}, {transform_indices = @transform_6, window_bounds = array<i64: 1024, 128>}, {transform_indices = @transform_7, window_bounds = array<i64: 1024, 128>}]} {
    %get3A = arith.constant 0 : index
    %get3A_0 = arith.constant 0 : index
    %get3A_1 = arith.constant 0 : index
    %get3A_2 = vector.load %arg1[%get3A, %get3A_0, %get3A_1] : memref<2x1024x128xf32, #tpu.memory_space<vmem>>, vector<1x1024x128xf32>
    %get3A_3 = vector.shape_cast %get3A_2 : vector<1x1024x128xf32> to vector<1024x128xf32>
    %get3A_4 = arith.constant 1 : index
    %get3A_5 = arith.constant 0 : index
    %get3A_6 = arith.constant 0 : index
    %get3A_7 = vector.load %arg1[%get3A_4, %get3A_5, %get3A_6] : memref<2x1024x128xf32, #tpu.memory_space<vmem>>, vector<1x1024x128xf32>
    %get3A_8 = vector.shape_cast %get3A_7 : vector<1x1024x128xf32> to vector<1024x128xf32>
    %add3A = arith.addf %get3A_3, %get3A_8 : vector<1024x128xf32>
    %get3A_9 = arith.constant 0 : index
    %get3A_10 = arith.constant 0 : index
    %get3A_11 = arith.constant 0 : index
    %get3A_12 = vector.load %arg2[%get3A_9, %get3A_10, %get3A_11] : memref<2x1024x1xf32, #tpu.memory_space<vmem>>, vector<1x1024x1xf32>
    %get3A_13 = vector.shape_cast %get3A_12 : vector<1x1024x1xf32> to vector<1024x1xf32>
    %get3A_14 = arith.constant 1 : index
    %get3A_15 = arith.constant 0 : index
    %get3A_16 = arith.constant 0 : index
    %get3A_17 = vector.load %arg2[%get3A_14, %get3A_15, %get3A_16] : memref<2x1024x1xf32, #tpu.memory_space<vmem>>, vector<1x1024x1xf32>
    %get3A_18 = vector.shape_cast %get3A_17 : vector<1x1024x1xf32> to vector<1024x1xf32>
    %add3A_19 = arith.addf %get3A_13, %get3A_18 : vector<1024x1xf32>
    %max3A = arith.constant 1.000000e+00 : f32
    %max3A_20 = vector.broadcast %max3A : f32 to vector<1024x1xf32>
    %max3A_21 = arith.maximumf %add3A_19, %max3A_20 : vector<1024x1xf32>
    %div3A = arith.constant 1.000000e+00 : f32
    %div3A_22 = vector.broadcast %div3A : f32 to vector<1024x1xf32>
    %div3A_23 = arith.divf %div3A_22, %max3A_21 : vector<1024x1xf32>
    %mul3A = vector.broadcast %div3A_23 : vector<1024x1xf32> to vector<1024x128xf32>
    %mul3A_24 = arith.mulf %add3A, %mul3A : vector<1024x128xf32>
    %get3A_25 = arith.constant 0 : index
    %get3A_26 = arith.constant 0 : index
    %get3A_27 = vector.load %arg3[%get3A_25, %get3A_26] : memref<1024x128xf32, #tpu.memory_space<vmem>>, vector<1024x128xf32>
    %add3A_28 = arith.addf %mul3A_24, %get3A_27 : vector<1024x128xf32>
    %max3A_29 = arith.constant 0.000000e+00 : f32
    %max3A_30 = vector.broadcast %max3A_29 : f32 to vector<1024x128xf32>
    %max3A_31 = arith.maximumf %add3A_28, %max3A_30 : vector<1024x128xf32>
    %get3A_32 = arith.constant 0 : index
    %get3A_33 = arith.constant 0 : index
    %get3A_34 = vector.load %arg4[%get3A_32, %get3A_33] : memref<128x128xf32, #tpu.memory_space<vmem>>, vector<128x128xf32>
    %dot_general3A = arith.constant dense<0.000000e+00> : vector<1024x128xf32>
    %dot_general3A_35 = tpu.matmul %max3A_31, %get3A_34, %dot_general3A {dimension_numbers = #tpu.dot_dimension_numbers<[1], [0], [0], [1], [0, 0, 1, 1], [], []>, transpose_lhs_hint = false} : vector<1024x128xf32>, vector<128x128xf32>, vector<1024x128xf32> -> vector<1024x128xf32>
    %swap3A = arith.constant 0 : index
    %swap3A_36 = arith.constant 0 : index
    %swap3A_37 = vector.load %arg7[%swap3A, %swap3A_36] : memref<1024x128xf32, #tpu.memory_space<vmem>>, vector<1024x128xf32>
    tpu.vector_store %arg7[%swap3A, %swap3A_36], %dot_general3A_35 {strides = array<i32>} : memref<1024x128xf32, #tpu.memory_space<vmem>>, vector<1024x128xf32>,
    %get3A_38 = arith.constant 0 : index
    %get3A_39 = arith.constant 0 : index
    %get3A_40 = vector.load %arg5[%get3A_38, %get3A_39] : memref<128x128xf32, #tpu.memory_space<vmem>>, vector<128x128xf32>
    %dot_general3A_41 = arith.constant dense<0.000000e+00> : vector<1024x128xf32>
    %dot_general3A_42 = tpu.matmul %max3A_31, %get3A_40, %dot_general3A_41 {dimension_numbers = #tpu.dot_dimension_numbers<[1], [0], [0], [1], [0, 0, 1, 1], [], []>, transpose_lhs_hint = false} : vector<1024x128xf32>, vector<128x128xf32>, vector<1024x128xf32> -> vector<1024x128xf32>
    %get3A_43 = arith.constant 0 : index
    %get3A_44 = arith.constant 0 : index
    %get3A_45 = vector.load %arg6[%get3A_43, %get3A_44] : memref<1x128xf32, #tpu.memory_space<vmem>>, vector<1x128xf32>
    %add3A_46 = vector.broadcast %get3A_45 : vector<1x128xf32> to vector<1024x128xf32>
    %add3A_47 = arith.addf %dot_general3A_42, %add3A_46 : vector<1024x128xf32>
    %swap3A_48 = arith.constant 0 : index
    %swap3A_49 = arith.constant 0 : index
    %swap3A_50 = vector.load %arg8[%swap3A_48, %swap3A_49] : memref<1024x128xf32, #tpu.memory_space<vmem>>, vector<1024x128xf32>
    tpu.vector_store %arg8[%swap3A_48, %swap3A_49], %add3A_47 {strides = array<i32>} : memref<1024x128xf32, #tpu.memory_space<vmem>>, vector<1024x128xf32>,
    return
  }
  func.func @transform_0(%arg0: i32) -> (i32, i32, i32) {
    %c0_i32 = arith.constant 0 : i32
    %c0_i32_0 = arith.constant 0 : i32
    %c0_i32_1 = arith.constant 0 : i32
    return %c0_i32, %arg0, %c0_i32_0 : i32, i32, i32
  }
  func.func @transform_1(%arg0: i32) -> (i32, i32, i32) {
    %c0_i32 = arith.constant 0 : i32
    %c0_i32_0 = arith.constant 0 : i32
    %c0_i32_1 = arith.constant 0 : i32
    return %c0_i32, %arg0, %c0_i32_0 : i32, i32, i32
  }
  func.func @transform_2(%arg0: i32) -> (i32, i32) {
    %c0_i32 = arith.constant 0 : i32
    %c0_i32_0 = arith.constant 0 : i32
    return %arg0, %c0_i32 : i32, i32
  }
  func.func @transform_3(%arg0: i32) -> (i32, i32) {
    %c0_i32 = arith.constant 0 : i32
    %c0_i32_0 = arith.constant 0 : i32
    %c0_i32_1 = arith.constant 0 : i32
    return %c0_i32, %c0_i32_0 : i32, i32
  }
  func.func @transform_4(%arg0: i32) -> (i32, i32) {
    %c0_i32 = arith.constant 0 : i32
    %c0_i32_0 = arith.constant 0 : i32
    %c0_i32_1 = arith.constant 0 : i32
    return %c0_i32, %c0_i32_0 : i32, i32
  }
  func.func @transform_5(%arg0: i32) -> (i32, i32) {
    %c0_i32 = arith.constant 0 : i32
    %c0_i32_0 = arith.constant 0 : i32
    %c0_i32_1 = arith.constant 0 : i32
    return %c0_i32, %c0_i32_0 : i32, i32
  }
  func.func @transform_6(%arg0: i32) -> (i32, i32) {
    %c0_i32 = arith.constant 0 : i32
    %c0_i32_0 = arith.constant 0 : i32
    return %arg0, %c0_i32 : i32, i32
  }
  func.func @transform_7(%arg0: i32) -> (i32, i32) {
    %c0_i32 = arith.constant 0 : i32
    %c0_i32_0 = arith.constant 0 : i32
    return %arg0, %c0_i32 : i32, i32
  }
}

module attributes {stable_mosaic.version = 14 : i64} {
  func.func @_tc_mid_body(%arg0: i32, %arg1: memref<2x1024x128xf32, #tpu.memory_space<vmem>>, %arg2: memref<2x1024x1xf32, #tpu.memory_space<vmem>>, %arg3: memref<1024x128xf32, #tpu.memory_space<vmem>>, %arg4: memref<128x128xf32, #tpu.memory_space<vmem>>, %arg5: memref<128x128xf32, #tpu.memory_space<vmem>>, %arg6: memref<1x128xf32, #tpu.memory_space<vmem>>, %arg7: memref<1024x128xf32, #tpu.memory_space<vmem>>, %arg8: memref<1024x128xf32, #tpu.memory_space<vmem>>) attributes {dimension_semantics = [#tpu.dimension_semantics<arbitrary>], iteration_bounds = array<i64: 10>, scalar_prefetch = 0 : i64, scratch_operands = 0 : i64, tpu.core_type = #tpu.core_type<tc>, window_params = [{transform_indices = @transform_0, window_bounds = array<i64: 2, 1024, 128>}, {transform_indices = @transform_1, window_bounds = array<i64: 2, 1024, 1>}, {transform_indices = @transform_2, window_bounds = array<i64: 1024, 128>}, {pipeline_mode = #tpu.pipeline_mode<synchronous>, transform_indices = @transform_3, window_bounds = array<i64: 128, 128>}, {pipeline_mode = #tpu.pipeline_mode<synchronous>, transform_indices = @transform_4, window_bounds = array<i64: 128, 128>}, {pipeline_mode = #tpu.pipeline_mode<synchronous>, transform_indices = @transform_5, window_bounds = array<i64: 1, 128>}, {transform_indices = @transform_6, window_bounds = array<i64: 1024, 128>}, {transform_indices = @transform_7, window_bounds = array<i64: 1024, 128>}]} {
    %get3A = arith.constant 0 : index
    %get3A_0 = arith.constant 0 : index
    %get3A_1 = arith.constant 0 : index
    %get3A_2 = vector.load %arg1[%get3A, %get3A_0, %get3A_1] : memref<2x1024x128xf32, #tpu.memory_space<vmem>>, vector<1x1024x128xf32>
    %get3A_3 = vector.shape_cast %get3A_2 : vector<1x1024x128xf32> to vector<1024x128xf32>
    %get3A_4 = arith.constant 1 : index
    %get3A_5 = arith.constant 0 : index
    %get3A_6 = arith.constant 0 : index
    %get3A_7 = vector.load %arg1[%get3A_4, %get3A_5, %get3A_6] : memref<2x1024x128xf32, #tpu.memory_space<vmem>>, vector<1x1024x128xf32>
    %get3A_8 = vector.shape_cast %get3A_7 : vector<1x1024x128xf32> to vector<1024x128xf32>
    %add3A = arith.addf %get3A_3, %get3A_8 : vector<1024x128xf32>
    %get3A_9 = arith.constant 0 : index
    %get3A_10 = arith.constant 0 : index
    %get3A_11 = arith.constant 0 : index
    %get3A_12 = vector.load %arg2[%get3A_9, %get3A_10, %get3A_11] : memref<2x1024x1xf32, #tpu.memory_space<vmem>>, vector<1x1024x1xf32>
    %get3A_13 = vector.shape_cast %get3A_12 : vector<1x1024x1xf32> to vector<1024x1xf32>
    %get3A_14 = arith.constant 1 : index
    %get3A_15 = arith.constant 0 : index
    %get3A_16 = arith.constant 0 : index
    %get3A_17 = vector.load %arg2[%get3A_14, %get3A_15, %get3A_16] : memref<2x1024x1xf32, #tpu.memory_space<vmem>>, vector<1x1024x1xf32>
    %get3A_18 = vector.shape_cast %get3A_17 : vector<1x1024x1xf32> to vector<1024x1xf32>
    %add3A_19 = arith.addf %get3A_13, %get3A_18 : vector<1024x1xf32>
    %max3A = arith.constant 1.000000e+00 : f32
    %max3A_20 = vector.broadcast %max3A : f32 to vector<1024x1xf32>
    %max3A_21 = arith.maximumf %add3A_19, %max3A_20 : vector<1024x1xf32>
    %div3A = arith.constant 1.000000e+00 : f32
    %div3A_22 = vector.broadcast %div3A : f32 to vector<1024x1xf32>
    %div3A_23 = arith.divf %div3A_22, %max3A_21 : vector<1024x1xf32>
    %mul3A = vector.broadcast %div3A_23 : vector<1024x1xf32> to vector<1024x128xf32>
    %mul3A_24 = arith.mulf %add3A, %mul3A : vector<1024x128xf32>
    %get3A_25 = arith.constant 0 : index
    %get3A_26 = arith.constant 0 : index
    %get3A_27 = vector.load %arg3[%get3A_25, %get3A_26] : memref<1024x128xf32, #tpu.memory_space<vmem>>, vector<1024x128xf32>
    %add3A_28 = arith.addf %mul3A_24, %get3A_27 : vector<1024x128xf32>
    %get3A_29 = arith.constant 0 : index
    %get3A_30 = arith.constant 0 : index
    %get3A_31 = vector.load %arg4[%get3A_29, %get3A_30] : memref<128x128xf32, #tpu.memory_space<vmem>>, vector<128x128xf32>
    %dot_general3A = arith.constant dense<0.000000e+00> : vector<1024x128xf32>
    %dot_general3A_32 = tpu.matmul %add3A_28, %get3A_31, %dot_general3A {dimension_numbers = #tpu.dot_dimension_numbers<[1], [0], [0], [1], [0, 0, 1, 1], [], []>, transpose_lhs_hint = false} : vector<1024x128xf32>, vector<128x128xf32>, vector<1024x128xf32> -> vector<1024x128xf32>
    %swap3A = arith.constant 0 : index
    %swap3A_33 = arith.constant 0 : index
    %swap3A_34 = vector.load %arg7[%swap3A, %swap3A_33] : memref<1024x128xf32, #tpu.memory_space<vmem>>, vector<1024x128xf32>
    tpu.vector_store %arg7[%swap3A, %swap3A_33], %dot_general3A_32 {strides = array<i32>} : memref<1024x128xf32, #tpu.memory_space<vmem>>, vector<1024x128xf32>,
    %get3A_35 = arith.constant 0 : index
    %get3A_36 = arith.constant 0 : index
    %get3A_37 = vector.load %arg5[%get3A_35, %get3A_36] : memref<128x128xf32, #tpu.memory_space<vmem>>, vector<128x128xf32>
    %dot_general3A_38 = arith.constant dense<0.000000e+00> : vector<1024x128xf32>
    %dot_general3A_39 = tpu.matmul %add3A_28, %get3A_37, %dot_general3A_38 {dimension_numbers = #tpu.dot_dimension_numbers<[1], [0], [0], [1], [0, 0, 1, 1], [], []>, transpose_lhs_hint = false} : vector<1024x128xf32>, vector<128x128xf32>, vector<1024x128xf32> -> vector<1024x128xf32>
    %get3A_40 = arith.constant 0 : index
    %get3A_41 = arith.constant 0 : index
    %get3A_42 = vector.load %arg6[%get3A_40, %get3A_41] : memref<1x128xf32, #tpu.memory_space<vmem>>, vector<1x128xf32>
    %add3A_43 = vector.broadcast %get3A_42 : vector<1x128xf32> to vector<1024x128xf32>
    %add3A_44 = arith.addf %dot_general3A_39, %add3A_43 : vector<1024x128xf32>
    %swap3A_45 = arith.constant 0 : index
    %swap3A_46 = arith.constant 0 : index
    %swap3A_47 = vector.load %arg8[%swap3A_45, %swap3A_46] : memref<1024x128xf32, #tpu.memory_space<vmem>>, vector<1024x128xf32>
    tpu.vector_store %arg8[%swap3A_45, %swap3A_46], %add3A_44 {strides = array<i32>} : memref<1024x128xf32, #tpu.memory_space<vmem>>, vector<1024x128xf32>,
    return
  }
  func.func @transform_0(%arg0: i32) -> (i32, i32, i32) {
    %c0_i32 = arith.constant 0 : i32
    %c0_i32_0 = arith.constant 0 : i32
    %c0_i32_1 = arith.constant 0 : i32
    return %c0_i32, %arg0, %c0_i32_0 : i32, i32, i32
  }
  func.func @transform_1(%arg0: i32) -> (i32, i32, i32) {
    %c0_i32 = arith.constant 0 : i32
    %c0_i32_0 = arith.constant 0 : i32
    %c0_i32_1 = arith.constant 0 : i32
    return %c0_i32, %arg0, %c0_i32_0 : i32, i32, i32
  }
  func.func @transform_2(%arg0: i32) -> (i32, i32) {
    %c0_i32 = arith.constant 0 : i32
    %c0_i32_0 = arith.constant 0 : i32
    return %arg0, %c0_i32 : i32, i32
  }
  func.func @transform_3(%arg0: i32) -> (i32, i32) {
    %c0_i32 = arith.constant 0 : i32
    %c0_i32_0 = arith.constant 0 : i32
    %c0_i32_1 = arith.constant 0 : i32
    return %c0_i32, %c0_i32_0 : i32, i32
  }
  func.func @transform_4(%arg0: i32) -> (i32, i32) {
    %c0_i32 = arith.constant 0 : i32
    %c0_i32_0 = arith.constant 0 : i32
    %c0_i32_1 = arith.constant 0 : i32
    return %c0_i32, %c0_i32_0 : i32, i32
  }
  func.func @transform_5(%arg0: i32) -> (i32, i32) {
    %c0_i32 = arith.constant 0 : i32
    %c0_i32_0 = arith.constant 0 : i32
    %c0_i32_1 = arith.constant 0 : i32
    return %c0_i32, %c0_i32_0 : i32, i32
  }
  func.func @transform_6(%arg0: i32) -> (i32, i32) {
    %c0_i32 = arith.constant 0 : i32
    %c0_i32_0 = arith.constant 0 : i32
    return %arg0, %c0_i32 : i32, i32
  }
  func.func @transform_7(%arg0: i32) -> (i32, i32) {
    %c0_i32 = arith.constant 0 : i32
    %c0_i32_0 = arith.constant 0 : i32
    return %arg0, %c0_i32 : i32, i32
  }
}

module attributes {stable_mosaic.version = 14 : i64} {
  func.func @_tc_d_body(%arg0: i32, %arg1: memref<2000x128xf32, #tpu.memory_space<vmem>>, %arg2: memref<2000x128xf32, #tpu.memory_space<vmem>>, %arg3: memref<1x128xf32, #tpu.memory_space<vmem>>, %arg4: memref<1x1xf32, #tpu.memory_space<vmem>>, %arg5: memref<2000x1xf32, #tpu.memory_space<vmem>>) attributes {dimension_semantics = [#tpu.dimension_semantics<arbitrary>], iteration_bounds = array<i64: 50>, scalar_prefetch = 0 : i64, scratch_operands = 0 : i64, tpu.core_type = #tpu.core_type<tc>, window_params = [{transform_indices = @transform_0, window_bounds = array<i64: 2000, 128>}, {transform_indices = @transform_1, window_bounds = array<i64: 2000, 128>}, {pipeline_mode = #tpu.pipeline_mode<synchronous>, transform_indices = @transform_2, window_bounds = array<i64: 1, 128>}, {pipeline_mode = #tpu.pipeline_mode<synchronous>, transform_indices = @transform_3, window_bounds = array<i64: 1, 1>}, {transform_indices = @transform_4, window_bounds = array<i64: 2000, 1>}]} {
    %get3A = arith.constant 0 : index
    %get3A_0 = arith.constant 0 : index
    %get3A_1 = vector.load %arg1[%get3A, %get3A_0] : memref<2000x128xf32, #tpu.memory_space<vmem>>, vector<2000x128xf32>
    %get3A_2 = arith.constant 0 : index
    %get3A_3 = arith.constant 0 : index
    %get3A_4 = vector.load %arg2[%get3A_2, %get3A_3] : memref<2000x128xf32, #tpu.memory_space<vmem>>, vector<2000x128xf32>
    %add3A = arith.addf %get3A_1, %get3A_4 : vector<2000x128xf32>
    %max3A = arith.constant 0.000000e+00 : f32
    %max3A_5 = vector.broadcast %max3A : f32 to vector<2000x128xf32>
    %max3A_6 = arith.maximumf %add3A, %max3A_5 : vector<2000x128xf32>
    %get3A_7 = arith.constant 0 : index
    %get3A_8 = arith.constant 0 : index
    %get3A_9 = vector.load %arg3[%get3A_7, %get3A_8] : memref<1x128xf32, #tpu.memory_space<vmem>>, vector<1x128xf32>
    %mul3A = vector.broadcast %get3A_9 : vector<1x128xf32> to vector<2000x128xf32>
    %mul3A_10 = arith.mulf %max3A_6, %mul3A : vector<2000x128xf32>
    %reduce_sum3A = arith.constant dense<0.000000e+00> : vector<2000xf32>
    %reduce_sum3A_11 = vector.multi_reduction <add>, %mul3A_10, %reduce_sum3A [1] : vector<2000x128xf32> to vector<2000xf32>
    %broadcast_in_dim3A = vector.shape_cast %reduce_sum3A_11 : vector<2000xf32> to vector<2000x1xf32>
    %get3A_12 = arith.constant 0 : index
    %get3A_13 = arith.constant 0 : index
    %get3A_14 = vector.load %arg4[%get3A_12, %get3A_13] : memref<1x1xf32, #tpu.memory_space<vmem>>, vector<1x1xf32>
    %add3A_15 = vector.broadcast %get3A_14 : vector<1x1xf32> to vector<2000x1xf32>
    %add3A_16 = arith.addf %broadcast_in_dim3A, %add3A_15 : vector<2000x1xf32>
    %swap3A = arith.constant 0 : index
    %swap3A_17 = arith.constant 0 : index
    %swap3A_18 = vector.load %arg5[%swap3A, %swap3A_17] : memref<2000x1xf32, #tpu.memory_space<vmem>>, vector<2000x1xf32>
    tpu.vector_store %arg5[%swap3A, %swap3A_17], %add3A_16 {strides = array<i32>} : memref<2000x1xf32, #tpu.memory_space<vmem>>, vector<2000x1xf32>,
    return
  }
  func.func @transform_0(%arg0: i32) -> (i32, i32) {
    %c0_i32 = arith.constant 0 : i32
    %c0_i32_0 = arith.constant 0 : i32
    return %arg0, %c0_i32 : i32, i32
  }
  func.func @transform_1(%arg0: i32) -> (i32, i32) {
    %c0_i32 = arith.constant 0 : i32
    %c0_i32_0 = arith.constant 0 : i32
    return %arg0, %c0_i32 : i32, i32
  }
  func.func @transform_2(%arg0: i32) -> (i32, i32) {
    %c0_i32 = arith.constant 0 : i32
    %c0_i32_0 = arith.constant 0 : i32
    %c0_i32_1 = arith.constant 0 : i32
    return %c0_i32, %c0_i32_0 : i32, i32
  }
  func.func @transform_3(%arg0: i32) -> (i32, i32) {
    %c0_i32 = arith.constant 0 : i32
    %c0_i32_0 = arith.constant 0 : i32
    %c0_i32_1 = arith.constant 0 : i32
    return %c0_i32, %c0_i32_0 : i32, i32
  }
  func.func @transform_4(%arg0: i32) -> (i32, i32) {
    %c0_i32 = arith.constant 0 : i32
    %c0_i32_0 = arith.constant 0 : i32
    return %arg0, %c0_i32 : i32, i32
  }
}

</mosaic_0001>

<sc_bundles>
// kernel: kernel.10.cloned.1.call-start
scs
__scs_entry_jumppad:
0x0: {  	(pc) =	sbr.rel $0x88, $3  }
0x1: {  	(tag) =	ssettag $0x0;
	lr =	simm.s32 $0x1  }
0x2: {  	[smem:$0x3F94] =	sst lr;
	_ =	strace $0xD0000000  }
0x3: {  	_ = 	snop  }
0x4: {  	_ = 	snop  }
0x5: {  	_ = 	snop  }
0x6: {  	_ = 	snop  }
0x7: {  	_ = 	snop  }
__scs_overlays_trampoline_lowered:
0x8: {  	[smem:$0x3FA3] =	sst s0  }
0x9: {  	[smem:$0x3FA4] =	sst s1  }
0xa: {  	[smem:$0x3FA5] =	sst s2  }
0xb: {  	[smem:$0x3FA6] =	sst s3  }
0xc: {  	[smem:$0x3FA7] =	sst s4  }
0xd: {  	[smem:$0x3FA8] =	sst s5  }
0xe: {  	[smem:$0x3FA9] =	sst s6  }
0xf: {  	[smem:$0x3FAA] =	sst s7  }
0x10: {  	[smem:$0x3FAB] =	sst s8  }
0x11: {  	[smem:$0x3FAC] =	sst s9;
	s0 =	simm.s32 @!p0 $0x0  }
0x12: {  	s1 =	sld [smem:$0x3F92];
	s0 =	simm.s32 @p0 $0x1  }
0x13: {  	[smem:$0x3FAD] =	sst s0;
	s0 =	simm.s32 @!p1 $0x0  }
0x14: {  	s2 =	sld [smem:$0x3F91];
	s0 =	simm.s32 @p1 $0x1  }
0x15: {  	[smem:$0x3FAE] =	sst s0;
	s0 =	simm.s32 @!p2 $0x0  }
0x16: {  	s3 =	sld [smem:$0x3FDB];
	s0 =	simm.s32 @p2 $0x1  }
0x17: {  	s4 =	simm.s32 $0x1BF5;
	[smem:$0x3FB0] =	sst s0  }
0x18: {  	s0 =	sld [smem:$0x3F93];
	_ =	swait.ge [sflag:s4], $0x0  }
0x19: {  	s7 =	sld [smem:$0x3F94]  }
0x1a: {  	s8 =	sadd.s32 $0xFFFFE003, lr  }
0x1b: {  	s9 =	sadd.s32 $0xFFFFFEF7, lr;
	s5 =	simm.s32 $0xFFFFFFFF;
	p2 =	slt.u32 s8, $0xFFFFF086  }
0x1c: {  	p1 =	slt.u32 s9, $0xF7A;
	s5 =	simm.s32 @!p2 $0x0  }
0x1d: {  	s5 =	simm.s32 @p1 $0x1;
	p0 =	seq.s32 s7, s2  }
0x1e: {  	s7 =	smul.u32 @!p0 $0xF7A, s2;
	p2 =	seq.s32 @!p0 s5, $0x0  }
0x1f: {  	s9 =	smul.u32 $0xF7A, s1;
	s8 =	simm.s32 @!p0 $0x1BF5;
	p2 =	por !p2, p0  }
0x20: {  	[sflag:s8] =	ssyncset.s32 @!p0 $0xFFFFF086;
	s6 =	sadd.s32 @!p0 s3, s7;
	s7 =	simm.s32 @!p0 $0x108  }
0x21: {  	s3 =	sadd.s32 s3, s9;
	s6 =	sadd.s32 @!p0 $0x88, s6;
	s7 =	simm.s32 @p2 $0x1082  }
0x22: {  	[simem:s7], [sflag:s8] =	dma.local @!p0 [hbm:s6], $0xF7A  }
0x23: {  	s9 =	sor.u32 $0xD0000000, s2;
	s6 =	simm.s32 $0x108;
	_ =	swait.ge @!p0 [sflag:s8], $0x0  }
0x24: {  	s3 =	sadd.s32 $0x88, s3;
	s6 =	simm.s32 @!p1 $0x1082;
	[sflag:s4] =	ssyncset.s32 $0xFFFFF086  }
0x25: {  	[simem:s6], [sflag:s4] =	dma.local [hbm:s3], $0xF7A  }
0x26: {  	[smem:$0x3F94] =	sst s1;
	(tag) =	ssettag s2;
	_ =	strace s9  }
0x27: {  	s1 =	sld [smem:$0x3FA4]  }
0x28: {  	s2 =	sld [smem:$0x3FA5]  }
0x29: {  	s4 =	sld [smem:$0x3FA7]  }
0x2a: {  	p0 =	seq.s32 s5, $0x0;
	s5 =	sld [smem:$0x3FA8]  }
0x2b: {  	s6 =	sld [smem:$0x3FA9]  }
0x2c: {  	s7 =	sld [smem:$0x3FAA]  }
0x2d: {  	s3 =	simm.s32 $0x108;
	s8 =	sld [smem:$0x3FAB]  }
0x2e: {  	s3 =	simm.s32 @!p0 $0x1082;
	s9 =	sld [smem:$0x3FAC]  }
0x2f: {  	lr =	sadd.s32 s0, s3;
	s0 =	sld [smem:$0x3FA3]  }
0x30: {  	s3 =	sld [smem:$0x3FA6]  }
0x31: {  	[smem:$0x3FAF] =	sst s10  }
0x32: {  	s10 =	sld [smem:$0x3FAD];
	_ =	sdelay $0x3  }
0x33: {  	p0 =	seq.s32 s10, $0x1;
	s10 =	sld [smem:$0x3FAF];
	_ =	sdelay $0x3  }
0x34: {  	[smem:$0x3FAF] =	sst s10  }
0x35: {  	s10 =	sld [smem:$0x3FAE];
	_ =	sdelay $0x3  }
0x36: {  	p1 =	seq.s32 s10, $0x1;
	s10 =	sld [smem:$0x3FAF];
	_ =	sdelay $0x3  }
0x37: {  	[smem:$0x3FAF] =	sst s10  }
0x38: {  	s10 =	sld [smem:$0x3FB0]  }
0x39: {  	_ = 	snop;
	(pc) =	sbr.ind lr, $3  }
0x3a: {  	_ = 	snop  }
0x3b: {  	_ = 	snop  }
0x3c: {  	p2 =	seq.s32 s10, $0x1;
	s10 =	sld [smem:$0x3FAF]  }
0x3d: {  	_ =	shalt  }
0x3e: {  	_ =	shalt  }
0x3f: {  	_ =	shalt  }
0x40: {  	_ =	shalt  }
0x41: {  	_ =	shalt  }
0x42: {  	_ =	shalt  }
0x43: {  	_ =	shalt  }
0x44: {  	_ =	shalt  }
0x45: {  	_ =	shalt  }
0x46: {  	_ =	shalt  }
0x47: {  	_ =	shalt  }
0x48: {  	_ =	shalt  }
0x49: {  	_ =	shalt  }
0x4a: {  	_ =	shalt  }
0x4b: {  	_ =	shalt  }
0x4c: {  	_ =	shalt  }
0x4d: {  	_ =	shalt  }
0x4e: {  	_ =	shalt  }
0x4f: {  	_ =	shalt  }
0x50: {  	_ =	shalt  }
0x51: {  	_ =	shalt  }
0x52: {  	_ =	shalt  }
0x53: {  	_ =	shalt  }
0x54: {  	_ =	shalt  }
0x55: {  	_ =	shalt  }
0x56: {  	_ =	shalt  }
0x57: {  	_ =	shalt  }
0x58: {  	_ =	shalt  }
0x59: {  	_ =	shalt  }
0x5a: {  	_ =	shalt  }
0x5b: {  	_ =	shalt  }
0x5c: {  	_ =	shalt  }
0x5d: {  	_ =	shalt  }
0x5e: {  	_ =	shalt  }
0x5f: {  	_ =	shalt  }
0x60: {  	_ =	shalt  }
0x61: {  	_ =	shalt  }
0x62: {  	_ =	shalt  }
0x63: {  	_ =	shalt  }
0x64: {  	_ =	shalt  }
0x65: {  	_ =	shalt  }
0x66: {  	_ =	shalt  }
0x67: {  	_ =	shalt  }
0x68: {  	_ =	shalt  }
0x69: {  	_ =	shalt  }
0x6a: {  	_ =	shalt  }
0x6b: {  	_ =	shalt  }
0x6c: {  	_ =	shalt  }
0x6d: {  	_ =	shalt  }
0x6e: {  	_ =	shalt  }
0x6f: {  	_ =	shalt  }
0x70: {  	_ =	shalt  }
0x71: {  	_ =	shalt  }
0x72: {  	_ =	shalt  }
0x73: {  	_ =	shalt  }
0x74: {  	_ =	shalt  }
0x75: {  	_ =	shalt  }
0x76: {  	_ =	shalt  }
0x77: {  	_ =	shalt  }
0x78: {  	_ =	shalt  }
0x79: {  	_ =	shalt  }
0x7a: {  	_ =	shalt  }
0x7b: {  	_ =	shalt  }
0x7c: {  	_ =	shalt  }
0x7d: {  	_ =	shalt  }
0x7e: {  	_ =	shalt  }
0x7f: {  	_ =	shalt  }
0x80: {  	_ =	shalt  }
0x81: {  	_ =	shalt  }
0x82: {  	_ =	shalt  }
0x83: {  	_ =	shalt  }
0x84: {  	_ =	shalt  }
0x85: {  	_ =	shalt  }
0x86: {  	_ =	shalt  }
0x87: {  	_ =	shalt  }
.Lfunc_end0:
.L_simem_size_0:
called_computation_lowered:
.L_overlay_start_0:
0x88: {  	s2 =	sld [smem:$0x3FD9]  }
0x89: {  	s3 =	sld [smem:$0x3FFE];
	_ =	sdelay $0x1  }
0x8a: {  	s1 =	srdreg.scid  }
0x8b: {  	s0 =	sand.u32 $0x1, s1  }
0x8c: {  	s17 =	sshll.u32 s0, $0xA;
	s2 =	sadd.s32 s3, s2  }
0x8d: {  	s2 =	sadd.s32 s2, s17  }
0x8e: {  	[smem:$0x3FBB] =	sst s2  }
0x8f: {  	_ = 	snop  }
0x90: {  	s2 =	sld [smem:$0x3FD0];
	(tm) =	ssettm $0x1  }
0x91: {  	s18 =	sld [smem:$0x3FFB];
	_ =	sdelay $0x3  }
0x92: {  	_ =	strace s18  }
0x93: {  	s3 =	sld [smem:$0x3FFC];
	_ =	sdelay $0x3  }
0x94: {  	_ =	strace s3  }
0x95: {  	s3 =	sld [smem:$0x3FFD];
	_ =	sdelay $0x3  }
0x96: {  	_ =	strace s3  }
0x97: {  	_ =	strace $0x8FFFFFFF  }
0x98: {  	s19 =	sld [smem:$0x3FDB];
	_ =	sdelay $0x1  }
0x99: {  	s4 =	simm.s32 $_scs_section_size  }
0x9a: {  	s5 =	simm.s32 $_size__tile_overlayer_lowered;
	s6 =	simm.s32 $_tile_overlayer_lowered  }
0x9b: {  	s22 =	simm.s32 $0x1BFF;
	s21 =	sshll.u32 s6, $0x1;
	s3 =	sadd.s32 s4, s19  }
0x9c: {  	s7 =	simm.s32 $0x0;
	s20 =	sshll.u32 s5, $0x1;
	s5 =	sadd.s32 s21, s3  }
0x9d: {  	[timem:s7], [sflag:s22] =	dma.local [hbm:s5], s20  }
0x9e: {  	_ =	swait.ge [sflag:s22], s20  }
0x9f: {  	s4 =	ssub.s32 $0x0, s20;
	[sflag:s22] =	ssyncset.done $0x0  }
0xa0: {  	[sflag:s22] =	ssyncadd.s32 s4;
	_ =	sdelay $0x1  }
0xa1: {  	s23 =	simm.s32 $0x1B8B  }
0xa2: {  	_ =	swait.ge [sflag:s23], $0x1  }
0xa3: {  	[sflag:s23] =	ssyncset.done $0x0  }
0xa4: {  	s25 =	simm.s32 $0x1B8E;
	s24 =	sld [smem:$0x3FFE];
	[sflag:s23] =	ssyncadd.s32 $0xFFFFFFFF  }
0xa5: {  	s26 =	simm.s32 $execute0_lowered;
	[smem:$0x3FD2] =	sst s25  }
0xa6: {  	s5 =	sshll.u32 s26, $0x1;
	_ =	strace $0x80000046;
	[dreg:$0x1] =	wrdreg $0xFFFFFFFF  }
0xa7: {  	s28 =	simm.s32 $_size_execute0_lowered;
	s3 =	sadd.s32 s3, s5;
	[dreg:$0x0] =	wrdreg $0x0  }
0xa8: {  	s5 =	sshll.u32 s28, $0x1;
	[dreg:$0x2] =	wrdreg s3  }
0xa9: {  	[dreg:$0x3] =	wrdreg s5  }
0xaa: {  	[dreg:$0x4] =	wrdreg $0xC0  }
0xab: {  	_ =	task [dreg:s7], $0x5FFFF  }
0xac: {  	[dreg:$0x1] =	wrdreg $0xFFFFFFFF  }
0xad: {  	[dreg:$0x0] =	wrdreg $0x60  }
0xae: {  	[dreg:$0x2] =	wrdreg s24  }
0xaf: {  	[dreg:$0x3] =	wrdreg s2  }
0xb0: {  	[dreg:$0x4] =	wrdreg $0x0  }
0xb1: {  	[dreg:$0x5] =	wrdreg $0x9  }
0xb2: {  	_ =	task.clear_ibuf [dreg:s7], $0x6FFFF;
	_ =	strace $0x90000046  }
0xb3: {  	s29 =	simm.s32 $0x9;
	_ =	strace $0x80000048  }
0xb4: {  	_ =	swait.ge [sflag:s29], $0x1  }
0xb5: {  	[sflag:s29] =	ssyncadd.s32 $0xFFFFFFFF  }
0xb6: {  	_ =	strace $0x90000048  }
0xb7: {  	_ =	sfence  }
0xb8: {  	s30 =	sld [smem:$0x0];
	_ =	sdelay $0x2  }
0xb9: {  	s31 =	sshll.u32 s1, $0xD;
	s1 =	sshrl.u32 s1, $0x2  }
0xba: {  	s3 =	sand.u32 $0x4000, s31;
	s1 =	sadd.s32 s1, s30  }
0xbb: {  	s0 =	sor.u32 s3, s0;
	s1 =	sshll.u32 s1, $0x11  }
0xbc: {  	s0 =	sor.u32 s1, s0  }
0xbd: {  	s0 =	sadd.s32 $0x8F2B, s0  }
0xbe: {  	[sflag:s0] =	ssyncadd.remote.s32 $0x1  }
0xbf: {  	_ =	sfence.sel $0xFFFF  }
0xc0: {  	[dreg:$0x0] =	wrdreg $0xFFFFFFFF;
	(pc) =	sbr.abs _section_cstart, $3  }
0xc1: {  	[dreg:$0x1] =	wrdreg $0xFFFFFFFF  }
0xc2: {  	_ =	task.clear_ibuf [dreg:s7], $0x2FFFF;
	_ =	strace $0x9FFFFFFF  }
0xc3: {  	(tm) =	ssettm $0x7FFFFFFF  }
tec
execute0_lowered:
.L_overlay_start_1:
0x0: {  	(tag) =	ssettag $0x1  }
0x1: {  	s4 =	rddreg [dreg:$0x0]  }
0x2: {  	s7 =	rddreg [dreg:$0x1]  }
0x3: {  	s1 =	rddreg [dreg:$0x2]  }
0x4: {  	s0 =	rddreg [dreg:$0x3];
	s3 =	simm.s32 $0x0;
	s5 =	srdreg.scid  }
0x5: {  	s2 =	stileid.u32;
	s12 =	simm.s32 $0x50;
	s13 =	simm.s32 $0x3280  }
0x6: {  	[smem:$0x7FF] =	sst s3;
	s5 =	sand.u32 $0x1, s5;
	s8 =	smul.u32 $0xA00, s2  }
0x7: {  	s4 =	sadd.s32 $0x2E00, s4;
	s11 =	sshll.u32 s2, $0xA;
	p0 =	sgt.u32 s2, $0x9  }
0x8: {  	_ =	strace $0x80000047;
	s6 =	ssub.s32 $0x2, s5;
	s10 =	smul.u32 $0x2800, s5  }
0x9: {  	s5 =	sshll.u32 s5, $0x4;
	s15 =	sadd.s32 s11, s1;
	s14 =	sshll.u32 @!p0 s2, $0x6  }
0xa: {  	s9 =	sshrl.u32 s6, $0x1;
	s29 =	sor.u32 s2, s5;
	s30 =	sshrl.u32 s8, $0x2  }
0xb: {  	s14 =	sor.u32 @!p0 $0x1C01, s14;
	s15 =	sshrl.u32 @!p0 s15, $0x3;
	s9 =	ssub.s32 s6, s9  }
0xc: {  	v0 =	vlaneseq.u32;
	s31 =	sadd.s32 s11, s10;
	s5 =	sadd.s32 s30, s1;
	s6 =	smul.u32 $0x5, s29  }
0xd: {  	v1 =	vimm.f32 $0.0e+00;
	v6 =	vimm.f32 $1.000000000e+00;
	v2 =	vor.u32 $0x10, v0;
	s10 =	simm.s32 $0x1;
	s11 =	simm.s32 $0x280;
	s8 =	sshrl.u32 s31, $0x3  }
0xe: {  	v3 =	vor.u32 $0x20, v0;
	v4 =	vor.u32 $0x30, v0;
	v5 =	vor.u32 $0x40, v0;
	s7 =	sadd.s32 s7, s8;
	s8 =	smax.u32 s9, $0x1;
	s9 =	simm.s32 $0xA80  }
.LBB2_1:
0xf: {  	s16 =	simm.s32 $0x70;
	s17 =	simm.s32 $0x3C0  }
.LBB2_2:
0x10: {  	p1 =	sne.s32 s17, $0x9FC0;
	[tilespmem:s16+$0xA80] =	vst v1  }
0x11: {  	[tilespmem:s16+$0xA10] =	vst v1  }
0x12: {  	[tilespmem:s16+$0xA20] =	vst v1  }
.Ltmp0:
0x13: {  	[tilespmem:s16+$0xA30] =	vst v1;
	(pc) =	sbr.rel @p1 .LBB2_2-.Ltmp0, $4  }
0x14: {  	[tilespmem:s16+$0xA40] =	vst v1  }
0x15: {  	[tilespmem:s16+$0xA50] =	vst v1  }
0x16: {  	[tilespmem:s16+$0xA60] =	vst v1  }
0x17: {  	[tilespmem:s16+$0xA70] =	vst v1;
	s16 =	sshra.s32 s17, $0x2;
	s17 =	sadd.s32 $0x200, s17  }
0x18: {  	[tilespmem:s16+$0xA80] =	vst v1  }
0x19: {  	[tilespmem:s16+$0xA10] =	vst v1  }
0x1a: {  	[tilespmem:s16+$0xA20] =	vst v1  }
0x1b: {  	[tilespmem:s16+$0xA30] =	vst v1  }
0x1c: {  	[tilespmem:s16+$0xA40] =	vst v1  }
0x1d: {  	[tilespmem:s16+$0xA50] =	vst v1  }
0x1e: {  	[tilespmem:s16+$0xA60] =	vst v1  }
0x1f: {  	[tilespmem:s16+$0xA70] =	vst v1  }
0x20: {  	[tilespmem:$0x3280] =	vst v0  }
0x21: {  	[tilespmem:$0x3290] =	vst v2  }
0x22: {  	[tilespmem:$0x32A0] =	vst v3  }
0x23: {  	[tilespmem:$0x32B0] =	vst v4  }
0x24: {  	[tilespmem:$0x32C0] =	vst v5  }
0x25: {  	[spmem:s5] =	stream.linear.scatter [tilespmem:s9], [sflag:$0x1], $0x280, $0x38;
	[tilespmem:$0x3300] =	vst v63  }
0x26: {  	_ =	swait.ge [sflag:s10], $0x280  }
0x27: {  	[sflag:s10] =	ssyncset.done $0x0  }
0x28: {  	[sflag:s10] =	ssyncadd.s32 $0xFFFFFD80  }
0x29: {  	s16 =	simm.s32 $0x0;
	s17 =	simm.s32 $0x0;
	[bflag:$0x0] =	sbarrier.arrive $0xFFFF  }
.LBB2_4:
0x2a: {  	s18 =	sadd.s32 s6, s17  }
0x2b: {  	s18 =	sshll.u32 s18, $0x8  }
0x2c: {  	s18 =	sadd.s32 s4, s18  }
0x2d: {  	[tilespmem:s11], [sflag:$0x1] =	stream.linear.gather [hbm4b:s18+s16], $0x800, $0x38;
	[tilespmem:$0x3300] =	vst v63  }
0x2e: {  	_ =	swait.ge [sflag:s10], $0x800  }
0x2f: {  	[sflag:s10] =	ssyncset.done $0x0  }
0x30: {  	s18 =	simm.s32 $0x0;
	[sflag:s10] =	ssyncadd.s32 $0xFFFFF800  }
.LBB2_5:
0x31: {  	s19 =	sshra.s32 s18, $0x2  }
0x32: {  	v7 =	vld [tilespmem:s19+$0x280];
	_ =	sdelay $0x7  }
0x33: {  	[tilespmem:v7+s9+$0x0] =	vst.idx.add.f32.msk $0xffff, v6  }
0x34: {  	v7 =	vld [tilespmem:s19+$0x290];
	_ =	sdelay $0x7  }
0x35: {  	[tilespmem:v7+s9+$0x0] =	vst.idx.add.f32.msk $0xffff, v6  }
0x36: {  	v7 =	vld [tilespmem:s19+$0x2A0];
	_ =	sdelay $0x7  }
0x37: {  	[tilespmem:v7+s9+$0x0] =	vst.idx.add.f32.msk $0xffff, v6  }
0x38: {  	v7 =	vld [tilespmem:s19+$0x2B0];
	_ =	sdelay $0x7  }
0x39: {  	[tilespmem:v7+s9+$0x0] =	vst.idx.add.f32.msk $0xffff, v6  }
0x3a: {  	v7 =	vld [tilespmem:s19+$0x2C0];
	_ =	sdelay $0x7  }
0x3b: {  	[tilespmem:v7+s9+$0x0] =	vst.idx.add.f32.msk $0xffff, v6  }
0x3c: {  	v7 =	vld [tilespmem:s19+$0x2D0];
	_ =	sdelay $0x7  }
0x3d: {  	[tilespmem:v7+s9+$0x0] =	vst.idx.add.f32.msk $0xffff, v6  }
0x3e: {  	v7 =	vld [tilespmem:s19+$0x2E0];
	_ =	sdelay $0x7  }
0x3f: {  	[tilespmem:v7+s9+$0x0] =	vst.idx.add.f32.msk $0xffff, v6  }
0x40: {  	v7 =	vld [tilespmem:s19+$0x2F0];
	_ =	sdelay $0x2  }
0x41: {  	p1 =	sne.s32 s18, $0x1E00  }
.Ltmp1:
0x42: {  	_ = 	snop;
	(pc) =	sbr.rel @p1 .LBB2_5-.Ltmp1, $2  }
0x43: {  	_ =	sdelay $0x2  }
0x44: {  	s18 =	sadd.s32 $0x200, s18;
	[tilespmem:v7+s9+$0x0] =	vst.idx.add.f32.msk $0xffff, v6  }
0x45: {  	s17 =	sadd.s32 $0x1, s17  }
0x46: {  	p1 =	sne.s32 s17, $0x5  }
.Ltmp2:
0x47: {  	_ = 	snop;
	(pc) =	sbr.rel @p1 .LBB2_4-.Ltmp2, $1  }
0x48: {  	_ =	sdelay $0x3  }
0x49: {  	[spmem:s1] =	stream.indirect.scatter.add.f32 [tilespmem:s9], [sflag:$0x1], $0x80, s13, s12, $0xb8;
	[tilespmem:$0x3300] =	vst v63  }
0x4a: {  	_ =	swait.ge [sflag:s10], $0x2800  }
0x4b: {  	s3 =	sadd.s32 $0x1, s3;
	[sflag:s10] =	ssyncset.done $0x0  }
0x4c: {  	p1 =	sne.s32 s3, s8;
	[sflag:s10] =	ssyncadd.s32 $0xFFFFD800  }
.Ltmp3:
0x4d: {  	s16 =	simm.s32 @!p0 $0x1;
	[bflag:$0x0] =	sbarrier.arrive $0xFFFF;
	(pc) =	sbr.rel @p1 .LBB2_1-.Ltmp3, $4  }
0x4e: {  	[hbm:s7], [sflag:s14] =	dma.local @!p0 [spmem:s15], $0x80  }
0x4f: {  	_ =	swait.ge @!p0 [sflag:s16], $0x80  }
0x50: {  	[sflag:s16] =	ssyncset.done @!p0 $0x0  }
0x51: {  	[sflag:s16] =	ssyncadd.s32 @!p0 $0xFFFFFF80  }
0x52: {  	_ =	sfence.sel $0x180000  }
0x53: {  	[bflag:$0x0] =	sbarrier.arrive $0xFFFF  }
0x54: {  	p0 =	sne.s32 s2, $0x0;
	_ =	strace $0x90000047  }
0x55: {  	s0 =	sadd.s32 @!p0 $0x100000, s0;
	[bflag:$0x2] =	sbarrier.arrive $0xFFFF  }
0x56: {  	[sflag:s0] =	ssyncadd.tile.s32 @!p0 $0x1;
	_ =	shalt  }
.Lfunc_end2:
_tile_overlayer_lowered:
.L_overlay_start_2:
0x57: {  	(tag) =	ssettag $0x2  }
0x58: {  	s0 =	rddreg [dreg:$0x0];
	s2 =	stileid.u32  }
0x59: {  	s1 =	rddreg [dreg:$0x1];
	p0 =	sne.s32 s2, $0x0  }
0x5a: {  	s3 =	rddreg [dreg:$0x2];
	[bflag:$0x3] =	sbarrier.arrive $0xFFFF;
	s2 =	simm.s32 @!p0 $0x1C01  }
0x5b: {  	[timem:s3], [sflag:s2] =	dma.local @!p0 [hbm:s0], s1  }
0x5c: {  	s0 =	simm.s32 @!p0 $0x1  }
0x5d: {  	_ =	swait.ge @!p0 [sflag:s0], s1  }
0x5e: {  	s1 =	ssub.s32 @!p0 $0x0, s1;
	[sflag:s0] =	ssyncset.done @!p0 $0x0  }
0x5f: {  	[sflag:s0] =	ssyncadd.s32 @!p0 s1  }
0x60: {  	[bflag:$0x3] =	sbarrier.arrive $0xFFFF  }
0x61: {  	_ =	shalt  }

// kernel: kernel.13.cloned.1.call-start
scs
__scs_entry_jumppad:
0x0: {  	(pc) =	sbr.rel $0x88, $3  }
0x1: {  	(tag) =	ssettag $0x0;
	lr =	simm.s32 $0x1  }
0x2: {  	[smem:$0x3F94] =	sst lr;
	_ =	strace $0xD0000000  }
0x3: {  	_ = 	snop  }
0x4: {  	_ = 	snop  }
0x5: {  	_ = 	snop  }
0x6: {  	_ = 	snop  }
0x7: {  	_ = 	snop  }
__scs_overlays_trampoline_lowered:
0x8: {  	[smem:$0x3FA3] =	sst s0  }
0x9: {  	[smem:$0x3FA4] =	sst s1  }
0xa: {  	[smem:$0x3FA5] =	sst s2  }
0xb: {  	[smem:$0x3FA6] =	sst s3  }
0xc: {  	[smem:$0x3FA7] =	sst s4  }
0xd: {  	[smem:$0x3FA8] =	sst s5  }
0xe: {  	[smem:$0x3FA9] =	sst s6  }
0xf: {  	[smem:$0x3FAA] =	sst s7  }
0x10: {  	[smem:$0x3FAB] =	sst s8  }
0x11: {  	[smem:$0x3FAC] =	sst s9;
	s0 =	simm.s32 @!p0 $0x0  }
0x12: {  	s1 =	sld [smem:$0x3F92];
	s0 =	simm.s32 @p0 $0x1  }
0x13: {  	[smem:$0x3FAD] =	sst s0;
	s0 =	simm.s32 @!p1 $0x0  }
0x14: {  	s2 =	sld [smem:$0x3F91];
	s0 =	simm.s32 @p1 $0x1  }
0x15: {  	[smem:$0x3FAE] =	sst s0;
	s0 =	simm.s32 @!p2 $0x0  }
0x16: {  	s3 =	sld [smem:$0x3FDB];
	s0 =	simm.s32 @p2 $0x1  }
0x17: {  	s4 =	simm.s32 $0x1BF5;
	[smem:$0x3FB0] =	sst s0  }
0x18: {  	s0 =	sld [smem:$0x3F93];
	_ =	swait.ge [sflag:s4], $0x0  }
0x19: {  	s7 =	sld [smem:$0x3F94]  }
0x1a: {  	s8 =	sadd.s32 $0xFFFFE003, lr  }
0x1b: {  	s9 =	sadd.s32 $0xFFFFFEF7, lr;
	s5 =	simm.s32 $0xFFFFFFFF;
	p2 =	slt.u32 s8, $0xFFFFF086  }
0x1c: {  	p1 =	slt.u32 s9, $0xF7A;
	s5 =	simm.s32 @!p2 $0x0  }
0x1d: {  	s5 =	simm.s32 @p1 $0x1;
	p0 =	seq.s32 s7, s2  }
0x1e: {  	s7 =	smul.u32 @!p0 $0xF7A, s2;
	p2 =	seq.s32 @!p0 s5, $0x0  }
0x1f: {  	s9 =	smul.u32 $0xF7A, s1;
	s8 =	simm.s32 @!p0 $0x1BF5;
	p2 =	por !p2, p0  }
0x20: {  	[sflag:s8] =	ssyncset.s32 @!p0 $0xFFFFF086;
	s6 =	sadd.s32 @!p0 s3, s7;
	s7 =	simm.s32 @!p0 $0x108  }
0x21: {  	s3 =	sadd.s32 s3, s9;
	s6 =	sadd.s32 @!p0 $0x88, s6;
	s7 =	simm.s32 @p2 $0x1082  }
0x22: {  	[simem:s7], [sflag:s8] =	dma.local @!p0 [hbm:s6], $0xF7A  }
0x23: {  	s9 =	sor.u32 $0xD0000000, s2;
	s6 =	simm.s32 $0x108;
	_ =	swait.ge @!p0 [sflag:s8], $0x0  }
0x24: {  	s3 =	sadd.s32 $0x88, s3;
	s6 =	simm.s32 @!p1 $0x1082;
	[sflag:s4] =	ssyncset.s32 $0xFFFFF086  }
0x25: {  	[simem:s6], [sflag:s4] =	dma.local [hbm:s3], $0xF7A  }
0x26: {  	[smem:$0x3F94] =	sst s1;
	(tag) =	ssettag s2;
	_ =	strace s9  }
0x27: {  	s1 =	sld [smem:$0x3FA4]  }
0x28: {  	s2 =	sld [smem:$0x3FA5]  }
0x29: {  	s4 =	sld [smem:$0x3FA7]  }
0x2a: {  	p0 =	seq.s32 s5, $0x0;
	s5 =	sld [smem:$0x3FA8]  }
0x2b: {  	s6 =	sld [smem:$0x3FA9]  }
0x2c: {  	s7 =	sld [smem:$0x3FAA]  }
0x2d: {  	s3 =	simm.s32 $0x108;
	s8 =	sld [smem:$0x3FAB]  }
0x2e: {  	s3 =	simm.s32 @!p0 $0x1082;
	s9 =	sld [smem:$0x3FAC]  }
0x2f: {  	lr =	sadd.s32 s0, s3;
	s0 =	sld [smem:$0x3FA3]  }
0x30: {  	s3 =	sld [smem:$0x3FA6]  }
0x31: {  	[smem:$0x3FAF] =	sst s10  }
0x32: {  	s10 =	sld [smem:$0x3FAD];
	_ =	sdelay $0x3  }
0x33: {  	p0 =	seq.s32 s10, $0x1;
	s10 =	sld [smem:$0x3FAF];
	_ =	sdelay $0x3  }
0x34: {  	[smem:$0x3FAF] =	sst s10  }
0x35: {  	s10 =	sld [smem:$0x3FAE];
	_ =	sdelay $0x3  }
0x36: {  	p1 =	seq.s32 s10, $0x1;
	s10 =	sld [smem:$0x3FAF];
	_ =	sdelay $0x3  }
0x37: {  	[smem:$0x3FAF] =	sst s10  }
0x38: {  	s10 =	sld [smem:$0x3FB0]  }
0x39: {  	_ = 	snop;
	(pc) =	sbr.ind lr, $3  }
0x3a: {  	_ = 	snop  }
0x3b: {  	_ = 	snop  }
0x3c: {  	p2 =	seq.s32 s10, $0x1;
	s10 =	sld [smem:$0x3FAF]  }
0x3d: {  	_ =	shalt  }
0x3e: {  	_ =	shalt  }
0x3f: {  	_ =	shalt  }
0x40: {  	_ =	shalt  }
0x41: {  	_ =	shalt  }
0x42: {  	_ =	shalt  }
0x43: {  	_ =	shalt  }
0x44: {  	_ =	shalt  }
0x45: {  	_ =	shalt  }
0x46: {  	_ =	shalt  }
0x47: {  	_ =	shalt  }
0x48: {  	_ =	shalt  }
0x49: {  	_ =	shalt  }
0x4a: {  	_ =	shalt  }
0x4b: {  	_ =	shalt  }
0x4c: {  	_ =	shalt  }
0x4d: {  	_ =	shalt  }
0x4e: {  	_ =	shalt  }
0x4f: {  	_ =	shalt  }
0x50: {  	_ =	shalt  }
0x51: {  	_ =	shalt  }
0x52: {  	_ =	shalt  }
0x53: {  	_ =	shalt  }
0x54: {  	_ =	shalt  }
0x55: {  	_ =	shalt  }
0x56: {  	_ =	shalt  }
0x57: {  	_ =	shalt  }
0x58: {  	_ =	shalt  }
0x59: {  	_ =	shalt  }
0x5a: {  	_ =	shalt  }
0x5b: {  	_ =	shalt  }
0x5c: {  	_ =	shalt  }
0x5d: {  	_ =	shalt  }
0x5e: {  	_ =	shalt  }
0x5f: {  	_ =	shalt  }
0x60: {  	_ =	shalt  }
0x61: {  	_ =	shalt  }
0x62: {  	_ =	shalt  }
0x63: {  	_ =	shalt  }
0x64: {  	_ =	shalt  }
0x65: {  	_ =	shalt  }
0x66: {  	_ =	shalt  }
0x67: {  	_ =	shalt  }
0x68: {  	_ =	shalt  }
0x69: {  	_ =	shalt  }
0x6a: {  	_ =	shalt  }
0x6b: {  	_ =	shalt  }
0x6c: {  	_ =	shalt  }
0x6d: {  	_ =	shalt  }
0x6e: {  	_ =	shalt  }
0x6f: {  	_ =	shalt  }
0x70: {  	_ =	shalt  }
0x71: {  	_ =	shalt  }
0x72: {  	_ =	shalt  }
0x73: {  	_ =	shalt  }
0x74: {  	_ =	shalt  }
0x75: {  	_ =	shalt  }
0x76: {  	_ =	shalt  }
0x77: {  	_ =	shalt  }
0x78: {  	_ =	shalt  }
0x79: {  	_ =	shalt  }
0x7a: {  	_ =	shalt  }
0x7b: {  	_ =	shalt  }
0x7c: {  	_ =	shalt  }
0x7d: {  	_ =	shalt  }
0x7e: {  	_ =	shalt  }
0x7f: {  	_ =	shalt  }
0x80: {  	_ =	shalt  }
0x81: {  	_ =	shalt  }
0x82: {  	_ =	shalt  }
0x83: {  	_ =	shalt  }
0x84: {  	_ =	shalt  }
0x85: {  	_ =	shalt  }
0x86: {  	_ =	shalt  }
0x87: {  	_ =	shalt  }
.Lfunc_end0:
.L_simem_size_0:
called_computation.1_lowered:
.L_overlay_start_0:
0x88: {  	s2 =	sld [smem:$0x3FD9]  }
0x89: {  	s3 =	sld [smem:$0x3FFE];
	_ =	sdelay $0x1  }
0x8a: {  	s1 =	srdreg.scid  }
0x8b: {  	s0 =	sand.u32 $0x1, s1  }
0x8c: {  	s17 =	sshll.u32 s0, $0xA;
	s2 =	sadd.s32 s3, s2  }
0x8d: {  	s2 =	sadd.s32 s2, s17  }
0x8e: {  	[smem:$0x3FBB] =	sst s2  }
0x8f: {  	_ = 	snop  }
0x90: {  	(tm) =	ssettm $0x1  }
0x91: {  	s18 =	sld [smem:$0x3FFB];
	_ =	sdelay $0x3  }
0x92: {  	_ =	strace s18  }
0x93: {  	s2 =	sld [smem:$0x3FFC];
	_ =	sdelay $0x3  }
0x94: {  	_ =	strace s2  }
0x95: {  	s2 =	sld [smem:$0x3FFD];
	_ =	sdelay $0x3  }
0x96: {  	_ =	strace s2  }
0x97: {  	_ =	strace $0x8FFFFFFF  }
0x98: {  	s19 =	sld [smem:$0x3FDB];
	_ =	sdelay $0x1  }
0x99: {  	s20 =	simm.s32 $_scs_section_size  }
0x9a: {  	s4 =	simm.s32 $_size__tile_overlayer_lowered;
	s5 =	simm.s32 $_tile_overlayer_lowered  }
0x9b: {  	s6 =	simm.s32 $0x1BFF;
	s21 =	sshll.u32 s5, $0x1;
	s3 =	sadd.s32 s20, s19  }
0x9c: {  	s22 =	simm.s32 $0x0;
	s4 =	sshll.u32 s4, $0x1;
	s5 =	sadd.s32 s21, s3  }
0x9d: {  	[timem:s22], [sflag:s6] =	dma.local [hbm:s5], s4  }
0x9e: {  	_ =	swait.ge [sflag:s6], s4  }
0x9f: {  	s4 =	ssub.s32 $0x0, s4;
	[sflag:s6] =	ssyncset.done $0x0  }
0xa0: {  	[sflag:s6] =	ssyncadd.s32 s4;
	_ =	sdelay $0x1  }
0xa1: {  	s23 =	simm.s32 $0x1B8B  }
0xa2: {  	_ =	swait.ge [sflag:s23], $0x1  }
0xa3: {  	[sflag:s23] =	ssyncset.done $0x0  }
0xa4: {  	[sflag:s23] =	ssyncadd.s32 $0xFFFFFFFF  }
0xa5: {  	s4 =	sld [smem:$0x0]  }
0xa6: {  	s5 =	sand.u32 $0xFFFFFFFE, s1  }
0xa7: {  	p0 =	sne.s32 s1, s5  }
0xa8: {  	s5 =	sshll.u32 @p0 s5, $0xE  }
0xa9: {  	s5 =	sadd.s32 @p0 $0x11B8D, s5;
	s6 =	sshll.u32 @p0 s4, $0x11  }
0xaa: {  	s5 =	sor.u32 @p0 s6, s5  }
0xab: {  	[sflag:s5] =	ssyncadd.remote.s32 @p0 $0x1;
	_ =	sdelay $0x1  }
0xac: {  	s5 =	simm.s32 @p0 $0x1B8D  }
0xad: {  	_ =	swait.eq @p0 [sflag:s5], $0x1  }
0xae: {  	[sflag:s5] =	ssyncadd.s32 @p0 $0xFFFFFFFF  }
0xaf: {  	s6 =	sshll.u32 @!p0 s1, $0xE  }
0xb0: {  	s6 =	sor.u32 @!p0 $0x4000, s6;
	s5 =	simm.s32 @!p0 $0x1B8D  }
0xb1: {  	s4 =	sshll.u32 @!p0 s4, $0x11;
	s6 =	sadd.s32 @!p0 $0x11B8D, s6;
	_ =	swait.eq @!p0 [sflag:s5], $0x1  }
0xb2: {  	s4 =	sor.u32 @!p0 s4, s6;
	[sflag:s5] =	ssyncadd.s32 @!p0 $0xFFFFFFFF  }
0xb3: {  	s25 =	simm.s32 $0x1B8E;
	s24 =	sld [smem:$0x3FFE];
	[sflag:s4] =	ssyncadd.remote.s32 @!p0 $0x1  }
0xb4: {  	s26 =	simm.s32 $execute0_lowered;
	[smem:$0x3FD2] =	sst s25  }
0xb5: {  	s5 =	sshll.u32 s26, $0x1;
	_ =	strace $0x80000049;
	[dreg:$0x1] =	wrdreg $0xFFFFFFFF  }
0xb6: {  	s28 =	simm.s32 $_size_execute0_lowered;
	s3 =	sadd.s32 s3, s5;
	[dreg:$0x0] =	wrdreg $0x0  }
0xb7: {  	s5 =	sshll.u32 s28, $0x1;
	[dreg:$0x2] =	wrdreg s3  }
0xb8: {  	[dreg:$0x3] =	wrdreg s5  }
0xb9: {  	[dreg:$0x4] =	wrdreg $0xC0  }
0xba: {  	_ =	task [dreg:s22], $0x5FFFF  }
0xbb: {  	[dreg:$0x1] =	wrdreg $0xFFFFFFFF  }
0xbc: {  	[dreg:$0x0] =	wrdreg $0x60  }
0xbd: {  	[dreg:$0x2] =	wrdreg s24  }
0xbe: {  	[dreg:$0x3] =	wrdreg $0x0  }
0xbf: {  	[dreg:$0x4] =	wrdreg $0xA  }
0xc0: {  	_ =	task.clear_ibuf [dreg:s22], $0x5FFFF;
	_ =	strace $0x90000049  }
0xc1: {  	s29 =	simm.s32 $0xA;
	_ =	strace $0x8000004B  }
0xc2: {  	_ =	swait.ge [sflag:s29], $0x1  }
0xc3: {  	[sflag:s29] =	ssyncadd.s32 $0xFFFFFFFF  }
0xc4: {  	_ =	strace $0x9000004B  }
0xc5: {  	_ =	sfence  }
0xc6: {  	s30 =	sld [smem:$0x0];
	_ =	sdelay $0x2  }
0xc7: {  	s31 =	sshll.u32 s1, $0xD;
	s1 =	sshrl.u32 s1, $0x2  }
0xc8: {  	s4 =	sand.u32 $0x4000, s31;
	s1 =	sadd.s32 s1, s30  }
0xc9: {  	s0 =	sor.u32 s4, s0;
	s1 =	sshll.u32 s1, $0x11  }
0xca: {  	s0 =	sor.u32 s1, s0  }
0xcb: {  	s0 =	sadd.s32 $0x8F2B, s0  }
0xcc: {  	[sflag:s0] =	ssyncadd.remote.s32 $0x1  }
0xcd: {  	_ =	sfence.sel $0xFFFF  }
0xce: {  	[dreg:$0x0] =	wrdreg $0xFFFFFFFF;
	(pc) =	sbr.abs _section_cstart, $3  }
0xcf: {  	[dreg:$0x1] =	wrdreg $0xFFFFFFFF  }
0xd0: {  	_ =	task.clear_ibuf [dreg:s22], $0x2FFFF;
	_ =	strace $0x9FFFFFFF  }
0xd1: {  	(tm) =	ssettm $0x7FFFFFFF  }
tec
execute0_lowered:
.L_overlay_start_1:
0x0: {  	(tag) =	ssettag $0x1  }
0x1: {  	s0 =	rddreg [dreg:$0x0]  }
0x2: {  	s1 =	rddreg [dreg:$0x1]  }
0x3: {  	s2 =	srdreg.scid;
	s3 =	simm.s32 $0x0;
	s11 =	stileid.u32  }
0x4: {  	s30 =	simm.s32 $0x14400;
	s31 =	simm.s32 $0x14B80;
	s12 =	simm.s32 $0x14500  }
0x5: {  	s13 =	simm.s32 $0x14C80;
	s14 =	simm.s32 $0x14580;
	s28 =	simm.s32 $0x14F00  }
0x6: {  	s29 =	simm.s32 $0x14F80;
	s2 =	sand.u32 $0x1, s2;
	[smem:$0x7FF] =	sst s3  }
0x7: {  	s6 =	smul.u32 $0x14000, s11;
	s4 =	sadd.s32 $0x16E00, s0;
	s9 =	sadd.s32 $0xCE00, s0  }
0x8: {  	s7 =	smul.u32 $0x50000, s11;
	s10 =	sadd.s32 $0x2E00, s0;
	s18 =	sshll.u32 s11, $0x9  }
0x9: {  	s19 =	sshll.u32 s11, $0xB;
	s5 =	smul.u32 $0x140000, s2;
	_ =	strace $0x8000004A  }
0xa: {  	s15 =	ssub.s32 $0x2, s2;
	p0 =	seq.s32 s2, $0x1;
	[dreg:$0x6] =	wrdreg s10  }
0xb: {  	s2 =	sor.u32 $0x8000, s18;
	s22 =	sadd.s32 s19, s10;
	[dreg:$0x5] =	wrdreg s9  }
0xc: {  	s24 =	sadd.s32 s19, s9;
	s18 =	simm.s32 $0x14800;
	[dreg:$0x8] =	wrdreg s2  }
0xd: {  	s19 =	simm.s32 $0x80;
	s8 =	sshrl.u32 s15, $0x1;
	[dreg:$0x3] =	wrdreg s22  }
0xe: {  	s17 =	sshrl.u32 s7, $0x2;
	[dreg:$0x4] =	wrdreg s24;
	s22 =	simm.s32 $0x1  }
0xf: {  	s24 =	simm.s32 $0x2;
	s2 =	simm.s32 $0x14C00;
	s5 =	sadd.s32 s6, s5  }
0x10: {  	s16 =	ssub.s32 s15, s8;
	s7 =	sadd.s32 s17, s1;
	s15 =	simm.s32 $0x15000  }
0x11: {  	s17 =	simm.s32 $0x14000;
	s20 =	smax.u32 s16, $0x1;
	[dreg:$0x7] =	wrdreg s7  }
0x12: {  	s6 =	simm.s32 $0x14D80;
	s21 =	sadd.s32 $0x4000, s7;
	[dreg:$0xa] =	wrdreg s20  }
0x13: {  	s8 =	simm.s32 $0x14680;
	s23 =	sadd.s32 $0x8000, s7;
	[dreg:$0xb] =	wrdreg s21  }
0x14: {  	s5 =	sshrl.u32 s5, $0x3;
	s25 =	sadd.s32 $0xC000, s7;
	[dreg:$0xc] =	wrdreg s23  }
.Ltmp0:
0x15: {  	s26 =	sadd.s32 $0x10000, s7;
	[dreg:$0xd] =	wrdreg s25;
	(pc) =	sbr.rel .LBB2_1-.Ltmp0, $4  }
0x16: {  	s16 =	simm.s32 $0x3;
	s0 =	sadd.s32 s5, s0;
	[dreg:$0xe] =	wrdreg s26  }
0x17: {  	s21 =	simm.s32 $0x19000;
	s5 =	simm.s32 $0x14600;
	s20 =	simm.s32 $0x14E00  }
0x18: {  	s23 =	simm.s32 $0x14700;
	s25 =	simm.s32 $0x14E80;
	s0 =	sadd.s32 $0x3EE00, s0  }
0x19: {  	v0 =	vimm.f32 $0.0e+00;
	s26 =	simm.s32 $0x14780;
	[dreg:$0x9] =	wrdreg s0;
	s0 =	simm.s32 $0x0  }
.LBB2_6:
0x1a: {  	[sflag:s16] =	ssyncset.done $0x0  }
0x1b: {  	[sflag:s16] =	ssyncadd.s32 $0xFFFFC000  }
.LBB2_8:
0x1c: {  	s0 =	stileid.u32;
	[bflag:$0x0] =	sbarrier.arrive $0xFFFF  }
0x1d: {  	s9 =	sshll.u32 s0, $0x6;
	s7 =	rddreg [dreg:$0x7]  }
0x1e: {  	s11 =	rddreg [dreg:$0x9];
	s9 =	sor.u32 $0x1C03, s9;
	s10 =	sshrl.u32 s7, $0x3  }
0x1f: {  	[hbm:s11], [sflag:s9] =	dma.local [spmem:s10], $0x2800  }
0x20: {  	_ =	swait.ge [sflag:s16], $0x2800  }
0x21: {  	s10 =	rddreg [dreg:$0xf]  }
0x22: {  	s11 =	rddreg [dreg:$0xa];
	s0 =	sadd.s32 $0x1, s10  }
0x23: {  	p1 =	sne.s32 s0, s11  }
.Ltmp1:
0x24: {  	_ = 	snop;
	(pc) =	sbr.rel @!p1 .LBB2_9-.Ltmp1, $3  }
0x25: {  	_ =	sdelay $0x1  }
0x26: {  	[sflag:s16] =	ssyncset.done $0x0  }
0x27: {  	[sflag:s16] =	ssyncadd.s32 $0xFFFFD800  }
.LBB2_1:
0x28: {  	[dreg:$0xf] =	wrdreg s0;
	s9 =	simm.s32 $0x0;
	s10 =	simm.s32 $0x200  }
.LBB2_2:
0x29: {  	p1 =	sne.s32 s10, $0xFE00;
	[tilespmem:s9+$0x15070] =	vst v0  }
0x2a: {  	[tilespmem:s9+$0x15000] =	vst v0  }
0x2b: {  	[tilespmem:s9+$0x15010] =	vst v0  }
.Ltmp2:
0x2c: {  	[tilespmem:s9+$0x15020] =	vst v0;
	(pc) =	sbr.rel @p1 .LBB2_2-.Ltmp2, $4  }
0x2d: {  	[tilespmem:s9+$0x15030] =	vst v0  }
0x2e: {  	[tilespmem:s9+$0x15040] =	vst v0  }
0x2f: {  	[tilespmem:s9+$0x15050] =	vst v0  }
0x30: {  	[tilespmem:s9+$0x15060] =	vst v0;
	s9 =	sshra.s32 s10, $0x2;
	s10 =	sadd.s32 $0x200, s10  }
0x31: {  	[tilespmem:s9+$0x15070] =	vst v0  }
0x32: {  	[tilespmem:s9+$0x15000] =	vst v0  }
0x33: {  	[tilespmem:s9+$0x15010] =	vst v0  }
0x34: {  	[tilespmem:s9+$0x15020] =	vst v0  }
0x35: {  	[tilespmem:s9+$0x15030] =	vst v0  }
0x36: {  	[tilespmem:s9+$0x15040] =	vst v0  }
0x37: {  	[tilespmem:s9+$0x15050] =	vst v0  }
0x38: {  	[tilespmem:s9+$0x15060] =	vst v0  }
0x39: {  	[spmem:s7] =	stream.linear.scatter [tilespmem:s15], [sflag:$0x3], $0x4000, $0x38;
	[tilespmem:$0x1D000] =	vst v63  }
0x3a: {  	_ =	swait.ge [sflag:s16], $0x4000  }
0x3b: {  	[sflag:s16] =	ssyncset.done $0x0  }
0x3c: {  	s0 =	rddreg [dreg:$0xb];
	[sflag:s16] =	ssyncadd.s32 $0xFFFFC000  }
0x3d: {  	[spmem:s0] =	stream.linear.scatter [tilespmem:s15], [sflag:$0x3], $0x4000, $0x38;
	[tilespmem:$0x1D000] =	vst v63  }
0x3e: {  	_ =	swait.ge [sflag:s16], $0x4000  }
0x3f: {  	[sflag:s16] =	ssyncset.done $0x0  }
0x40: {  	s7 =	rddreg [dreg:$0xc];
	[sflag:s16] =	ssyncadd.s32 $0xFFFFC000  }
0x41: {  	[spmem:s7] =	stream.linear.scatter [tilespmem:s15], [sflag:$0x3], $0x4000, $0x38;
	[tilespmem:$0x1D000] =	vst v63  }
0x42: {  	_ =	swait.ge [sflag:s16], $0x4000  }
0x43: {  	[sflag:s16] =	ssyncset.done $0x0  }
0x44: {  	s10 =	rddreg [dreg:$0xd];
	[sflag:s16] =	ssyncadd.s32 $0xFFFFC000  }
0x45: {  	[spmem:s10] =	stream.linear.scatter [tilespmem:s15], [sflag:$0x3], $0x4000, $0x38;
	[tilespmem:$0x1D000] =	vst v63  }
0x46: {  	_ =	swait.ge [sflag:s16], $0x4000  }
0x47: {  	[sflag:s16] =	ssyncset.done $0x0  }
0x48: {  	s11 =	rddreg [dreg:$0xe];
	[sflag:s16] =	ssyncadd.s32 $0xFFFFC000  }
0x49: {  	[spmem:s11] =	stream.linear.scatter [tilespmem:s15], [sflag:$0x3], $0x4000, $0x38;
	[tilespmem:$0x1D000] =	vst v63  }
.Ltmp3:
0x4a: {  	_ =	swait.ge [sflag:s16], $0x4000;
	(pc) =	sbr.rel @!p0 .LBB2_4-.Ltmp3, $4  }
0x4b: {  	[sflag:s16] =	ssyncset.done $0x0  }
0x4c: {  	[sflag:s16] =	ssyncadd.s32 $0xFFFFC000  }
0x4d: {  	s9 =	simm.s32 $0x0;
	p1 =	por $0x1, $0x1;
	[bflag:$0x0] =	sbarrier.arrive $0xFFFF  }
0x4e: {  	s0 =	simm.s32 $0x14480;
	s7 =	simm.s32 $0x14D00;
	s11 =	rddreg [dreg:$0x8]  }
.LBB2_7:
0x4f: {  	s9 =	sor.u32 s11, s9;
	s10 =	rddreg [dreg:$0x5]  }
0x50: {  	s10 =	sadd.s32 s10, s9  }
0x51: {  	[tilespmem:s17], [sflag:$0x3] =	stream.linear.gather [hbm4b:s10+s3], $0x800, $0x38;
	[tilespmem:$0x1D000] =	vst v63  }
0x52: {  	_ =	swait.ge [sflag:s16], $0x800  }
0x53: {  	[sflag:s16] =	ssyncset.done $0x0;
	s10 =	rddreg [dreg:$0x6]  }
0x54: {  	[sflag:s16] =	ssyncadd.s32 $0xFFFFF800;
	s9 =	sadd.s32 s10, s9  }
0x55: {  	[tilespmem:s18], [sflag:$0x3] =	stream.linear.gather [hbm4b:s9+s3], $0x800, $0x38;
	[tilespmem:$0x1D000] =	vst v63  }
0x56: {  	_ =	swait.ge [sflag:s16], $0x800  }
0x57: {  	[sflag:s16] =	ssyncset.done $0x0  }
0x58: {  	[sflag:s16] =	ssyncadd.s32 $0xFFFFF800  }
0x59: {  	[tilespmem:s15], [sflag:$0x1] =	stream.indirect.gather [hbm4b:s4+s19], $0x80, s17, s19, $0xb8;
	[tilespmem:$0x1D000] =	vst v63  }
0x5a: {  	s10 =	simm.s32 $0x14080  }
0x5b: {  	[tilespmem:s21], [sflag:$0x2] =	stream.indirect.gather [hbm4b:s4+s19], $0x80, s10, s19, $0xb8;
	[tilespmem:$0x1D000] =	vst v63  }
0x5c: {  	_ =	swait.ge [sflag:s22], $0x4000  }
0x5d: {  	[sflag:s22] =	ssyncset.done $0x0  }
0x5e: {  	[sflag:s22] =	ssyncadd.s32 $0xFFFFC000  }
0x5f: {  	[spmem:s1] =	stream.indirect.scatter.add.f32 [tilespmem:s15], [sflag:$0x3], $0x80, s18, s19, $0xb8;
	[tilespmem:$0x1D000] =	vst v63  }
0x60: {  	_ =	swait.ge [sflag:s16], $0x4000  }
0x61: {  	[sflag:s16] =	ssyncset.done $0x0  }
0x62: {  	s10 =	simm.s32 $0x14100;
	[sflag:s16] =	ssyncadd.s32 $0xFFFFC000  }
0x63: {  	[tilespmem:s15], [sflag:$0x1] =	stream.indirect.gather [hbm4b:s4+s19], $0x80, s10, s19, $0xb8;
	[tilespmem:$0x1D000] =	vst v63  }
0x64: {  	_ =	swait.ge [sflag:s24], $0x4000  }
0x65: {  	[sflag:s24] =	ssyncset.done $0x0  }
0x66: {  	s10 =	simm.s32 $0x14880;
	[sflag:s24] =	ssyncadd.s32 $0xFFFFC000  }
0x67: {  	[spmem:s1] =	stream.indirect.scatter.add.f32 [tilespmem:s21], [sflag:$0x3], $0x80, s10, s19, $0xb8;
	[tilespmem:$0x1D000] =	vst v63  }
0x68: {  	_ =	swait.ge [sflag:s16], $0x4000  }
0x69: {  	[sflag:s16] =	ssyncset.done $0x0  }
0x6a: {  	s10 =	simm.s32 $0x14180;
	[sflag:s16] =	ssyncadd.s32 $0xFFFFC000  }
0x6b: {  	[tilespmem:s21], [sflag:$0x2] =	stream.indirect.gather [hbm4b:s4+s19], $0x80, s10, s19, $0xb8;
	[tilespmem:$0x1D000] =	vst v63  }
0x6c: {  	_ =	swait.ge [sflag:s22], $0x4000  }
0x6d: {  	[sflag:s22] =	ssyncset.done $0x0  }
0x6e: {  	s10 =	simm.s32 $0x14900;
	[sflag:s22] =	ssyncadd.s32 $0xFFFFC000  }
0x6f: {  	[spmem:s1] =	stream.indirect.scatter.add.f32 [tilespmem:s15], [sflag:$0x3], $0x80, s10, s19, $0xb8;
	[tilespmem:$0x1D000] =	vst v63  }
0x70: {  	_ =	swait.ge [sflag:s16], $0x4000  }
0x71: {  	[sflag:s16] =	ssyncset.done $0x0  }
0x72: {  	s10 =	simm.s32 $0x14200;
	[sflag:s16] =	ssyncadd.s32 $0xFFFFC000  }
0x73: {  	[tilespmem:s15], [sflag:$0x1] =	stream.indirect.gather [hbm4b:s4+s19], $0x80, s10, s19, $0xb8;
	[tilespmem:$0x1D000] =	vst v63  }
0x74: {  	_ =	swait.ge [sflag:s24], $0x4000  }
0x75: {  	[sflag:s24] =	ssyncset.done $0x0  }
0x76: {  	s10 =	simm.s32 $0x14980;
	[sflag:s24] =	ssyncadd.s32 $0xFFFFC000  }
0x77: {  	[spmem:s1] =	stream.indirect.scatter.add.f32 [tilespmem:s21], [sflag:$0x3], $0x80, s10, s19, $0xb8;
	[tilespmem:$0x1D000] =	vst v63  }
0x78: {  	_ =	swait.ge [sflag:s16], $0x4000  }
0x79: {  	[sflag:s16] =	ssyncset.done $0x0  }
0x7a: {  	s10 =	simm.s32 $0x14280;
	[sflag:s16] =	ssyncadd.s32 $0xFFFFC000  }
0x7b: {  	[tilespmem:s21], [sflag:$0x2] =	stream.indirect.gather [hbm4b:s4+s19], $0x80, s10, s19, $0xb8;
	[tilespmem:$0x1D000] =	vst v63  }
0x7c: {  	_ =	swait.ge [sflag:s22], $0x4000  }
0x7d: {  	[sflag:s22] =	ssyncset.done $0x0  }
0x7e: {  	s10 =	simm.s32 $0x14A00;
	[sflag:s22] =	ssyncadd.s32 $0xFFFFC000  }
0x7f: {  	[spmem:s1] =	stream.indirect.scatter.add.f32 [tilespmem:s15], [sflag:$0x3], $0x80, s10, s19, $0xb8;
	[tilespmem:$0x1D000] =	vst v63  }
0x80: {  	_ =	swait.ge [sflag:s16], $0x4000  }
0x81: {  	[sflag:s16] =	ssyncset.done $0x0  }
0x82: {  	s10 =	simm.s32 $0x14300;
	[sflag:s16] =	ssyncadd.s32 $0xFFFFC000  }
0x83: {  	[tilespmem:s15], [sflag:$0x1] =	stream.indirect.gather [hbm4b:s4+s19], $0x80, s10, s19, $0xb8;
	[tilespmem:$0x1D000] =	vst v63  }
0x84: {  	_ =	swait.ge [sflag:s24], $0x4000  }
0x85: {  	[sflag:s24] =	ssyncset.done $0x0  }
0x86: {  	s10 =	simm.s32 $0x14A80;
	[sflag:s24] =	ssyncadd.s32 $0xFFFFC000  }
0x87: {  	[spmem:s1] =	stream.indirect.scatter.add.f32 [tilespmem:s21], [sflag:$0x3], $0x80, s10, s19, $0xb8;
	[tilespmem:$0x1D000] =	vst v63  }
0x88: {  	_ =	swait.ge [sflag:s16], $0x4000  }
0x89: {  	[sflag:s16] =	ssyncset.done $0x0  }
0x8a: {  	s10 =	simm.s32 $0x14380;
	[sflag:s16] =	ssyncadd.s32 $0xFFFFC000  }
0x8b: {  	[tilespmem:s21], [sflag:$0x2] =	stream.indirect.gather [hbm4b:s4+s19], $0x80, s10, s19, $0xb8;
	[tilespmem:$0x1D000] =	vst v63  }
0x8c: {  	_ =	swait.ge [sflag:s22], $0x4000  }
0x8d: {  	[sflag:s22] =	ssyncset.done $0x0  }
0x8e: {  	s10 =	simm.s32 $0x14B00;
	[sflag:s22] =	ssyncadd.s32 $0xFFFFC000  }
0x8f: {  	[spmem:s1] =	stream.indirect.scatter.add.f32 [tilespmem:s15], [sflag:$0x3], $0x80, s10, s19, $0xb8;
	[tilespmem:$0x1D000] =	vst v63  }
0x90: {  	_ =	swait.ge [sflag:s16], $0x4000  }
0x91: {  	[sflag:s16] =	ssyncset.done $0x0  }
0x92: {  	[sflag:s16] =	ssyncadd.s32 $0xFFFFC000  }
0x93: {  	[tilespmem:s15], [sflag:$0x1] =	stream.indirect.gather [hbm4b:s4+s19], $0x80, s30, s19, $0xb8;
	[tilespmem:$0x1D000] =	vst v63  }
0x94: {  	_ =	swait.ge [sflag:s24], $0x4000  }
0x95: {  	[sflag:s24] =	ssyncset.done $0x0  }
0x96: {  	[sflag:s24] =	ssyncadd.s32 $0xFFFFC000  }
0x97: {  	[spmem:s1] =	stream.indirect.scatter.add.f32 [tilespmem:s21], [sflag:$0x3], $0x80, s31, s19, $0xb8;
	[tilespmem:$0x1D000] =	vst v63  }
0x98: {  	_ =	swait.ge [sflag:s16], $0x4000  }
0x99: {  	[sflag:s16] =	ssyncset.done $0x0  }
0x9a: {  	[sflag:s16] =	ssyncadd.s32 $0xFFFFC000  }
0x9b: {  	[tilespmem:s21], [sflag:$0x2] =	stream.indirect.gather [hbm4b:s4+s19], $0x80, s0, s19, $0xb8;
	[tilespmem:$0x1D000] =	vst v63  }
0x9c: {  	_ =	swait.ge [sflag:s22], $0x4000  }
0x9d: {  	[sflag:s22] =	ssyncset.done $0x0  }
0x9e: {  	[sflag:s22] =	ssyncadd.s32 $0xFFFFC000  }
0x9f: {  	[spmem:s1] =	stream.indirect.scatter.add.f32 [tilespmem:s15], [sflag:$0x3], $0x80, s2, s19, $0xb8;
	[tilespmem:$0x1D000] =	vst v63  }
0xa0: {  	_ =	swait.ge [sflag:s16], $0x4000  }
0xa1: {  	[sflag:s16] =	ssyncset.done $0x0  }
0xa2: {  	[sflag:s16] =	ssyncadd.s32 $0xFFFFC000  }
0xa3: {  	[tilespmem:s15], [sflag:$0x1] =	stream.indirect.gather [hbm4b:s4+s19], $0x80, s12, s19, $0xb8;
	[tilespmem:$0x1D000] =	vst v63  }
0xa4: {  	_ =	swait.ge [sflag:s24], $0x4000  }
0xa5: {  	[sflag:s24] =	ssyncset.done $0x0  }
0xa6: {  	[sflag:s24] =	ssyncadd.s32 $0xFFFFC000  }
0xa7: {  	[spmem:s1] =	stream.indirect.scatter.add.f32 [tilespmem:s21], [sflag:$0x3], $0x80, s13, s19, $0xb8;
	[tilespmem:$0x1D000] =	vst v63  }
0xa8: {  	_ =	swait.ge [sflag:s16], $0x4000  }
0xa9: {  	[sflag:s16] =	ssyncset.done $0x0  }
0xaa: {  	[sflag:s16] =	ssyncadd.s32 $0xFFFFC000  }
0xab: {  	[tilespmem:s21], [sflag:$0x2] =	stream.indirect.gather [hbm4b:s4+s19], $0x80, s14, s19, $0xb8;
	[tilespmem:$0x1D000] =	vst v63  }
0xac: {  	_ =	swait.ge [sflag:s22], $0x4000  }
0xad: {  	[sflag:s22] =	ssyncset.done $0x0  }
0xae: {  	[sflag:s22] =	ssyncadd.s32 $0xFFFFC000  }
0xaf: {  	[spmem:s1] =	stream.indirect.scatter.add.f32 [tilespmem:s15], [sflag:$0x3], $0x80, s7, s19, $0xb8;
	[tilespmem:$0x1D000] =	vst v63  }
0xb0: {  	_ =	swait.ge [sflag:s16], $0x4000  }
0xb1: {  	[sflag:s16] =	ssyncset.done $0x0  }
0xb2: {  	[sflag:s16] =	ssyncadd.s32 $0xFFFFC000  }
0xb3: {  	[tilespmem:s15], [sflag:$0x1] =	stream.indirect.gather [hbm4b:s4+s19], $0x80, s5, s19, $0xb8;
	[tilespmem:$0x1D000] =	vst v63  }
0xb4: {  	_ =	swait.ge [sflag:s24], $0x4000  }
0xb5: {  	[sflag:s24] =	ssyncset.done $0x0  }
0xb6: {  	[sflag:s24] =	ssyncadd.s32 $0xFFFFC000  }
0xb7: {  	[spmem:s1] =	stream.indirect.scatter.add.f32 [tilespmem:s21], [sflag:$0x3], $0x80, s6, s19, $0xb8;
	[tilespmem:$0x1D000] =	vst v63  }
0xb8: {  	_ =	swait.ge [sflag:s16], $0x4000  }
0xb9: {  	[sflag:s16] =	ssyncset.done $0x0  }
0xba: {  	[sflag:s16] =	ssyncadd.s32 $0xFFFFC000  }
0xbb: {  	[tilespmem:s21], [sflag:$0x2] =	stream.indirect.gather [hbm4b:s4+s19], $0x80, s8, s19, $0xb8;
	[tilespmem:$0x1D000] =	vst v63  }
0xbc: {  	_ =	swait.ge [sflag:s22], $0x4000  }
0xbd: {  	[sflag:s22] =	ssyncset.done $0x0  }
0xbe: {  	[sflag:s22] =	ssyncadd.s32 $0xFFFFC000  }
0xbf: {  	[spmem:s1] =	stream.indirect.scatter.add.f32 [tilespmem:s15], [sflag:$0x3], $0x80, s20, s19, $0xb8;
	[tilespmem:$0x1D000] =	vst v63  }
0xc0: {  	_ =	swait.ge [sflag:s16], $0x4000  }
0xc1: {  	[sflag:s16] =	ssyncset.done $0x0  }
0xc2: {  	[sflag:s16] =	ssyncadd.s32 $0xFFFFC000  }
0xc3: {  	[tilespmem:s15], [sflag:$0x1] =	stream.indirect.gather [hbm4b:s4+s19], $0x80, s23, s19, $0xb8;
	[tilespmem:$0x1D000] =	vst v63  }
0xc4: {  	_ =	swait.ge [sflag:s24], $0x4000  }
0xc5: {  	[sflag:s24] =	ssyncset.done $0x0  }
0xc6: {  	[sflag:s24] =	ssyncadd.s32 $0xFFFFC000  }
0xc7: {  	[spmem:s1] =	stream.indirect.scatter.add.f32 [tilespmem:s21], [sflag:$0x3], $0x80, s25, s19, $0xb8;
	[tilespmem:$0x1D000] =	vst v63  }
0xc8: {  	_ =	swait.ge [sflag:s16], $0x4000  }
0xc9: {  	[sflag:s16] =	ssyncset.done $0x0  }
0xca: {  	[sflag:s16] =	ssyncadd.s32 $0xFFFFC000  }
0xcb: {  	[tilespmem:s21], [sflag:$0x2] =	stream.indirect.gather [hbm4b:s4+s19], $0x80, s26, s19, $0xb8;
	[tilespmem:$0x1D000] =	vst v63  }
0xcc: {  	_ =	swait.ge [sflag:s22], $0x4000  }
0xcd: {  	[sflag:s22] =	ssyncset.done $0x0  }
0xce: {  	[sflag:s22] =	ssyncadd.s32 $0xFFFFC000  }
0xcf: {  	[spmem:s1] =	stream.indirect.scatter.add.f32 [tilespmem:s15], [sflag:$0x3], $0x80, s28, s19, $0xb8;
	[tilespmem:$0x1D000] =	vst v63  }
0xd0: {  	_ =	swait.ge [sflag:s16], $0x4000  }
0xd1: {  	[sflag:s16] =	ssyncset.done $0x0  }
0xd2: {  	[sflag:s16] =	ssyncadd.s32 $0xFFFFC000  }
0xd3: {  	_ =	swait.ge [sflag:s24], $0x4000  }
0xd4: {  	p2 =	por p1, p1;
	[sflag:s24] =	ssyncset.done $0x0  }
.Ltmp4:
0xd5: {  	[sflag:s24] =	ssyncadd.s32 $0xFFFFC000;
	(pc) =	sbr.rel @p2 .LBB2_7-.Ltmp4, $4  }
0xd6: {  	[spmem:s1] =	stream.indirect.scatter.add.f32 [tilespmem:s21], [sflag:$0x3], $0x80, s29, s19, $0xb8;
	[tilespmem:$0x1D000] =	vst v63  }
0xd7: {  	_ =	swait.ge [sflag:s16], $0x4000  }
0xd8: {  	[sflag:s16] =	ssyncset.done $0x0  }
0xd9: {  	p1 =	por $0x0, $0x0;
	s9 =	simm.s32 $0x100;
	[sflag:s16] =	ssyncadd.s32 $0xFFFFC000  }
.Ltmp5:
0xda: {  	_ = 	snop;
	(pc) =	sbr.rel .LBB2_8-.Ltmp5, $1  }
0xdb: {  	_ =	sdelay $0x3  }
.LBB2_4:
0xdc: {  	s9 =	rddreg [dreg:$0x4]  }
0xdd: {  	s9 =	sadd.s32 $0x0, s9  }
0xde: {  	[tilespmem:s17], [sflag:$0x3] =	stream.linear.gather [hbm4b:s9+s3], $0x800, $0x38;
	[tilespmem:$0x1D000] =	vst v63  }
0xdf: {  	_ =	swait.ge [sflag:s16], $0x800  }
0xe0: {  	s10 =	rddreg [dreg:$0x3];
	[sflag:s16] =	ssyncset.done $0x0  }
0xe1: {  	[sflag:s16] =	ssyncadd.s32 $0xFFFFF800;
	s9 =	sadd.s32 $0x0, s10  }
0xe2: {  	[tilespmem:s18], [sflag:$0x3] =	stream.linear.gather [hbm4b:s9+s3], $0x800, $0x38;
	[tilespmem:$0x1D000] =	vst v63  }
0xe3: {  	_ =	swait.ge [sflag:s16], $0x800  }
0xe4: {  	[sflag:s16] =	ssyncset.done $0x0  }
0xe5: {  	[sflag:s16] =	ssyncadd.s32 $0xFFFFF800  }
0xe6: {  	[tilespmem:s15], [sflag:$0x1] =	stream.indirect.gather [hbm4b:s4+s19], $0x80, s17, s19, $0xb8;
	[tilespmem:$0x1D000] =	vst v63  }
0xe7: {  	s11 =	simm.s32 $0x14080  }
0xe8: {  	[tilespmem:s21], [sflag:$0x2] =	stream.indirect.gather [hbm4b:s4+s19], $0x80, s11, s19, $0xb8;
	[tilespmem:$0x1D000] =	vst v63  }
0xe9: {  	_ =	swait.ge [sflag:s22], $0x4000  }
0xea: {  	[sflag:s22] =	ssyncset.done $0x0  }
0xeb: {  	[sflag:s22] =	ssyncadd.s32 $0xFFFFC000  }
0xec: {  	[spmem:s1] =	stream.indirect.scatter.add.f32 [tilespmem:s15], [sflag:$0x3], $0x80, s18, s19, $0xb8;
	[tilespmem:$0x1D000] =	vst v63  }
0xed: {  	_ =	swait.ge [sflag:s16], $0x4000  }
0xee: {  	[sflag:s16] =	ssyncset.done $0x0  }
0xef: {  	s10 =	simm.s32 $0x14100;
	[sflag:s16] =	ssyncadd.s32 $0xFFFFC000  }
0xf0: {  	[tilespmem:s15], [sflag:$0x1] =	stream.indirect.gather [hbm4b:s4+s19], $0x80, s10, s19, $0xb8;
	[tilespmem:$0x1D000] =	vst v63  }
0xf1: {  	_ =	swait.ge [sflag:s24], $0x4000  }
0xf2: {  	[sflag:s24] =	ssyncset.done $0x0  }
0xf3: {  	s11 =	simm.s32 $0x14880;
	[sflag:s24] =	ssyncadd.s32 $0xFFFFC000  }
0xf4: {  	[spmem:s1] =	stream.indirect.scatter.add.f32 [tilespmem:s21], [sflag:$0x3], $0x80, s11, s19, $0xb8;
	[tilespmem:$0x1D000] =	vst v63  }
0xf5: {  	_ =	swait.ge [sflag:s16], $0x4000  }
0xf6: {  	[sflag:s16] =	ssyncset.done $0x0  }
0xf7: {  	s10 =	simm.s32 $0x14180;
	[sflag:s16] =	ssyncadd.s32 $0xFFFFC000  }
0xf8: {  	[tilespmem:s21], [sflag:$0x2] =	stream.indirect.gather [hbm4b:s4+s19], $0x80, s10, s19, $0xb8;
	[tilespmem:$0x1D000] =	vst v63  }
0xf9: {  	_ =	swait.ge [sflag:s22], $0x4000  }
0xfa: {  	[sflag:s22] =	ssyncset.done $0x0  }
0xfb: {  	s11 =	simm.s32 $0x14900;
	[sflag:s22] =	ssyncadd.s32 $0xFFFFC000  }
0xfc: {  	[spmem:s1] =	stream.indirect.scatter.add.f32 [tilespmem:s15], [sflag:$0x3], $0x80, s11, s19, $0xb8;
	[tilespmem:$0x1D000] =	vst v63  }
0xfd: {  	_ =	swait.ge [sflag:s16], $0x4000  }
0xfe: {  	[sflag:s16] =	ssyncset.done $0x0  }
0xff: {  	s10 =	simm.s32 $0x14200;
	[sflag:s16] =	ssyncadd.s32 $0xFFFFC000  }
0x100: {  	[tilespmem:s15], [sflag:$0x1] =	stream.indirect.gather [hbm4b:s4+s19], $0x80, s10, s19, $0xb8;
	[tilespmem:$0x1D000] =	vst v63  }
0x101: {  	_ =	swait.ge [sflag:s24], $0x4000  }
0x102: {  	[sflag:s24] =	ssyncset.done $0x0  }
0x103: {  	s11 =	simm.s32 $0x14980;
	[sflag:s24] =	ssyncadd.s32 $0xFFFFC000  }
0x104: {  	[spmem:s1] =	stream.indirect.scatter.add.f32 [tilespmem:s21], [sflag:$0x3], $0x80, s11, s19, $0xb8;
	[tilespmem:$0x1D000] =	vst v63  }
0x105: {  	_ =	swait.ge [sflag:s16], $0x4000  }
0x106: {  	[sflag:s16] =	ssyncset.done $0x0  }
0x107: {  	s10 =	simm.s32 $0x14280;
	[sflag:s16] =	ssyncadd.s32 $0xFFFFC000  }
0x108: {  	[tilespmem:s21], [sflag:$0x2] =	stream.indirect.gather [hbm4b:s4+s19], $0x80, s10, s19, $0xb8;
	[tilespmem:$0x1D000] =	vst v63  }
0x109: {  	_ =	swait.ge [sflag:s22], $0x4000  }
0x10a: {  	[sflag:s22] =	ssyncset.done $0x0  }
0x10b: {  	s11 =	simm.s32 $0x14A00;
	[sflag:s22] =	ssyncadd.s32 $0xFFFFC000  }
0x10c: {  	[spmem:s1] =	stream.indirect.scatter.add.f32 [tilespmem:s15], [sflag:$0x3], $0x80, s11, s19, $0xb8;
	[tilespmem:$0x1D000] =	vst v63  }
0x10d: {  	_ =	swait.ge [sflag:s16], $0x4000  }
0x10e: {  	[sflag:s16] =	ssyncset.done $0x0  }
0x10f: {  	s10 =	simm.s32 $0x14300;
	[sflag:s16] =	ssyncadd.s32 $0xFFFFC000  }
0x110: {  	[tilespmem:s15], [sflag:$0x1] =	stream.indirect.gather [hbm4b:s4+s19], $0x80, s10, s19, $0xb8;
	[tilespmem:$0x1D000] =	vst v63  }
0x111: {  	_ =	swait.ge [sflag:s24], $0x4000  }
0x112: {  	[sflag:s24] =	ssyncset.done $0x0  }
0x113: {  	s11 =	simm.s32 $0x14A80;
	[sflag:s24] =	ssyncadd.s32 $0xFFFFC000  }
0x114: {  	[spmem:s1] =	stream.indirect.scatter.add.f32 [tilespmem:s21], [sflag:$0x3], $0x80, s11, s19, $0xb8;
	[tilespmem:$0x1D000] =	vst v63  }
0x115: {  	_ =	swait.ge [sflag:s16], $0x4000  }
0x116: {  	[sflag:s16] =	ssyncset.done $0x0  }
0x117: {  	s10 =	simm.s32 $0x14380;
	[sflag:s16] =	ssyncadd.s32 $0xFFFFC000  }
0x118: {  	[tilespmem:s21], [sflag:$0x2] =	stream.indirect.gather [hbm4b:s4+s19], $0x80, s10, s19, $0xb8;
	[tilespmem:$0x1D000] =	vst v63  }
0x119: {  	_ =	swait.ge [sflag:s22], $0x4000  }
0x11a: {  	[sflag:s22] =	ssyncset.done $0x0  }
0x11b: {  	s11 =	simm.s32 $0x14B00;
	[sflag:s22] =	ssyncadd.s32 $0xFFFFC000  }
0x11c: {  	[spmem:s1] =	stream.indirect.scatter.add.f32 [tilespmem:s15], [sflag:$0x3], $0x80, s11, s19, $0xb8;
	[tilespmem:$0x1D000] =	vst v63  }
0x11d: {  	_ =	swait.ge [sflag:s16], $0x4000  }
0x11e: {  	[sflag:s16] =	ssyncset.done $0x0  }
0x11f: {  	[sflag:s16] =	ssyncadd.s32 $0xFFFFC000  }
0x120: {  	[tilespmem:s15], [sflag:$0x1] =	stream.indirect.gather [hbm4b:s4+s19], $0x80, s30, s19, $0xb8;
	[tilespmem:$0x1D000] =	vst v63  }
0x121: {  	_ =	swait.ge [sflag:s24], $0x4000  }
0x122: {  	[sflag:s24] =	ssyncset.done $0x0  }
0x123: {  	[sflag:s24] =	ssyncadd.s32 $0xFFFFC000  }
0x124: {  	[spmem:s1] =	stream.indirect.scatter.add.f32 [tilespmem:s21], [sflag:$0x3], $0x80, s31, s19, $0xb8;
	[tilespmem:$0x1D000] =	vst v63  }
0x125: {  	_ =	swait.ge [sflag:s16], $0x4000  }
0x126: {  	[sflag:s16] =	ssyncset.done $0x0  }
0x127: {  	[sflag:s16] =	ssyncadd.s32 $0xFFFFC000  }
0x128: {  	[tilespmem:s21], [sflag:$0x2] =	stream.indirect.gather [hbm4b:s4+s19], $0x80, s0, s19, $0xb8;
	[tilespmem:$0x1D000] =	vst v63  }
0x129: {  	_ =	swait.ge [sflag:s22], $0x4000  }
0x12a: {  	[sflag:s22] =	ssyncset.done $0x0  }
0x12b: {  	[sflag:s22] =	ssyncadd.s32 $0xFFFFC000  }
0x12c: {  	[spmem:s1] =	stream.indirect.scatter.add.f32 [tilespmem:s15], [sflag:$0x3], $0x80, s2, s19, $0xb8;
	[tilespmem:$0x1D000] =	vst v63  }
0x12d: {  	_ =	swait.ge [sflag:s16], $0x4000  }
0x12e: {  	[sflag:s16] =	ssyncset.done $0x0  }
0x12f: {  	[sflag:s16] =	ssyncadd.s32 $0xFFFFC000  }
0x130: {  	[tilespmem:s15], [sflag:$0x1] =	stream.indirect.gather [hbm4b:s4+s19], $0x80, s12, s19, $0xb8;
	[tilespmem:$0x1D000] =	vst v63  }
0x131: {  	_ =	swait.ge [sflag:s24], $0x4000  }
0x132: {  	[sflag:s24] =	ssyncset.done $0x0  }
0x133: {  	[sflag:s24] =	ssyncadd.s32 $0xFFFFC000  }
0x134: {  	[spmem:s1] =	stream.indirect.scatter.add.f32 [tilespmem:s21], [sflag:$0x3], $0x80, s13, s19, $0xb8;
	[tilespmem:$0x1D000] =	vst v63  }
0x135: {  	_ =	swait.ge [sflag:s16], $0x4000  }
0x136: {  	[sflag:s16] =	ssyncset.done $0x0  }
0x137: {  	[sflag:s16] =	ssyncadd.s32 $0xFFFFC000  }
0x138: {  	[tilespmem:s21], [sflag:$0x2] =	stream.indirect.gather [hbm4b:s4+s19], $0x80, s14, s19, $0xb8;
	[tilespmem:$0x1D000] =	vst v63  }
0x139: {  	_ =	swait.ge [sflag:s22], $0x4000  }
0x13a: {  	[sflag:s22] =	ssyncset.done $0x0  }
0x13b: {  	[sflag:s22] =	ssyncadd.s32 $0xFFFFC000  }
0x13c: {  	[spmem:s1] =	stream.indirect.scatter.add.f32 [tilespmem:s15], [sflag:$0x3], $0x80, s7, s19, $0xb8;
	[tilespmem:$0x1D000] =	vst v63  }
0x13d: {  	_ =	swait.ge [sflag:s16], $0x4000  }
0x13e: {  	[sflag:s16] =	ssyncset.done $0x0  }
0x13f: {  	[sflag:s16] =	ssyncadd.s32 $0xFFFFC000  }
0x140: {  	[tilespmem:s15], [sflag:$0x1] =	stream.indirect.gather [hbm4b:s4+s19], $0x80, s5, s19, $0xb8;
	[tilespmem:$0x1D000] =	vst v63  }
0x141: {  	_ =	swait.ge [sflag:s24], $0x4000  }
0x142: {  	[sflag:s24] =	ssyncset.done $0x0  }
0x143: {  	[sflag:s24] =	ssyncadd.s32 $0xFFFFC000  }
0x144: {  	[spmem:s1] =	stream.indirect.scatter.add.f32 [tilespmem:s21], [sflag:$0x3], $0x80, s6, s19, $0xb8;
	[tilespmem:$0x1D000] =	vst v63  }
0x145: {  	_ =	swait.ge [sflag:s16], $0x4000  }
0x146: {  	[sflag:s16] =	ssyncset.done $0x0  }
0x147: {  	[sflag:s16] =	ssyncadd.s32 $0xFFFFC000  }
0x148: {  	[tilespmem:s21], [sflag:$0x2] =	stream.indirect.gather [hbm4b:s4+s19], $0x80, s8, s19, $0xb8;
	[tilespmem:$0x1D000] =	vst v63  }
0x149: {  	_ =	swait.ge [sflag:s22], $0x4000  }
0x14a: {  	[sflag:s22] =	ssyncset.done $0x0  }
0x14b: {  	[sflag:s22] =	ssyncadd.s32 $0xFFFFC000  }
0x14c: {  	[spmem:s1] =	stream.indirect.scatter.add.f32 [tilespmem:s15], [sflag:$0x3], $0x80, s20, s19, $0xb8;
	[tilespmem:$0x1D000] =	vst v63  }
0x14d: {  	_ =	swait.ge [sflag:s16], $0x4000  }
0x14e: {  	[sflag:s16] =	ssyncset.done $0x0  }
0x14f: {  	[sflag:s16] =	ssyncadd.s32 $0xFFFFC000  }
0x150: {  	[tilespmem:s15], [sflag:$0x1] =	stream.indirect.gather [hbm4b:s4+s19], $0x80, s23, s19, $0xb8;
	[tilespmem:$0x1D000] =	vst v63  }
0x151: {  	_ =	swait.ge [sflag:s24], $0x4000  }
0x152: {  	[sflag:s24] =	ssyncset.done $0x0  }
0x153: {  	[sflag:s24] =	ssyncadd.s32 $0xFFFFC000  }
0x154: {  	[spmem:s1] =	stream.indirect.scatter.add.f32 [tilespmem:s21], [sflag:$0x3], $0x80, s25, s19, $0xb8;
	[tilespmem:$0x1D000] =	vst v63  }
0x155: {  	_ =	swait.ge [sflag:s16], $0x4000  }
0x156: {  	[sflag:s16] =	ssyncset.done $0x0  }
0x157: {  	[sflag:s16] =	ssyncadd.s32 $0xFFFFC000  }
0x158: {  	[tilespmem:s21], [sflag:$0x2] =	stream.indirect.gather [hbm4b:s4+s19], $0x80, s26, s19, $0xb8;
	[tilespmem:$0x1D000] =	vst v63  }
0x159: {  	_ =	swait.ge [sflag:s22], $0x4000  }
0x15a: {  	[sflag:s22] =	ssyncset.done $0x0  }
0x15b: {  	[sflag:s22] =	ssyncadd.s32 $0xFFFFC000  }
0x15c: {  	[spmem:s1] =	stream.indirect.scatter.add.f32 [tilespmem:s15], [sflag:$0x3], $0x80, s28, s19, $0xb8;
	[tilespmem:$0x1D000] =	vst v63  }
0x15d: {  	_ =	swait.ge [sflag:s16], $0x4000  }
0x15e: {  	[sflag:s16] =	ssyncset.done $0x0  }
0x15f: {  	[sflag:s16] =	ssyncadd.s32 $0xFFFFC000  }
0x160: {  	_ =	swait.ge [sflag:s24], $0x4000  }
0x161: {  	[sflag:s24] =	ssyncset.done $0x0  }
0x162: {  	[sflag:s24] =	ssyncadd.s32 $0xFFFFC000  }
0x163: {  	[spmem:s1] =	stream.indirect.scatter.add.f32 [tilespmem:s21], [sflag:$0x3], $0x80, s29, s19, $0xb8;
	[tilespmem:$0x1D000] =	vst v63  }
0x164: {  	s9 =	simm.s32 $0x100;
	_ =	swait.ge [sflag:s16], $0x4000  }
.LBB2_5:
0x165: {  	s10 =	rddreg [dreg:$0x4];
	s11 =	smov.u32 s9;
	[sflag:s16] =	ssyncset.done $0x0  }
0x166: {  	s10 =	sadd.s32 s11, s10;
	[sflag:s16] =	ssyncadd.s32 $0xFFFFC000  }
0x167: {  	[tilespmem:s17], [sflag:$0x3] =	stream.linear.gather [hbm4b:s10+s3], $0x800, $0x38;
	[tilespmem:$0x1D000] =	vst v63  }
0x168: {  	_ =	swait.ge [sflag:s16], $0x800  }
0x169: {  	s10 =	rddreg [dreg:$0x3];
	[sflag:s16] =	ssyncset.done $0x0  }
0x16a: {  	[sflag:s16] =	ssyncadd.s32 $0xFFFFF800;
	s10 =	sadd.s32 s11, s10  }
0x16b: {  	[tilespmem:s18], [sflag:$0x3] =	stream.linear.gather [hbm4b:s10+s3], $0x800, $0x38;
	[tilespmem:$0x1D000] =	vst v63  }
0x16c: {  	_ =	swait.ge [sflag:s16], $0x800  }
0x16d: {  	[sflag:s16] =	ssyncset.done $0x0  }
0x16e: {  	[sflag:s16] =	ssyncadd.s32 $0xFFFFF800  }
0x16f: {  	[tilespmem:s15], [sflag:$0x1] =	stream.indirect.gather [hbm4b:s4+s19], $0x80, s17, s19, $0xb8;
	[tilespmem:$0x1D000] =	vst v63  }
0x170: {  	s11 =	simm.s32 $0x14080  }
0x171: {  	[tilespmem:s21], [sflag:$0x2] =	stream.indirect.gather [hbm4b:s4+s19], $0x80, s11, s19, $0xb8;
	[tilespmem:$0x1D000] =	vst v63  }
0x172: {  	_ =	swait.ge [sflag:s22], $0x4000  }
0x173: {  	[sflag:s22] =	ssyncset.done $0x0  }
0x174: {  	[sflag:s22] =	ssyncadd.s32 $0xFFFFC000  }
0x175: {  	[spmem:s1] =	stream.indirect.scatter.add.f32 [tilespmem:s15], [sflag:$0x3], $0x80, s18, s19, $0xb8;
	[tilespmem:$0x1D000] =	vst v63  }
0x176: {  	_ =	swait.ge [sflag:s16], $0x4000  }
0x177: {  	[sflag:s16] =	ssyncset.done $0x0  }
0x178: {  	s11 =	simm.s32 $0x14100;
	[sflag:s16] =	ssyncadd.s32 $0xFFFFC000  }
0x179: {  	[tilespmem:s15], [sflag:$0x1] =	stream.indirect.gather [hbm4b:s4+s19], $0x80, s11, s19, $0xb8;
	[tilespmem:$0x1D000] =	vst v63  }
0x17a: {  	_ =	swait.ge [sflag:s24], $0x4000  }
0x17b: {  	[sflag:s24] =	ssyncset.done $0x0  }
0x17c: {  	s11 =	simm.s32 $0x14880;
	[sflag:s24] =	ssyncadd.s32 $0xFFFFC000  }
0x17d: {  	[spmem:s1] =	stream.indirect.scatter.add.f32 [tilespmem:s21], [sflag:$0x3], $0x80, s11, s19, $0xb8;
	[tilespmem:$0x1D000] =	vst v63  }
0x17e: {  	_ =	swait.ge [sflag:s16], $0x4000  }
0x17f: {  	[sflag:s16] =	ssyncset.done $0x0  }
0x180: {  	s11 =	simm.s32 $0x14180;
	[sflag:s16] =	ssyncadd.s32 $0xFFFFC000  }
0x181: {  	[tilespmem:s21], [sflag:$0x2] =	stream.indirect.gather [hbm4b:s4+s19], $0x80, s11, s19, $0xb8;
	[tilespmem:$0x1D000] =	vst v63  }
0x182: {  	_ =	swait.ge [sflag:s22], $0x4000  }
0x183: {  	[sflag:s22] =	ssyncset.done $0x0  }
0x184: {  	s11 =	simm.s32 $0x14900;
	[sflag:s22] =	ssyncadd.s32 $0xFFFFC000  }
0x185: {  	[spmem:s1] =	stream.indirect.scatter.add.f32 [tilespmem:s15], [sflag:$0x3], $0x80, s11, s19, $0xb8;
	[tilespmem:$0x1D000] =	vst v63  }
0x186: {  	_ =	swait.ge [sflag:s16], $0x4000  }
0x187: {  	[sflag:s16] =	ssyncset.done $0x0  }
0x188: {  	s11 =	simm.s32 $0x14200;
	[sflag:s16] =	ssyncadd.s32 $0xFFFFC000  }
0x189: {  	[tilespmem:s15], [sflag:$0x1] =	stream.indirect.gather [hbm4b:s4+s19], $0x80, s11, s19, $0xb8;
	[tilespmem:$0x1D000] =	vst v63  }
0x18a: {  	_ =	swait.ge [sflag:s24], $0x4000  }
0x18b: {  	[sflag:s24] =	ssyncset.done $0x0  }
0x18c: {  	s11 =	simm.s32 $0x14980;
	[sflag:s24] =	ssyncadd.s32 $0xFFFFC000  }
0x18d: {  	[spmem:s1] =	stream.indirect.scatter.add.f32 [tilespmem:s21], [sflag:$0x3], $0x80, s11, s19, $0xb8;
	[tilespmem:$0x1D000] =	vst v63  }
0x18e: {  	_ =	swait.ge [sflag:s16], $0x4000  }
0x18f: {  	[sflag:s16] =	ssyncset.done $0x0  }
0x190: {  	s11 =	simm.s32 $0x14280;
	[sflag:s16] =	ssyncadd.s32 $0xFFFFC000  }
0x191: {  	[tilespmem:s21], [sflag:$0x2] =	stream.indirect.gather [hbm4b:s4+s19], $0x80, s11, s19, $0xb8;
	[tilespmem:$0x1D000] =	vst v63  }
0x192: {  	_ =	swait.ge [sflag:s22], $0x4000  }
0x193: {  	[sflag:s22] =	ssyncset.done $0x0  }
0x194: {  	s11 =	simm.s32 $0x14A00;
	[sflag:s22] =	ssyncadd.s32 $0xFFFFC000  }
0x195: {  	[spmem:s1] =	stream.indirect.scatter.add.f32 [tilespmem:s15], [sflag:$0x3], $0x80, s11, s19, $0xb8;
	[tilespmem:$0x1D000] =	vst v63  }
0x196: {  	_ =	swait.ge [sflag:s16], $0x4000  }
0x197: {  	[sflag:s16] =	ssyncset.done $0x0  }
0x198: {  	s11 =	simm.s32 $0x14300;
	[sflag:s16] =	ssyncadd.s32 $0xFFFFC000  }
0x199: {  	[tilespmem:s15], [sflag:$0x1] =	stream.indirect.gather [hbm4b:s4+s19], $0x80, s11, s19, $0xb8;
	[tilespmem:$0x1D000] =	vst v63  }
0x19a: {  	_ =	swait.ge [sflag:s24], $0x4000  }
0x19b: {  	[sflag:s24] =	ssyncset.done $0x0  }
0x19c: {  	s11 =	simm.s32 $0x14A80;
	[sflag:s24] =	ssyncadd.s32 $0xFFFFC000  }
0x19d: {  	[spmem:s1] =	stream.indirect.scatter.add.f32 [tilespmem:s21], [sflag:$0x3], $0x80, s11, s19, $0xb8;
	[tilespmem:$0x1D000] =	vst v63  }
0x19e: {  	_ =	swait.ge [sflag:s16], $0x4000  }
0x19f: {  	[sflag:s16] =	ssyncset.done $0x0  }
0x1a0: {  	s11 =	simm.s32 $0x14380;
	[sflag:s16] =	ssyncadd.s32 $0xFFFFC000  }
0x1a1: {  	[tilespmem:s21], [sflag:$0x2] =	stream.indirect.gather [hbm4b:s4+s19], $0x80, s11, s19, $0xb8;
	[tilespmem:$0x1D000] =	vst v63  }
0x1a2: {  	_ =	swait.ge [sflag:s22], $0x4000  }
0x1a3: {  	[sflag:s22] =	ssyncset.done $0x0  }
0x1a4: {  	s11 =	simm.s32 $0x14B00;
	[sflag:s22] =	ssyncadd.s32 $0xFFFFC000  }
0x1a5: {  	[spmem:s1] =	stream.indirect.scatter.add.f32 [tilespmem:s15], [sflag:$0x3], $0x80, s11, s19, $0xb8;
	[tilespmem:$0x1D000] =	vst v63  }
0x1a6: {  	_ =	swait.ge [sflag:s16], $0x4000  }
0x1a7: {  	[sflag:s16] =	ssyncset.done $0x0  }
0x1a8: {  	[sflag:s16] =	ssyncadd.s32 $0xFFFFC000  }
0x1a9: {  	[tilespmem:s15], [sflag:$0x1] =	stream.indirect.gather [hbm4b:s4+s19], $0x80, s30, s19, $0xb8;
	[tilespmem:$0x1D000] =	vst v63  }
0x1aa: {  	_ =	swait.ge [sflag:s24], $0x4000  }
0x1ab: {  	[sflag:s24] =	ssyncset.done $0x0  }
0x1ac: {  	[sflag:s24] =	ssyncadd.s32 $0xFFFFC000  }
0x1ad: {  	[spmem:s1] =	stream.indirect.scatter.add.f32 [tilespmem:s21], [sflag:$0x3], $0x80, s31, s19, $0xb8;
	[tilespmem:$0x1D000] =	vst v63  }
0x1ae: {  	_ =	swait.ge [sflag:s16], $0x4000  }
0x1af: {  	[sflag:s16] =	ssyncset.done $0x0  }
0x1b0: {  	[sflag:s16] =	ssyncadd.s32 $0xFFFFC000  }
0x1b1: {  	[tilespmem:s21], [sflag:$0x2] =	stream.indirect.gather [hbm4b:s4+s19], $0x80, s0, s19, $0xb8;
	[tilespmem:$0x1D000] =	vst v63  }
0x1b2: {  	_ =	swait.ge [sflag:s22], $0x4000  }
0x1b3: {  	[sflag:s22] =	ssyncset.done $0x0  }
0x1b4: {  	[sflag:s22] =	ssyncadd.s32 $0xFFFFC000  }
0x1b5: {  	[spmem:s1] =	stream.indirect.scatter.add.f32 [tilespmem:s15], [sflag:$0x3], $0x80, s2, s19, $0xb8;
	[tilespmem:$0x1D000] =	vst v63  }
0x1b6: {  	_ =	swait.ge [sflag:s16], $0x4000  }
0x1b7: {  	[sflag:s16] =	ssyncset.done $0x0  }
0x1b8: {  	[sflag:s16] =	ssyncadd.s32 $0xFFFFC000  }
0x1b9: {  	[tilespmem:s15], [sflag:$0x1] =	stream.indirect.gather [hbm4b:s4+s19], $0x80, s12, s19, $0xb8;
	[tilespmem:$0x1D000] =	vst v63  }
0x1ba: {  	_ =	swait.ge [sflag:s24], $0x4000  }
0x1bb: {  	[sflag:s24] =	ssyncset.done $0x0  }
0x1bc: {  	[sflag:s24] =	ssyncadd.s32 $0xFFFFC000  }
0x1bd: {  	[spmem:s1] =	stream.indirect.scatter.add.f32 [tilespmem:s21], [sflag:$0x3], $0x80, s13, s19, $0xb8;
	[tilespmem:$0x1D000] =	vst v63  }
0x1be: {  	_ =	swait.ge [sflag:s16], $0x4000  }
0x1bf: {  	[sflag:s16] =	ssyncset.done $0x0  }
0x1c0: {  	[sflag:s16] =	ssyncadd.s32 $0xFFFFC000  }
0x1c1: {  	[tilespmem:s21], [sflag:$0x2] =	stream.indirect.gather [hbm4b:s4+s19], $0x80, s14, s19, $0xb8;
	[tilespmem:$0x1D000] =	vst v63  }
0x1c2: {  	_ =	swait.ge [sflag:s22], $0x4000  }
0x1c3: {  	[sflag:s22] =	ssyncset.done $0x0  }
0x1c4: {  	[sflag:s22] =	ssyncadd.s32 $0xFFFFC000  }
0x1c5: {  	[spmem:s1] =	stream.indirect.scatter.add.f32 [tilespmem:s15], [sflag:$0x3], $0x80, s7, s19, $0xb8;
	[tilespmem:$0x1D000] =	vst v63  }
0x1c6: {  	_ =	swait.ge [sflag:s16], $0x4000  }
0x1c7: {  	[sflag:s16] =	ssyncset.done $0x0  }
0x1c8: {  	[sflag:s16] =	ssyncadd.s32 $0xFFFFC000  }
0x1c9: {  	[tilespmem:s15], [sflag:$0x1] =	stream.indirect.gather [hbm4b:s4+s19], $0x80, s5, s19, $0xb8;
	[tilespmem:$0x1D000] =	vst v63  }
0x1ca: {  	_ =	swait.ge [sflag:s24], $0x4000  }
0x1cb: {  	[sflag:s24] =	ssyncset.done $0x0  }
0x1cc: {  	[sflag:s24] =	ssyncadd.s32 $0xFFFFC000  }
0x1cd: {  	[spmem:s1] =	stream.indirect.scatter.add.f32 [tilespmem:s21], [sflag:$0x3], $0x80, s6, s19, $0xb8;
	[tilespmem:$0x1D000] =	vst v63  }
0x1ce: {  	_ =	swait.ge [sflag:s16], $0x4000  }
0x1cf: {  	[sflag:s16] =	ssyncset.done $0x0  }
0x1d0: {  	[sflag:s16] =	ssyncadd.s32 $0xFFFFC000  }
0x1d1: {  	[tilespmem:s21], [sflag:$0x2] =	stream.indirect.gather [hbm4b:s4+s19], $0x80, s8, s19, $0xb8;
	[tilespmem:$0x1D000] =	vst v63  }
0x1d2: {  	_ =	swait.ge [sflag:s22], $0x4000  }
0x1d3: {  	[sflag:s22] =	ssyncset.done $0x0  }
0x1d4: {  	[sflag:s22] =	ssyncadd.s32 $0xFFFFC000  }
0x1d5: {  	[spmem:s1] =	stream.indirect.scatter.add.f32 [tilespmem:s15], [sflag:$0x3], $0x80, s20, s19, $0xb8;
	[tilespmem:$0x1D000] =	vst v63  }
0x1d6: {  	_ =	swait.ge [sflag:s16], $0x4000  }
0x1d7: {  	[sflag:s16] =	ssyncset.done $0x0  }
0x1d8: {  	[sflag:s16] =	ssyncadd.s32 $0xFFFFC000  }
0x1d9: {  	[tilespmem:s15], [sflag:$0x1] =	stream.indirect.gather [hbm4b:s4+s19], $0x80, s23, s19, $0xb8;
	[tilespmem:$0x1D000] =	vst v63  }
0x1da: {  	_ =	swait.ge [sflag:s24], $0x4000  }
0x1db: {  	[sflag:s24] =	ssyncset.done $0x0  }
0x1dc: {  	[sflag:s24] =	ssyncadd.s32 $0xFFFFC000  }
0x1dd: {  	[spmem:s1] =	stream.indirect.scatter.add.f32 [tilespmem:s21], [sflag:$0x3], $0x80, s25, s19, $0xb8;
	[tilespmem:$0x1D000] =	vst v63  }
0x1de: {  	_ =	swait.ge [sflag:s16], $0x4000  }
0x1df: {  	[sflag:s16] =	ssyncset.done $0x0  }
0x1e0: {  	[sflag:s16] =	ssyncadd.s32 $0xFFFFC000  }
0x1e1: {  	[tilespmem:s21], [sflag:$0x2] =	stream.indirect.gather [hbm4b:s4+s19], $0x80, s26, s19, $0xb8;
	[tilespmem:$0x1D000] =	vst v63  }
0x1e2: {  	_ =	swait.ge [sflag:s22], $0x4000  }
0x1e3: {  	[sflag:s22] =	ssyncset.done $0x0  }
0x1e4: {  	[sflag:s22] =	ssyncadd.s32 $0xFFFFC000  }
0x1e5: {  	[spmem:s1] =	stream.indirect.scatter.add.f32 [tilespmem:s15], [sflag:$0x3], $0x80, s28, s19, $0xb8;
	[tilespmem:$0x1D000] =	vst v63  }
0x1e6: {  	_ =	swait.ge [sflag:s16], $0x4000  }
0x1e7: {  	[sflag:s16] =	ssyncset.done $0x0  }
0x1e8: {  	p1 =	seq.s32 s9, $0x700;
	[sflag:s16] =	ssyncadd.s32 $0xFFFFC000  }
.Ltmp6:
0x1e9: {  	_ =	swait.ge [sflag:s24], $0x4000;
	(pc) =	sbr.rel @!p1 .LBB2_5-.Ltmp6, $4  }
0x1ea: {  	[sflag:s24] =	ssyncset.done $0x0  }
0x1eb: {  	[sflag:s24] =	ssyncadd.s32 $0xFFFFC000  }
0x1ec: {  	[spmem:s1] =	stream.indirect.scatter.add.f32 [tilespmem:s21], [sflag:$0x3], $0x80, s29, s19, $0xb8;
	[tilespmem:$0x1D000] =	vst v63  }
0x1ed: {  	s9 =	sadd.s32 $0x100, s9;
	_ =	swait.ge [sflag:s16], $0x4000  }
.Ltmp7:
0x1ee: {  	_ = 	snop;
	(pc) =	sbr.rel .LBB2_6-.Ltmp7, $1  }
0x1ef: {  	_ =	sdelay $0x3  }
.LBB2_9:
0x1f0: {  	_ =	sfence.sel $0x180000  }
0x1f1: {  	[bflag:$0x0] =	sbarrier.arrive $0xFFFF  }
0x1f2: {  	_ =	strace $0x9000004A  }
0x1f3: {  	s0 =	stileid.u32;
	[bflag:$0x2] =	sbarrier.arrive $0xFFFF  }
0x1f4: {  	p0 =	sne.s32 s0, $0x0;
	s0 =	rddreg [dreg:$0x2]  }
0x1f5: {  	s0 =	sadd.s32 @!p0 $0x100000, s0  }
0x1f6: {  	[sflag:s0] =	ssyncadd.tile.s32 @!p0 $0x1;
	_ =	shalt  }
.Lfunc_end2:
_tile_overlayer_lowered:
.L_overlay_start_2:
0x1f7: {  	(tag) =	ssettag $0x2  }
0x1f8: {  	s0 =	rddreg [dreg:$0x0];
	s2 =	stileid.u32  }
0x1f9: {  	s1 =	rddreg [dreg:$0x1];
	p0 =	sne.s32 s2, $0x0  }
0x1fa: {  	s3 =	rddreg [dreg:$0x2];
	[bflag:$0x3] =	sbarrier.arrive $0xFFFF;
	s2 =	simm.s32 @!p0 $0x1C03  }
0x1fb: {  	[timem:s3], [sflag:s2] =	dma.local @!p0 [hbm:s0], s1  }
0x1fc: {  	s0 =	simm.s32 @!p0 $0x3  }
0x1fd: {  	_ =	swait.ge @!p0 [sflag:s0], s1  }
0x1fe: {  	s1 =	ssub.s32 @!p0 $0x0, s1;
	[sflag:s0] =	ssyncset.done @!p0 $0x0  }
0x1ff: {  	[sflag:s0] =	ssyncadd.s32 @!p0 s1  }
0x200: {  	[bflag:$0x3] =	sbarrier.arrive $0xFFFF  }
0x201: {  	_ =	shalt  }

// kernel: kernel.16.cloned.1.call-start
scs
__scs_entry_jumppad:
0x0: {  	(pc) =	sbr.rel $0x88, $3  }
0x1: {  	(tag) =	ssettag $0x0;
	lr =	simm.s32 $0x1  }
0x2: {  	[smem:$0x3F94] =	sst lr;
	_ =	strace $0xD0000000  }
0x3: {  	_ = 	snop  }
0x4: {  	_ = 	snop  }
0x5: {  	_ = 	snop  }
0x6: {  	_ = 	snop  }
0x7: {  	_ = 	snop  }
__scs_overlays_trampoline_lowered:
0x8: {  	[smem:$0x3FA3] =	sst s0  }
0x9: {  	[smem:$0x3FA4] =	sst s1  }
0xa: {  	[smem:$0x3FA5] =	sst s2  }
0xb: {  	[smem:$0x3FA6] =	sst s3  }
0xc: {  	[smem:$0x3FA7] =	sst s4  }
0xd: {  	[smem:$0x3FA8] =	sst s5  }
0xe: {  	[smem:$0x3FA9] =	sst s6  }
0xf: {  	[smem:$0x3FAA] =	sst s7  }
0x10: {  	[smem:$0x3FAB] =	sst s8  }
0x11: {  	[smem:$0x3FAC] =	sst s9;
	s0 =	simm.s32 @!p0 $0x0  }
0x12: {  	s1 =	sld [smem:$0x3F92];
	s0 =	simm.s32 @p0 $0x1  }
0x13: {  	[smem:$0x3FAD] =	sst s0;
	s0 =	simm.s32 @!p1 $0x0  }
0x14: {  	s2 =	sld [smem:$0x3F91];
	s0 =	simm.s32 @p1 $0x1  }
0x15: {  	[smem:$0x3FAE] =	sst s0;
	s0 =	simm.s32 @!p2 $0x0  }
0x16: {  	s3 =	sld [smem:$0x3FDB];
	s0 =	simm.s32 @p2 $0x1  }
0x17: {  	s4 =	simm.s32 $0x1BF5;
	[smem:$0x3FB0] =	sst s0  }
0x18: {  	s0 =	sld [smem:$0x3F93];
	_ =	swait.ge [sflag:s4], $0x0  }
0x19: {  	s7 =	sld [smem:$0x3F94]  }
0x1a: {  	s8 =	sadd.s32 $0xFFFFE003, lr  }
0x1b: {  	s9 =	sadd.s32 $0xFFFFFEF7, lr;
	s5 =	simm.s32 $0xFFFFFFFF;
	p2 =	slt.u32 s8, $0xFFFFF086  }
0x1c: {  	p1 =	slt.u32 s9, $0xF7A;
	s5 =	simm.s32 @!p2 $0x0  }
0x1d: {  	s5 =	simm.s32 @p1 $0x1;
	p0 =	seq.s32 s7, s2  }
0x1e: {  	s7 =	smul.u32 @!p0 $0xF7A, s2;
	p2 =	seq.s32 @!p0 s5, $0x0  }
0x1f: {  	s9 =	smul.u32 $0xF7A, s1;
	s8 =	simm.s32 @!p0 $0x1BF5;
	p2 =	por !p2, p0  }
0x20: {  	[sflag:s8] =	ssyncset.s32 @!p0 $0xFFFFF086;
	s6 =	sadd.s32 @!p0 s3, s7;
	s7 =	simm.s32 @!p0 $0x108  }
0x21: {  	s3 =	sadd.s32 s3, s9;
	s6 =	sadd.s32 @!p0 $0x88, s6;
	s7 =	simm.s32 @p2 $0x1082  }
0x22: {  	[simem:s7], [sflag:s8] =	dma.local @!p0 [hbm:s6], $0xF7A  }
0x23: {  	s9 =	sor.u32 $0xD0000000, s2;
	s6 =	simm.s32 $0x108;
	_ =	swait.ge @!p0 [sflag:s8], $0x0  }
0x24: {  	s3 =	sadd.s32 $0x88, s3;
	s6 =	simm.s32 @!p1 $0x1082;
	[sflag:s4] =	ssyncset.s32 $0xFFFFF086  }
0x25: {  	[simem:s6], [sflag:s4] =	dma.local [hbm:s3], $0xF7A  }
0x26: {  	[smem:$0x3F94] =	sst s1;
	(tag) =	ssettag s2;
	_ =	strace s9  }
0x27: {  	s1 =	sld [smem:$0x3FA4]  }
0x28: {  	s2 =	sld [smem:$0x3FA5]  }
0x29: {  	s4 =	sld [smem:$0x3FA7]  }
0x2a: {  	p0 =	seq.s32 s5, $0x0;
	s5 =	sld [smem:$0x3FA8]  }
0x2b: {  	s6 =	sld [smem:$0x3FA9]  }
0x2c: {  	s7 =	sld [smem:$0x3FAA]  }
0x2d: {  	s3 =	simm.s32 $0x108;
	s8 =	sld [smem:$0x3FAB]  }
0x2e: {  	s3 =	simm.s32 @!p0 $0x1082;
	s9 =	sld [smem:$0x3FAC]  }
0x2f: {  	lr =	sadd.s32 s0, s3;
	s0 =	sld [smem:$0x3FA3]  }
0x30: {  	s3 =	sld [smem:$0x3FA6]  }
0x31: {  	[smem:$0x3FAF] =	sst s10  }
0x32: {  	s10 =	sld [smem:$0x3FAD];
	_ =	sdelay $0x3  }
0x33: {  	p0 =	seq.s32 s10, $0x1;
	s10 =	sld [smem:$0x3FAF];
	_ =	sdelay $0x3  }
0x34: {  	[smem:$0x3FAF] =	sst s10  }
0x35: {  	s10 =	sld [smem:$0x3FAE];
	_ =	sdelay $0x3  }
0x36: {  	p1 =	seq.s32 s10, $0x1;
	s10 =	sld [smem:$0x3FAF];
	_ =	sdelay $0x3  }
0x37: {  	[smem:$0x3FAF] =	sst s10  }
0x38: {  	s10 =	sld [smem:$0x3FB0]  }
0x39: {  	_ = 	snop;
	(pc) =	sbr.ind lr, $3  }
0x3a: {  	_ = 	snop  }
0x3b: {  	_ = 	snop  }
0x3c: {  	p2 =	seq.s32 s10, $0x1;
	s10 =	sld [smem:$0x3FAF]  }
0x3d: {  	_ =	shalt  }
0x3e: {  	_ =	shalt  }
0x3f: {  	_ =	shalt  }
0x40: {  	_ =	shalt  }
0x41: {  	_ =	shalt  }
0x42: {  	_ =	shalt  }
0x43: {  	_ =	shalt  }
0x44: {  	_ =	shalt  }
0x45: {  	_ =	shalt  }
0x46: {  	_ =	shalt  }
0x47: {  	_ =	shalt  }
0x48: {  	_ =	shalt  }
0x49: {  	_ =	shalt  }
0x4a: {  	_ =	shalt  }
0x4b: {  	_ =	shalt  }
0x4c: {  	_ =	shalt  }
0x4d: {  	_ =	shalt  }
0x4e: {  	_ =	shalt  }
0x4f: {  	_ =	shalt  }
0x50: {  	_ =	shalt  }
0x51: {  	_ =	shalt  }
0x52: {  	_ =	shalt  }
0x53: {  	_ =	shalt  }
0x54: {  	_ =	shalt  }
0x55: {  	_ =	shalt  }
0x56: {  	_ =	shalt  }
0x57: {  	_ =	shalt  }
0x58: {  	_ =	shalt  }
0x59: {  	_ =	shalt  }
0x5a: {  	_ =	shalt  }
0x5b: {  	_ =	shalt  }
0x5c: {  	_ =	shalt  }
0x5d: {  	_ =	shalt  }
0x5e: {  	_ =	shalt  }
0x5f: {  	_ =	shalt  }
0x60: {  	_ =	shalt  }
0x61: {  	_ =	shalt  }
0x62: {  	_ =	shalt  }
0x63: {  	_ =	shalt  }
0x64: {  	_ =	shalt  }
0x65: {  	_ =	shalt  }
0x66: {  	_ =	shalt  }
0x67: {  	_ =	shalt  }
0x68: {  	_ =	shalt  }
0x69: {  	_ =	shalt  }
0x6a: {  	_ =	shalt  }
0x6b: {  	_ =	shalt  }
0x6c: {  	_ =	shalt  }
0x6d: {  	_ =	shalt  }
0x6e: {  	_ =	shalt  }
0x6f: {  	_ =	shalt  }
0x70: {  	_ =	shalt  }
0x71: {  	_ =	shalt  }
0x72: {  	_ =	shalt  }
0x73: {  	_ =	shalt  }
0x74: {  	_ =	shalt  }
0x75: {  	_ =	shalt  }
0x76: {  	_ =	shalt  }
0x77: {  	_ =	shalt  }
0x78: {  	_ =	shalt  }
0x79: {  	_ =	shalt  }
0x7a: {  	_ =	shalt  }
0x7b: {  	_ =	shalt  }
0x7c: {  	_ =	shalt  }
0x7d: {  	_ =	shalt  }
0x7e: {  	_ =	shalt  }
0x7f: {  	_ =	shalt  }
0x80: {  	_ =	shalt  }
0x81: {  	_ =	shalt  }
0x82: {  	_ =	shalt  }
0x83: {  	_ =	shalt  }
0x84: {  	_ =	shalt  }
0x85: {  	_ =	shalt  }
0x86: {  	_ =	shalt  }
0x87: {  	_ =	shalt  }
.Lfunc_end0:
.L_simem_size_0:
called_computation.2_lowered:
.L_overlay_start_0:
0x88: {  	s2 =	sld [smem:$0x3FD9]  }
0x89: {  	s3 =	sld [smem:$0x3FFE];
	_ =	sdelay $0x1  }
0x8a: {  	s1 =	srdreg.scid  }
0x8b: {  	s0 =	sand.u32 $0x1, s1  }
0x8c: {  	s16 =	sshll.u32 s0, $0xA;
	s2 =	sadd.s32 s3, s2  }
0x8d: {  	s2 =	sadd.s32 s2, s16  }
0x8e: {  	[smem:$0x3FBB] =	sst s2  }
0x8f: {  	_ = 	snop  }
0x90: {  	(tm) =	ssettm $0x1  }
0x91: {  	s17 =	sld [smem:$0x3FFB];
	_ =	sdelay $0x3  }
0x92: {  	_ =	strace s17  }
0x93: {  	s2 =	sld [smem:$0x3FFC];
	_ =	sdelay $0x3  }
0x94: {  	_ =	strace s2  }
0x95: {  	s2 =	sld [smem:$0x3FFD];
	_ =	sdelay $0x3  }
0x96: {  	_ =	strace s2  }
0x97: {  	_ =	strace $0x8FFFFFFF  }
0x98: {  	s18 =	sld [smem:$0x3FDB];
	_ =	sdelay $0x1  }
0x99: {  	s19 =	simm.s32 $_scs_section_size  }
0x9a: {  	s4 =	simm.s32 $_size__tile_overlayer_lowered;
	s5 =	simm.s32 $_tile_overlayer_lowered  }
0x9b: {  	s22 =	simm.s32 $0x1BFF;
	s21 =	sshll.u32 s5, $0x1;
	s2 =	sadd.s32 s19, s18  }
0x9c: {  	s6 =	simm.s32 $0x0;
	s20 =	sshll.u32 s4, $0x1;
	s4 =	sadd.s32 s21, s2  }
0x9d: {  	[timem:s6], [sflag:s22] =	dma.local [hbm:s4], s20  }
0x9e: {  	_ =	swait.ge [sflag:s22], s20  }
0x9f: {  	s3 =	ssub.s32 $0x0, s20;
	[sflag:s22] =	ssyncset.done $0x0  }
0xa0: {  	[sflag:s22] =	ssyncadd.s32 s3;
	_ =	sdelay $0x1  }
0xa1: {  	s23 =	simm.s32 $0x1B8B  }
0xa2: {  	_ =	swait.ge [sflag:s23], $0x1  }
0xa3: {  	[sflag:s23] =	ssyncset.done $0x0  }
0xa4: {  	s25 =	simm.s32 $0x1B8E;
	s24 =	sld [smem:$0x3FFE];
	[sflag:s23] =	ssyncadd.s32 $0xFFFFFFFF  }
0xa5: {  	s26 =	simm.s32 $execute0_lowered;
	[smem:$0x3FD2] =	sst s25  }
0xa6: {  	s4 =	sshll.u32 s26, $0x1;
	_ =	strace $0x8000004C;
	[dreg:$0x1] =	wrdreg $0xFFFFFFFF  }
0xa7: {  	s28 =	simm.s32 $_size_execute0_lowered;
	s2 =	sadd.s32 s2, s4;
	[dreg:$0x0] =	wrdreg $0x0  }
0xa8: {  	s4 =	sshll.u32 s28, $0x1;
	[dreg:$0x2] =	wrdreg s2  }
0xa9: {  	[dreg:$0x3] =	wrdreg s4  }
0xaa: {  	[dreg:$0x4] =	wrdreg $0xC0  }
0xab: {  	_ =	task [dreg:s6], $0x5FFFF  }
0xac: {  	[dreg:$0x1] =	wrdreg $0xFFFFFFFF  }
0xad: {  	[dreg:$0x0] =	wrdreg $0x60  }
0xae: {  	[dreg:$0x2] =	wrdreg s24  }
0xaf: {  	[dreg:$0x3] =	wrdreg $0x0  }
0xb0: {  	[dreg:$0x4] =	wrdreg $0x9  }
0xb1: {  	_ =	task.clear_ibuf [dreg:s6], $0x5FFFF;
	_ =	strace $0x9000004C  }
0xb2: {  	s29 =	simm.s32 $0x9;
	_ =	strace $0x8000004E  }
0xb3: {  	_ =	swait.ge [sflag:s29], $0x1  }
0xb4: {  	[sflag:s29] =	ssyncadd.s32 $0xFFFFFFFF  }
0xb5: {  	_ =	strace $0x9000004E  }
0xb6: {  	_ =	sfence  }
0xb7: {  	s30 =	sld [smem:$0x0];
	_ =	sdelay $0x2  }
0xb8: {  	s31 =	sshll.u32 s1, $0xD;
	s1 =	sshrl.u32 s1, $0x2  }
0xb9: {  	s3 =	sand.u32 $0x4000, s31;
	s1 =	sadd.s32 s1, s30  }
0xba: {  	s0 =	sor.u32 s3, s0;
	s1 =	sshll.u32 s1, $0x11  }
0xbb: {  	s0 =	sor.u32 s1, s0  }
0xbc: {  	s0 =	sadd.s32 $0x8F2B, s0  }
0xbd: {  	[sflag:s0] =	ssyncadd.remote.s32 $0x1  }
0xbe: {  	_ =	sfence.sel $0xFFFF  }
0xbf: {  	[dreg:$0x0] =	wrdreg $0xFFFFFFFF;
	(pc) =	sbr.abs _section_cstart, $3  }
0xc0: {  	[dreg:$0x1] =	wrdreg $0xFFFFFFFF  }
0xc1: {  	_ =	task.clear_ibuf [dreg:s6], $0x2FFFF;
	_ =	strace $0x9FFFFFFF  }
0xc2: {  	(tm) =	ssettm $0x7FFFFFFF  }
0xc3: {  	_ =	shalt  }
tec
execute0_lowered:
.L_overlay_start_1:
0x0: {  	(tag) =	ssettag $0x1  }
0x1: {  	s0 =	rddreg [dreg:$0x0]  }
0x2: {  	s1 =	rddreg [dreg:$0x1]  }
0x3: {  	s2 =	srdreg.scid;
	s3 =	simm.s32 $0x0;
	s11 =	stileid.u32  }
0x4: {  	s30 =	simm.s32 $0x14400;
	s31 =	simm.s32 $0x14B80;
	s12 =	simm.s32 $0x14500  }
0x5: {  	s13 =	simm.s32 $0x14C80;
	s14 =	simm.s32 $0x14580;
	s28 =	simm.s32 $0x14F00  }
0x6: {  	s29 =	simm.s32 $0x14F80;
	s2 =	sand.u32 $0x1, s2;
	[smem:$0x7FF] =	sst s3  }
0x7: {  	s6 =	smul.u32 $0x14000, s11;
	s4 =	sadd.s32 $0x16E00, s0;
	s9 =	sadd.s32 $0xCE00, s0  }
0x8: {  	s7 =	smul.u32 $0x50000, s11;
	s10 =	sadd.s32 $0x2E00, s0;
	s18 =	sshll.u32 s11, $0x9  }
0x9: {  	s19 =	sshll.u32 s11, $0xB;
	s5 =	smul.u32 $0x140000, s2;
	_ =	strace $0x8000004D  }
0xa: {  	s15 =	ssub.s32 $0x2, s2;
	p0 =	seq.s32 s2, $0x1;
	[dreg:$0x6] =	wrdreg s10  }
0xb: {  	s2 =	sor.u32 $0x8000, s18;
	s22 =	sadd.s32 s19, s10;
	[dreg:$0x5] =	wrdreg s9  }
0xc: {  	s24 =	sadd.s32 s19, s9;
	s18 =	simm.s32 $0x14800;
	[dreg:$0x8] =	wrdreg s2  }
0xd: {  	s19 =	simm.s32 $0x80;
	s8 =	sshrl.u32 s15, $0x1;
	[dreg:$0x3] =	wrdreg s22  }
0xe: {  	s17 =	sshrl.u32 s7, $0x2;
	[dreg:$0x4] =	wrdreg s24;
	s22 =	simm.s32 $0x1  }
0xf: {  	s24 =	simm.s32 $0x2;
	s2 =	simm.s32 $0x14C00;
	s5 =	sadd.s32 s6, s5  }
0x10: {  	s16 =	ssub.s32 s15, s8;
	s7 =	sadd.s32 s17, s1;
	s15 =	simm.s32 $0x15000  }
0x11: {  	s17 =	simm.s32 $0x14000;
	s20 =	smax.u32 s16, $0x1;
	[dreg:$0x7] =	wrdreg s7  }
0x12: {  	s6 =	simm.s32 $0x14D80;
	s21 =	sadd.s32 $0x4000, s7;
	[dreg:$0xa] =	wrdreg s20  }
0x13: {  	s8 =	simm.s32 $0x14680;
	s23 =	sadd.s32 $0x8000, s7;
	[dreg:$0xb] =	wrdreg s21  }
0x14: {  	s5 =	sshrl.u32 s5, $0x3;
	s25 =	sadd.s32 $0xC000, s7;
	[dreg:$0xc] =	wrdreg s23  }
.Ltmp0:
0x15: {  	s26 =	sadd.s32 $0x10000, s7;
	[dreg:$0xd] =	wrdreg s25;
	(pc) =	sbr.rel .LBB2_1-.Ltmp0, $4  }
0x16: {  	s16 =	simm.s32 $0x3;
	s0 =	sadd.s32 s5, s0;
	[dreg:$0xe] =	wrdreg s26  }
0x17: {  	s21 =	simm.s32 $0x19000;
	s5 =	simm.s32 $0x14600;
	s20 =	simm.s32 $0x14E00  }
0x18: {  	s23 =	simm.s32 $0x14700;
	s25 =	simm.s32 $0x14E80;
	s0 =	sadd.s32 $0x3EE00, s0  }
0x19: {  	v0 =	vimm.f32 $0.0e+00;
	s26 =	simm.s32 $0x14780;
	[dreg:$0x9] =	wrdreg s0;
	s0 =	simm.s32 $0x0  }
.LBB2_6:
0x1a: {  	[sflag:s16] =	ssyncset.done $0x0  }
0x1b: {  	[sflag:s16] =	ssyncadd.s32 $0xFFFFC000  }
.LBB2_8:
0x1c: {  	s0 =	stileid.u32;
	[bflag:$0x0] =	sbarrier.arrive $0xFFFF  }
0x1d: {  	s9 =	sshll.u32 s0, $0x6;
	s7 =	rddreg [dreg:$0x7]  }
0x1e: {  	s11 =	rddreg [dreg:$0x9];
	s9 =	sor.u32 $0x1C03, s9;
	s10 =	sshrl.u32 s7, $0x3  }
0x1f: {  	[hbm:s11], [sflag:s9] =	dma.local [spmem:s10], $0x2800  }
0x20: {  	_ =	swait.ge [sflag:s16], $0x2800  }
0x21: {  	s10 =	rddreg [dreg:$0xf]  }
0x22: {  	s11 =	rddreg [dreg:$0xa];
	s0 =	sadd.s32 $0x1, s10  }
0x23: {  	p1 =	sne.s32 s0, s11  }
.Ltmp1:
0x24: {  	_ = 	snop;
	(pc) =	sbr.rel @!p1 .LBB2_9-.Ltmp1, $3  }
0x25: {  	_ =	sdelay $0x1  }
0x26: {  	[sflag:s16] =	ssyncset.done $0x0  }
0x27: {  	[sflag:s16] =	ssyncadd.s32 $0xFFFFD800  }
.LBB2_1:
0x28: {  	[dreg:$0xf] =	wrdreg s0;
	s9 =	simm.s32 $0x0;
	s10 =	simm.s32 $0x200  }
.LBB2_2:
0x29: {  	p1 =	sne.s32 s10, $0xFE00;
	[tilespmem:s9+$0x15070] =	vst v0  }
0x2a: {  	[tilespmem:s9+$0x15000] =	vst v0  }
0x2b: {  	[tilespmem:s9+$0x15010] =	vst v0  }
.Ltmp2:
0x2c: {  	[tilespmem:s9+$0x15020] =	vst v0;
	(pc) =	sbr.rel @p1 .LBB2_2-.Ltmp2, $4  }
0x2d: {  	[tilespmem:s9+$0x15030] =	vst v0  }
0x2e: {  	[tilespmem:s9+$0x15040] =	vst v0  }
0x2f: {  	[tilespmem:s9+$0x15050] =	vst v0  }
0x30: {  	[tilespmem:s9+$0x15060] =	vst v0;
	s9 =	sshra.s32 s10, $0x2;
	s10 =	sadd.s32 $0x200, s10  }
0x31: {  	[tilespmem:s9+$0x15070] =	vst v0  }
0x32: {  	[tilespmem:s9+$0x15000] =	vst v0  }
0x33: {  	[tilespmem:s9+$0x15010] =	vst v0  }
0x34: {  	[tilespmem:s9+$0x15020] =	vst v0  }
0x35: {  	[tilespmem:s9+$0x15030] =	vst v0  }
0x36: {  	[tilespmem:s9+$0x15040] =	vst v0  }
0x37: {  	[tilespmem:s9+$0x15050] =	vst v0  }
0x38: {  	[tilespmem:s9+$0x15060] =	vst v0  }
0x39: {  	[spmem:s7] =	stream.linear.scatter [tilespmem:s15], [sflag:$0x3], $0x4000, $0x38;
	[tilespmem:$0x1D000] =	vst v63  }
0x3a: {  	_ =	swait.ge [sflag:s16], $0x4000  }
0x3b: {  	[sflag:s16] =	ssyncset.done $0x0  }
0x3c: {  	s0 =	rddreg [dreg:$0xb];
	[sflag:s16] =	ssyncadd.s32 $0xFFFFC000  }
0x3d: {  	[spmem:s0] =	stream.linear.scatter [tilespmem:s15], [sflag:$0x3], $0x4000, $0x38;
	[tilespmem:$0x1D000] =	vst v63  }
0x3e: {  	_ =	swait.ge [sflag:s16], $0x4000  }
0x3f: {  	[sflag:s16] =	ssyncset.done $0x0  }
0x40: {  	s7 =	rddreg [dreg:$0xc];
	[sflag:s16] =	ssyncadd.s32 $0xFFFFC000  }
0x41: {  	[spmem:s7] =	stream.linear.scatter [tilespmem:s15], [sflag:$0x3], $0x4000, $0x38;
	[tilespmem:$0x1D000] =	vst v63  }
0x42: {  	_ =	swait.ge [sflag:s16], $0x4000  }
0x43: {  	[sflag:s16] =	ssyncset.done $0x0  }
0x44: {  	s10 =	rddreg [dreg:$0xd];
	[sflag:s16] =	ssyncadd.s32 $0xFFFFC000  }
0x45: {  	[spmem:s10] =	stream.linear.scatter [tilespmem:s15], [sflag:$0x3], $0x4000, $0x38;
	[tilespmem:$0x1D000] =	vst v63  }
0x46: {  	_ =	swait.ge [sflag:s16], $0x4000  }
0x47: {  	[sflag:s16] =	ssyncset.done $0x0  }
0x48: {  	s11 =	rddreg [dreg:$0xe];
	[sflag:s16] =	ssyncadd.s32 $0xFFFFC000  }
0x49: {  	[spmem:s11] =	stream.linear.scatter [tilespmem:s15], [sflag:$0x3], $0x4000, $0x38;
	[tilespmem:$0x1D000] =	vst v63  }
.Ltmp3:
0x4a: {  	_ =	swait.ge [sflag:s16], $0x4000;
	(pc) =	sbr.rel @!p0 .LBB2_4-.Ltmp3, $4  }
0x4b: {  	[sflag:s16] =	ssyncset.done $0x0  }
0x4c: {  	[sflag:s16] =	ssyncadd.s32 $0xFFFFC000  }
0x4d: {  	s9 =	simm.s32 $0x0;
	p1 =	por $0x1, $0x1;
	[bflag:$0x0] =	sbarrier.arrive $0xFFFF  }
0x4e: {  	s0 =	simm.s32 $0x14480;
	s7 =	simm.s32 $0x14D00;
	s11 =	rddreg [dreg:$0x8]  }
.LBB2_7:
0x4f: {  	s9 =	sor.u32 s11, s9;
	s10 =	rddreg [dreg:$0x5]  }
0x50: {  	s10 =	sadd.s32 s10, s9  }
0x51: {  	[tilespmem:s17], [sflag:$0x3] =	stream.linear.gather [hbm4b:s10+s3], $0x800, $0x38;
	[tilespmem:$0x1D000] =	vst v63  }
0x52: {  	_ =	swait.ge [sflag:s16], $0x800  }
0x53: {  	[sflag:s16] =	ssyncset.done $0x0;
	s10 =	rddreg [dreg:$0x6]  }
0x54: {  	[sflag:s16] =	ssyncadd.s32 $0xFFFFF800;
	s9 =	sadd.s32 s10, s9  }
0x55: {  	[tilespmem:s18], [sflag:$0x3] =	stream.linear.gather [hbm4b:s9+s3], $0x800, $0x38;
	[tilespmem:$0x1D000] =	vst v63  }
0x56: {  	_ =	swait.ge [sflag:s16], $0x800  }
0x57: {  	[sflag:s16] =	ssyncset.done $0x0  }
0x58: {  	[sflag:s16] =	ssyncadd.s32 $0xFFFFF800  }
0x59: {  	[tilespmem:s15], [sflag:$0x1] =	stream.indirect.gather [hbm4b:s4+s19], $0x80, s17, s19, $0xb8;
	[tilespmem:$0x1D000] =	vst v63  }
0x5a: {  	s10 =	simm.s32 $0x14080  }
0x5b: {  	[tilespmem:s21], [sflag:$0x2] =	stream.indirect.gather [hbm4b:s4+s19], $0x80, s10, s19, $0xb8;
	[tilespmem:$0x1D000] =	vst v63  }
0x5c: {  	_ =	swait.ge [sflag:s22], $0x4000  }
0x5d: {  	[sflag:s22] =	ssyncset.done $0x0  }
0x5e: {  	[sflag:s22] =	ssyncadd.s32 $0xFFFFC000  }
0x5f: {  	[spmem:s1] =	stream.indirect.scatter.add.f32 [tilespmem:s15], [sflag:$0x3], $0x80, s18, s19, $0xb8;
	[tilespmem:$0x1D000] =	vst v63  }
0x60: {  	_ =	swait.ge [sflag:s16], $0x4000  }
0x61: {  	[sflag:s16] =	ssyncset.done $0x0  }
0x62: {  	s10 =	simm.s32 $0x14100;
	[sflag:s16] =	ssyncadd.s32 $0xFFFFC000  }
0x63: {  	[tilespmem:s15], [sflag:$0x1] =	stream.indirect.gather [hbm4b:s4+s19], $0x80, s10, s19, $0xb8;
	[tilespmem:$0x1D000] =	vst v63  }
0x64: {  	_ =	swait.ge [sflag:s24], $0x4000  }
0x65: {  	[sflag:s24] =	ssyncset.done $0x0  }
0x66: {  	s10 =	simm.s32 $0x14880;
	[sflag:s24] =	ssyncadd.s32 $0xFFFFC000  }
0x67: {  	[spmem:s1] =	stream.indirect.scatter.add.f32 [tilespmem:s21], [sflag:$0x3], $0x80, s10, s19, $0xb8;
	[tilespmem:$0x1D000] =	vst v63  }
0x68: {  	_ =	swait.ge [sflag:s16], $0x4000  }
0x69: {  	[sflag:s16] =	ssyncset.done $0x0  }
0x6a: {  	s10 =	simm.s32 $0x14180;
	[sflag:s16] =	ssyncadd.s32 $0xFFFFC000  }
0x6b: {  	[tilespmem:s21], [sflag:$0x2] =	stream.indirect.gather [hbm4b:s4+s19], $0x80, s10, s19, $0xb8;
	[tilespmem:$0x1D000] =	vst v63  }
0x6c: {  	_ =	swait.ge [sflag:s22], $0x4000  }
0x6d: {  	[sflag:s22] =	ssyncset.done $0x0  }
0x6e: {  	s10 =	simm.s32 $0x14900;
	[sflag:s22] =	ssyncadd.s32 $0xFFFFC000  }
0x6f: {  	[spmem:s1] =	stream.indirect.scatter.add.f32 [tilespmem:s15], [sflag:$0x3], $0x80, s10, s19, $0xb8;
	[tilespmem:$0x1D000] =	vst v63  }
0x70: {  	_ =	swait.ge [sflag:s16], $0x4000  }
0x71: {  	[sflag:s16] =	ssyncset.done $0x0  }
0x72: {  	s10 =	simm.s32 $0x14200;
	[sflag:s16] =	ssyncadd.s32 $0xFFFFC000  }
0x73: {  	[tilespmem:s15], [sflag:$0x1] =	stream.indirect.gather [hbm4b:s4+s19], $0x80, s10, s19, $0xb8;
	[tilespmem:$0x1D000] =	vst v63  }
0x74: {  	_ =	swait.ge [sflag:s24], $0x4000  }
0x75: {  	[sflag:s24] =	ssyncset.done $0x0  }
0x76: {  	s10 =	simm.s32 $0x14980;
	[sflag:s24] =	ssyncadd.s32 $0xFFFFC000  }
0x77: {  	[spmem:s1] =	stream.indirect.scatter.add.f32 [tilespmem:s21], [sflag:$0x3], $0x80, s10, s19, $0xb8;
	[tilespmem:$0x1D000] =	vst v63  }
0x78: {  	_ =	swait.ge [sflag:s16], $0x4000  }
0x79: {  	[sflag:s16] =	ssyncset.done $0x0  }
0x7a: {  	s10 =	simm.s32 $0x14280;
	[sflag:s16] =	ssyncadd.s32 $0xFFFFC000  }
0x7b: {  	[tilespmem:s21], [sflag:$0x2] =	stream.indirect.gather [hbm4b:s4+s19], $0x80, s10, s19, $0xb8;
	[tilespmem:$0x1D000] =	vst v63  }
0x7c: {  	_ =	swait.ge [sflag:s22], $0x4000  }
0x7d: {  	[sflag:s22] =	ssyncset.done $0x0  }
0x7e: {  	s10 =	simm.s32 $0x14A00;
	[sflag:s22] =	ssyncadd.s32 $0xFFFFC000  }
0x7f: {  	[spmem:s1] =	stream.indirect.scatter.add.f32 [tilespmem:s15], [sflag:$0x3], $0x80, s10, s19, $0xb8;
	[tilespmem:$0x1D000] =	vst v63  }
0x80: {  	_ =	swait.ge [sflag:s16], $0x4000  }
0x81: {  	[sflag:s16] =	ssyncset.done $0x0  }
0x82: {  	s10 =	simm.s32 $0x14300;
	[sflag:s16] =	ssyncadd.s32 $0xFFFFC000  }
0x83: {  	[tilespmem:s15], [sflag:$0x1] =	stream.indirect.gather [hbm4b:s4+s19], $0x80, s10, s19, $0xb8;
	[tilespmem:$0x1D000] =	vst v63  }
0x84: {  	_ =	swait.ge [sflag:s24], $0x4000  }
0x85: {  	[sflag:s24] =	ssyncset.done $0x0  }
0x86: {  	s10 =	simm.s32 $0x14A80;
	[sflag:s24] =	ssyncadd.s32 $0xFFFFC000  }
0x87: {  	[spmem:s1] =	stream.indirect.scatter.add.f32 [tilespmem:s21], [sflag:$0x3], $0x80, s10, s19, $0xb8;
	[tilespmem:$0x1D000] =	vst v63  }
0x88: {  	_ =	swait.ge [sflag:s16], $0x4000  }
0x89: {  	[sflag:s16] =	ssyncset.done $0x0  }
0x8a: {  	s10 =	simm.s32 $0x14380;
	[sflag:s16] =	ssyncadd.s32 $0xFFFFC000  }
0x8b: {  	[tilespmem:s21], [sflag:$0x2] =	stream.indirect.gather [hbm4b:s4+s19], $0x80, s10, s19, $0xb8;
	[tilespmem:$0x1D000] =	vst v63  }
0x8c: {  	_ =	swait.ge [sflag:s22], $0x4000  }
0x8d: {  	[sflag:s22] =	ssyncset.done $0x0  }
0x8e: {  	s10 =	simm.s32 $0x14B00;
	[sflag:s22] =	ssyncadd.s32 $0xFFFFC000  }
0x8f: {  	[spmem:s1] =	stream.indirect.scatter.add.f32 [tilespmem:s15], [sflag:$0x3], $0x80, s10, s19, $0xb8;
	[tilespmem:$0x1D000] =	vst v63  }
0x90: {  	_ =	swait.ge [sflag:s16], $0x4000  }
0x91: {  	[sflag:s16] =	ssyncset.done $0x0  }
0x92: {  	[sflag:s16] =	ssyncadd.s32 $0xFFFFC000  }
0x93: {  	[tilespmem:s15], [sflag:$0x1] =	stream.indirect.gather [hbm4b:s4+s19], $0x80, s30, s19, $0xb8;
	[tilespmem:$0x1D000] =	vst v63  }
0x94: {  	_ =	swait.ge [sflag:s24], $0x4000  }
0x95: {  	[sflag:s24] =	ssyncset.done $0x0  }
0x96: {  	[sflag:s24] =	ssyncadd.s32 $0xFFFFC000  }
0x97: {  	[spmem:s1] =	stream.indirect.scatter.add.f32 [tilespmem:s21], [sflag:$0x3], $0x80, s31, s19, $0xb8;
	[tilespmem:$0x1D000] =	vst v63  }
0x98: {  	_ =	swait.ge [sflag:s16], $0x4000  }
0x99: {  	[sflag:s16] =	ssyncset.done $0x0  }
0x9a: {  	[sflag:s16] =	ssyncadd.s32 $0xFFFFC000  }
0x9b: {  	[tilespmem:s21], [sflag:$0x2] =	stream.indirect.gather [hbm4b:s4+s19], $0x80, s0, s19, $0xb8;
	[tilespmem:$0x1D000] =	vst v63  }
0x9c: {  	_ =	swait.ge [sflag:s22], $0x4000  }
0x9d: {  	[sflag:s22] =	ssyncset.done $0x0  }
0x9e: {  	[sflag:s22] =	ssyncadd.s32 $0xFFFFC000  }
0x9f: {  	[spmem:s1] =	stream.indirect.scatter.add.f32 [tilespmem:s15], [sflag:$0x3], $0x80, s2, s19, $0xb8;
	[tilespmem:$0x1D000] =	vst v63  }
0xa0: {  	_ =	swait.ge [sflag:s16], $0x4000  }
0xa1: {  	[sflag:s16] =	ssyncset.done $0x0  }
0xa2: {  	[sflag:s16] =	ssyncadd.s32 $0xFFFFC000  }
0xa3: {  	[tilespmem:s15], [sflag:$0x1] =	stream.indirect.gather [hbm4b:s4+s19], $0x80, s12, s19, $0xb8;
	[tilespmem:$0x1D000] =	vst v63  }
0xa4: {  	_ =	swait.ge [sflag:s24], $0x4000  }
0xa5: {  	[sflag:s24] =	ssyncset.done $0x0  }
0xa6: {  	[sflag:s24] =	ssyncadd.s32 $0xFFFFC000  }
0xa7: {  	[spmem:s1] =	stream.indirect.scatter.add.f32 [tilespmem:s21], [sflag:$0x3], $0x80, s13, s19, $0xb8;
	[tilespmem:$0x1D000] =	vst v63  }
0xa8: {  	_ =	swait.ge [sflag:s16], $0x4000  }
0xa9: {  	[sflag:s16] =	ssyncset.done $0x0  }
0xaa: {  	[sflag:s16] =	ssyncadd.s32 $0xFFFFC000  }
0xab: {  	[tilespmem:s21], [sflag:$0x2] =	stream.indirect.gather [hbm4b:s4+s19], $0x80, s14, s19, $0xb8;
	[tilespmem:$0x1D000] =	vst v63  }
0xac: {  	_ =	swait.ge [sflag:s22], $0x4000  }
0xad: {  	[sflag:s22] =	ssyncset.done $0x0  }
0xae: {  	[sflag:s22] =	ssyncadd.s32 $0xFFFFC000  }
0xaf: {  	[spmem:s1] =	stream.indirect.scatter.add.f32 [tilespmem:s15], [sflag:$0x3], $0x80, s7, s19, $0xb8;
	[tilespmem:$0x1D000] =	vst v63  }
0xb0: {  	_ =	swait.ge [sflag:s16], $0x4000  }
0xb1: {  	[sflag:s16] =	ssyncset.done $0x0  }
0xb2: {  	[sflag:s16] =	ssyncadd.s32 $0xFFFFC000  }
0xb3: {  	[tilespmem:s15], [sflag:$0x1] =	stream.indirect.gather [hbm4b:s4+s19], $0x80, s5, s19, $0xb8;
	[tilespmem:$0x1D000] =	vst v63  }
0xb4: {  	_ =	swait.ge [sflag:s24], $0x4000  }
0xb5: {  	[sflag:s24] =	ssyncset.done $0x0  }
0xb6: {  	[sflag:s24] =	ssyncadd.s32 $0xFFFFC000  }
0xb7: {  	[spmem:s1] =	stream.indirect.scatter.add.f32 [tilespmem:s21], [sflag:$0x3], $0x80, s6, s19, $0xb8;
	[tilespmem:$0x1D000] =	vst v63  }
0xb8: {  	_ =	swait.ge [sflag:s16], $0x4000  }
0xb9: {  	[sflag:s16] =	ssyncset.done $0x0  }
0xba: {  	[sflag:s16] =	ssyncadd.s32 $0xFFFFC000  }
0xbb: {  	[tilespmem:s21], [sflag:$0x2] =	stream.indirect.gather [hbm4b:s4+s19], $0x80, s8, s19, $0xb8;
	[tilespmem:$0x1D000] =	vst v63  }
0xbc: {  	_ =	swait.ge [sflag:s22], $0x4000  }
0xbd: {  	[sflag:s22] =	ssyncset.done $0x0  }
0xbe: {  	[sflag:s22] =	ssyncadd.s32 $0xFFFFC000  }
0xbf: {  	[spmem:s1] =	stream.indirect.scatter.add.f32 [tilespmem:s15], [sflag:$0x3], $0x80, s20, s19, $0xb8;
	[tilespmem:$0x1D000] =	vst v63  }
0xc0: {  	_ =	swait.ge [sflag:s16], $0x4000  }
0xc1: {  	[sflag:s16] =	ssyncset.done $0x0  }
0xc2: {  	[sflag:s16] =	ssyncadd.s32 $0xFFFFC000  }
0xc3: {  	[tilespmem:s15], [sflag:$0x1] =	stream.indirect.gather [hbm4b:s4+s19], $0x80, s23, s19, $0xb8;
	[tilespmem:$0x1D000] =	vst v63  }
0xc4: {  	_ =	swait.ge [sflag:s24], $0x4000  }
0xc5: {  	[sflag:s24] =	ssyncset.done $0x0  }
0xc6: {  	[sflag:s24] =	ssyncadd.s32 $0xFFFFC000  }
0xc7: {  	[spmem:s1] =	stream.indirect.scatter.add.f32 [tilespmem:s21], [sflag:$0x3], $0x80, s25, s19, $0xb8;
	[tilespmem:$0x1D000] =	vst v63  }
0xc8: {  	_ =	swait.ge [sflag:s16], $0x4000  }
0xc9: {  	[sflag:s16] =	ssyncset.done $0x0  }
0xca: {  	[sflag:s16] =	ssyncadd.s32 $0xFFFFC000  }
0xcb: {  	[tilespmem:s21], [sflag:$0x2] =	stream.indirect.gather [hbm4b:s4+s19], $0x80, s26, s19, $0xb8;
	[tilespmem:$0x1D000] =	vst v63  }
0xcc: {  	_ =	swait.ge [sflag:s22], $0x4000  }
0xcd: {  	[sflag:s22] =	ssyncset.done $0x0  }
0xce: {  	[sflag:s22] =	ssyncadd.s32 $0xFFFFC000  }
0xcf: {  	[spmem:s1] =	stream.indirect.scatter.add.f32 [tilespmem:s15], [sflag:$0x3], $0x80, s28, s19, $0xb8;
	[tilespmem:$0x1D000] =	vst v63  }
0xd0: {  	_ =	swait.ge [sflag:s16], $0x4000  }
0xd1: {  	[sflag:s16] =	ssyncset.done $0x0  }
0xd2: {  	[sflag:s16] =	ssyncadd.s32 $0xFFFFC000  }
0xd3: {  	_ =	swait.ge [sflag:s24], $0x4000  }
0xd4: {  	p2 =	por p1, p1;
	[sflag:s24] =	ssyncset.done $0x0  }
.Ltmp4:
0xd5: {  	[sflag:s24] =	ssyncadd.s32 $0xFFFFC000;
	(pc) =	sbr.rel @p2 .LBB2_7-.Ltmp4, $4  }
0xd6: {  	[spmem:s1] =	stream.indirect.scatter.add.f32 [tilespmem:s21], [sflag:$0x3], $0x80, s29, s19, $0xb8;
	[tilespmem:$0x1D000] =	vst v63  }
0xd7: {  	_ =	swait.ge [sflag:s16], $0x4000  }
0xd8: {  	[sflag:s16] =	ssyncset.done $0x0  }
0xd9: {  	p1 =	por $0x0, $0x0;
	s9 =	simm.s32 $0x100;
	[sflag:s16] =	ssyncadd.s32 $0xFFFFC000  }
.Ltmp5:
0xda: {  	_ = 	snop;
	(pc) =	sbr.rel .LBB2_8-.Ltmp5, $1  }
0xdb: {  	_ =	sdelay $0x3  }
.LBB2_4:
0xdc: {  	s9 =	rddreg [dreg:$0x4]  }
0xdd: {  	s9 =	sadd.s32 $0x0, s9  }
0xde: {  	[tilespmem:s17], [sflag:$0x3] =	stream.linear.gather [hbm4b:s9+s3], $0x800, $0x38;
	[tilespmem:$0x1D000] =	vst v63  }
0xdf: {  	_ =	swait.ge [sflag:s16], $0x800  }
0xe0: {  	s10 =	rddreg [dreg:$0x3];
	[sflag:s16] =	ssyncset.done $0x0  }
0xe1: {  	[sflag:s16] =	ssyncadd.s32 $0xFFFFF800;
	s9 =	sadd.s32 $0x0, s10  }
0xe2: {  	[tilespmem:s18], [sflag:$0x3] =	stream.linear.gather [hbm4b:s9+s3], $0x800, $0x38;
	[tilespmem:$0x1D000] =	vst v63  }
0xe3: {  	_ =	swait.ge [sflag:s16], $0x800  }
0xe4: {  	[sflag:s16] =	ssyncset.done $0x0  }
0xe5: {  	[sflag:s16] =	ssyncadd.s32 $0xFFFFF800  }
0xe6: {  	[tilespmem:s15], [sflag:$0x1] =	stream.indirect.gather [hbm4b:s4+s19], $0x80, s17, s19, $0xb8;
	[tilespmem:$0x1D000] =	vst v63  }
0xe7: {  	s11 =	simm.s32 $0x14080  }
0xe8: {  	[tilespmem:s21], [sflag:$0x2] =	stream.indirect.gather [hbm4b:s4+s19], $0x80, s11, s19, $0xb8;
	[tilespmem:$0x1D000] =	vst v63  }
0xe9: {  	_ =	swait.ge [sflag:s22], $0x4000  }
0xea: {  	[sflag:s22] =	ssyncset.done $0x0  }
0xeb: {  	[sflag:s22] =	ssyncadd.s32 $0xFFFFC000  }
0xec: {  	[spmem:s1] =	stream.indirect.scatter.add.f32 [tilespmem:s15], [sflag:$0x3], $0x80, s18, s19, $0xb8;
	[tilespmem:$0x1D000] =	vst v63  }
0xed: {  	_ =	swait.ge [sflag:s16], $0x4000  }
0xee: {  	[sflag:s16] =	ssyncset.done $0x0  }
0xef: {  	s10 =	simm.s32 $0x14100;
	[sflag:s16] =	ssyncadd.s32 $0xFFFFC000  }
0xf0: {  	[tilespmem:s15], [sflag:$0x1] =	stream.indirect.gather [hbm4b:s4+s19], $0x80, s10, s19, $0xb8;
	[tilespmem:$0x1D000] =	vst v63  }
0xf1: {  	_ =	swait.ge [sflag:s24], $0x4000  }
0xf2: {  	[sflag:s24] =	ssyncset.done $0x0  }
0xf3: {  	s11 =	simm.s32 $0x14880;
	[sflag:s24] =	ssyncadd.s32 $0xFFFFC000  }
0xf4: {  	[spmem:s1] =	stream.indirect.scatter.add.f32 [tilespmem:s21], [sflag:$0x3], $0x80, s11, s19, $0xb8;
	[tilespmem:$0x1D000] =	vst v63  }
0xf5: {  	_ =	swait.ge [sflag:s16], $0x4000  }
0xf6: {  	[sflag:s16] =	ssyncset.done $0x0  }
0xf7: {  	s10 =	simm.s32 $0x14180;
	[sflag:s16] =	ssyncadd.s32 $0xFFFFC000  }
0xf8: {  	[tilespmem:s21], [sflag:$0x2] =	stream.indirect.gather [hbm4b:s4+s19], $0x80, s10, s19, $0xb8;
	[tilespmem:$0x1D000] =	vst v63  }
0xf9: {  	_ =	swait.ge [sflag:s22], $0x4000  }
0xfa: {  	[sflag:s22] =	ssyncset.done $0x0  }
0xfb: {  	s11 =	simm.s32 $0x14900;
	[sflag:s22] =	ssyncadd.s32 $0xFFFFC000  }
0xfc: {  	[spmem:s1] =	stream.indirect.scatter.add.f32 [tilespmem:s15], [sflag:$0x3], $0x80, s11, s19, $0xb8;
	[tilespmem:$0x1D000] =	vst v63  }
0xfd: {  	_ =	swait.ge [sflag:s16], $0x4000  }
0xfe: {  	[sflag:s16] =	ssyncset.done $0x0  }
0xff: {  	s10 =	simm.s32 $0x14200;
	[sflag:s16] =	ssyncadd.s32 $0xFFFFC000  }
0x100: {  	[tilespmem:s15], [sflag:$0x1] =	stream.indirect.gather [hbm4b:s4+s19], $0x80, s10, s19, $0xb8;
	[tilespmem:$0x1D000] =	vst v63  }
0x101: {  	_ =	swait.ge [sflag:s24], $0x4000  }
0x102: {  	[sflag:s24] =	ssyncset.done $0x0  }
0x103: {  	s11 =	simm.s32 $0x14980;
	[sflag:s24] =	ssyncadd.s32 $0xFFFFC000  }
0x104: {  	[spmem:s1] =	stream.indirect.scatter.add.f32 [tilespmem:s21], [sflag:$0x3], $0x80, s11, s19, $0xb8;
	[tilespmem:$0x1D000] =	vst v63  }
0x105: {  	_ =	swait.ge [sflag:s16], $0x4000  }
0x106: {  	[sflag:s16] =	ssyncset.done $0x0  }
0x107: {  	s10 =	simm.s32 $0x14280;
	[sflag:s16] =	ssyncadd.s32 $0xFFFFC000  }
0x108: {  	[tilespmem:s21], [sflag:$0x2] =	stream.indirect.gather [hbm4b:s4+s19], $0x80, s10, s19, $0xb8;
	[tilespmem:$0x1D000] =	vst v63  }
0x109: {  	_ =	swait.ge [sflag:s22], $0x4000  }
0x10a: {  	[sflag:s22] =	ssyncset.done $0x0  }
0x10b: {  	s11 =	simm.s32 $0x14A00;
	[sflag:s22] =	ssyncadd.s32 $0xFFFFC000  }
0x10c: {  	[spmem:s1] =	stream.indirect.scatter.add.f32 [tilespmem:s15], [sflag:$0x3], $0x80, s11, s19, $0xb8;
	[tilespmem:$0x1D000] =	vst v63  }
0x10d: {  	_ =	swait.ge [sflag:s16], $0x4000  }
0x10e: {  	[sflag:s16] =	ssyncset.done $0x0  }
0x10f: {  	s10 =	simm.s32 $0x14300;
	[sflag:s16] =	ssyncadd.s32 $0xFFFFC000  }
0x110: {  	[tilespmem:s15], [sflag:$0x1] =	stream.indirect.gather [hbm4b:s4+s19], $0x80, s10, s19, $0xb8;
	[tilespmem:$0x1D000] =	vst v63  }
0x111: {  	_ =	swait.ge [sflag:s24], $0x4000  }
0x112: {  	[sflag:s24] =	ssyncset.done $0x0  }
0x113: {  	s11 =	simm.s32 $0x14A80;
	[sflag:s24] =	ssyncadd.s32 $0xFFFFC000  }
0x114: {  	[spmem:s1] =	stream.indirect.scatter.add.f32 [tilespmem:s21], [sflag:$0x3], $0x80, s11, s19, $0xb8;
	[tilespmem:$0x1D000] =	vst v63  }
0x115: {  	_ =	swait.ge [sflag:s16], $0x4000  }
0x116: {  	[sflag:s16] =	ssyncset.done $0x0  }
0x117: {  	s10 =	simm.s32 $0x14380;
	[sflag:s16] =	ssyncadd.s32 $0xFFFFC000  }
0x118: {  	[tilespmem:s21], [sflag:$0x2] =	stream.indirect.gather [hbm4b:s4+s19], $0x80, s10, s19, $0xb8;
	[tilespmem:$0x1D000] =	vst v63  }
0x119: {  	_ =	swait.ge [sflag:s22], $0x4000  }
0x11a: {  	[sflag:s22] =	ssyncset.done $0x0  }
0x11b: {  	s11 =	simm.s32 $0x14B00;
	[sflag:s22] =	ssyncadd.s32 $0xFFFFC000  }
0x11c: {  	[spmem:s1] =	stream.indirect.scatter.add.f32 [tilespmem:s15], [sflag:$0x3], $0x80, s11, s19, $0xb8;
	[tilespmem:$0x1D000] =	vst v63  }
0x11d: {  	_ =	swait.ge [sflag:s16], $0x4000  }
0x11e: {  	[sflag:s16] =	ssyncset.done $0x0  }
0x11f: {  	[sflag:s16] =	ssyncadd.s32 $0xFFFFC000  }
0x120: {  	[tilespmem:s15], [sflag:$0x1] =	stream.indirect.gather [hbm4b:s4+s19], $0x80, s30, s19, $0xb8;
	[tilespmem:$0x1D000] =	vst v63  }
0x121: {  	_ =	swait.ge [sflag:s24], $0x4000  }
0x122: {  	[sflag:s24] =	ssyncset.done $0x0  }
0x123: {  	[sflag:s24] =	ssyncadd.s32 $0xFFFFC000  }
0x124: {  	[spmem:s1] =	stream.indirect.scatter.add.f32 [tilespmem:s21], [sflag:$0x3], $0x80, s31, s19, $0xb8;
	[tilespmem:$0x1D000] =	vst v63  }
0x125: {  	_ =	swait.ge [sflag:s16], $0x4000  }
0x126: {  	[sflag:s16] =	ssyncset.done $0x0  }
0x127: {  	[sflag:s16] =	ssyncadd.s32 $0xFFFFC000  }
0x128: {  	[tilespmem:s21], [sflag:$0x2] =	stream.indirect.gather [hbm4b:s4+s19], $0x80, s0, s19, $0xb8;
	[tilespmem:$0x1D000] =	vst v63  }
0x129: {  	_ =	swait.ge [sflag:s22], $0x4000  }
0x12a: {  	[sflag:s22] =	ssyncset.done $0x0  }
0x12b: {  	[sflag:s22] =	ssyncadd.s32 $0xFFFFC000  }
0x12c: {  	[spmem:s1] =	stream.indirect.scatter.add.f32 [tilespmem:s15], [sflag:$0x3], $0x80, s2, s19, $0xb8;
	[tilespmem:$0x1D000] =	vst v63  }
0x12d: {  	_ =	swait.ge [sflag:s16], $0x4000  }
0x12e: {  	[sflag:s16] =	ssyncset.done $0x0  }
0x12f: {  	[sflag:s16] =	ssyncadd.s32 $0xFFFFC000  }
0x130: {  	[tilespmem:s15], [sflag:$0x1] =	stream.indirect.gather [hbm4b:s4+s19], $0x80, s12, s19, $0xb8;
	[tilespmem:$0x1D000] =	vst v63  }
0x131: {  	_ =	swait.ge [sflag:s24], $0x4000  }
0x132: {  	[sflag:s24] =	ssyncset.done $0x0  }
0x133: {  	[sflag:s24] =	ssyncadd.s32 $0xFFFFC000  }
0x134: {  	[spmem:s1] =	stream.indirect.scatter.add.f32 [tilespmem:s21], [sflag:$0x3], $0x80, s13, s19, $0xb8;
	[tilespmem:$0x1D000] =	vst v63  }
0x135: {  	_ =	swait.ge [sflag:s16], $0x4000  }
0x136: {  	[sflag:s16] =	ssyncset.done $0x0  }
0x137: {  	[sflag:s16] =	ssyncadd.s32 $0xFFFFC000  }
0x138: {  	[tilespmem:s21], [sflag:$0x2] =	stream.indirect.gather [hbm4b:s4+s19], $0x80, s14, s19, $0xb8;
	[tilespmem:$0x1D000] =	vst v63  }
0x139: {  	_ =	swait.ge [sflag:s22], $0x4000  }
0x13a: {  	[sflag:s22] =	ssyncset.done $0x0  }
0x13b: {  	[sflag:s22] =	ssyncadd.s32 $0xFFFFC000  }
0x13c: {  	[spmem:s1] =	stream.indirect.scatter.add.f32 [tilespmem:s15], [sflag:$0x3], $0x80, s7, s19, $0xb8;
	[tilespmem:$0x1D000] =	vst v63  }
0x13d: {  	_ =	swait.ge [sflag:s16], $0x4000  }
0x13e: {  	[sflag:s16] =	ssyncset.done $0x0  }
0x13f: {  	[sflag:s16] =	ssyncadd.s32 $0xFFFFC000  }
0x140: {  	[tilespmem:s15], [sflag:$0x1] =	stream.indirect.gather [hbm4b:s4+s19], $0x80, s5, s19, $0xb8;
	[tilespmem:$0x1D000] =	vst v63  }
0x141: {  	_ =	swait.ge [sflag:s24], $0x4000  }
0x142: {  	[sflag:s24] =	ssyncset.done $0x0  }
0x143: {  	[sflag:s24] =	ssyncadd.s32 $0xFFFFC000  }
0x144: {  	[spmem:s1] =	stream.indirect.scatter.add.f32 [tilespmem:s21], [sflag:$0x3], $0x80, s6, s19, $0xb8;
	[tilespmem:$0x1D000] =	vst v63  }
0x145: {  	_ =	swait.ge [sflag:s16], $0x4000  }
0x146: {  	[sflag:s16] =	ssyncset.done $0x0  }
0x147: {  	[sflag:s16] =	ssyncadd.s32 $0xFFFFC000  }
0x148: {  	[tilespmem:s21], [sflag:$0x2] =	stream.indirect.gather [hbm4b:s4+s19], $0x80, s8, s19, $0xb8;
	[tilespmem:$0x1D000] =	vst v63  }
0x149: {  	_ =	swait.ge [sflag:s22], $0x4000  }
0x14a: {  	[sflag:s22] =	ssyncset.done $0x0  }
0x14b: {  	[sflag:s22] =	ssyncadd.s32 $0xFFFFC000  }
0x14c: {  	[spmem:s1] =	stream.indirect.scatter.add.f32 [tilespmem:s15], [sflag:$0x3], $0x80, s20, s19, $0xb8;
	[tilespmem:$0x1D000] =	vst v63  }
0x14d: {  	_ =	swait.ge [sflag:s16], $0x4000  }
0x14e: {  	[sflag:s16] =	ssyncset.done $0x0  }
0x14f: {  	[sflag:s16] =	ssyncadd.s32 $0xFFFFC000  }
0x150: {  	[tilespmem:s15], [sflag:$0x1] =	stream.indirect.gather [hbm4b:s4+s19], $0x80, s23, s19, $0xb8;
	[tilespmem:$0x1D000] =	vst v63  }
0x151: {  	_ =	swait.ge [sflag:s24], $0x4000  }
0x152: {  	[sflag:s24] =	ssyncset.done $0x0  }
0x153: {  	[sflag:s24] =	ssyncadd.s32 $0xFFFFC000  }
0x154: {  	[spmem:s1] =	stream.indirect.scatter.add.f32 [tilespmem:s21], [sflag:$0x3], $0x80, s25, s19, $0xb8;
	[tilespmem:$0x1D000] =	vst v63  }
0x155: {  	_ =	swait.ge [sflag:s16], $0x4000  }
0x156: {  	[sflag:s16] =	ssyncset.done $0x0  }
0x157: {  	[sflag:s16] =	ssyncadd.s32 $0xFFFFC000  }
0x158: {  	[tilespmem:s21], [sflag:$0x2] =	stream.indirect.gather [hbm4b:s4+s19], $0x80, s26, s19, $0xb8;
	[tilespmem:$0x1D000] =	vst v63  }
0x159: {  	_ =	swait.ge [sflag:s22], $0x4000  }
0x15a: {  	[sflag:s22] =	ssyncset.done $0x0  }
0x15b: {  	[sflag:s22] =	ssyncadd.s32 $0xFFFFC000  }
0x15c: {  	[spmem:s1] =	stream.indirect.scatter.add.f32 [tilespmem:s15], [sflag:$0x3], $0x80, s28, s19, $0xb8;
	[tilespmem:$0x1D000] =	vst v63  }
0x15d: {  	_ =	swait.ge [sflag:s16], $0x4000  }
0x15e: {  	[sflag:s16] =	ssyncset.done $0x0  }
0x15f: {  	[sflag:s16] =	ssyncadd.s32 $0xFFFFC000  }
0x160: {  	_ =	swait.ge [sflag:s24], $0x4000  }
0x161: {  	[sflag:s24] =	ssyncset.done $0x0  }
0x162: {  	[sflag:s24] =	ssyncadd.s32 $0xFFFFC000  }
0x163: {  	[spmem:s1] =	stream.indirect.scatter.add.f32 [tilespmem:s21], [sflag:$0x3], $0x80, s29, s19, $0xb8;
	[tilespmem:$0x1D000] =	vst v63  }
0x164: {  	s9 =	simm.s32 $0x100;
	_ =	swait.ge [sflag:s16], $0x4000  }
.LBB2_5:
0x165: {  	s10 =	rddreg [dreg:$0x4];
	s11 =	smov.u32 s9;
	[sflag:s16] =	ssyncset.done $0x0  }
0x166: {  	s10 =	sadd.s32 s11, s10;
	[sflag:s16] =	ssyncadd.s32 $0xFFFFC000  }
0x167: {  	[tilespmem:s17], [sflag:$0x3] =	stream.linear.gather [hbm4b:s10+s3], $0x800, $0x38;
	[tilespmem:$0x1D000] =	vst v63  }
0x168: {  	_ =	swait.ge [sflag:s16], $0x800  }
0x169: {  	s10 =	rddreg [dreg:$0x3];
	[sflag:s16] =	ssyncset.done $0x0  }
0x16a: {  	[sflag:s16] =	ssyncadd.s32 $0xFFFFF800;
	s10 =	sadd.s32 s11, s10  }
0x16b: {  	[tilespmem:s18], [sflag:$0x3] =	stream.linear.gather [hbm4b:s10+s3], $0x800, $0x38;
	[tilespmem:$0x1D000] =	vst v63  }
0x16c: {  	_ =	swait.ge [sflag:s16], $0x800  }
0x16d: {  	[sflag:s16] =	ssyncset.done $0x0  }
0x16e: {  	[sflag:s16] =	ssyncadd.s32 $0xFFFFF800  }
0x16f: {  	[tilespmem:s15], [sflag:$0x1] =	stream.indirect.gather [hbm4b:s4+s19], $0x80, s17, s19, $0xb8;
	[tilespmem:$0x1D000] =	vst v63  }
0x170: {  	s11 =	simm.s32 $0x14080  }
0x171: {  	[tilespmem:s21], [sflag:$0x2] =	stream.indirect.gather [hbm4b:s4+s19], $0x80, s11, s19, $0xb8;
	[tilespmem:$0x1D000] =	vst v63  }
0x172: {  	_ =	swait.ge [sflag:s22], $0x4000  }
0x173: {  	[sflag:s22] =	ssyncset.done $0x0  }
0x174: {  	[sflag:s22] =	ssyncadd.s32 $0xFFFFC000  }
0x175: {  	[spmem:s1] =	stream.indirect.scatter.add.f32 [tilespmem:s15], [sflag:$0x3], $0x80, s18, s19, $0xb8;
	[tilespmem:$0x1D000] =	vst v63  }
0x176: {  	_ =	swait.ge [sflag:s16], $0x4000  }
0x177: {  	[sflag:s16] =	ssyncset.done $0x0  }
0x178: {  	s11 =	simm.s32 $0x14100;
	[sflag:s16] =	ssyncadd.s32 $0xFFFFC000  }
0x179: {  	[tilespmem:s15], [sflag:$0x1] =	stream.indirect.gather [hbm4b:s4+s19], $0x80, s11, s19, $0xb8;
	[tilespmem:$0x1D000] =	vst v63  }
0x17a: {  	_ =	swait.ge [sflag:s24], $0x4000  }
0x17b: {  	[sflag:s24] =	ssyncset.done $0x0  }
0x17c: {  	s11 =	simm.s32 $0x14880;
	[sflag:s24] =	ssyncadd.s32 $0xFFFFC000  }
0x17d: {  	[spmem:s1] =	stream.indirect.scatter.add.f32 [tilespmem:s21], [sflag:$0x3], $0x80, s11, s19, $0xb8;
	[tilespmem:$0x1D000] =	vst v63  }
0x17e: {  	_ =	swait.ge [sflag:s16], $0x4000  }
0x17f: {  	[sflag:s16] =	ssyncset.done $0x0  }
0x180: {  	s11 =	simm.s32 $0x14180;
	[sflag:s16] =	ssyncadd.s32 $0xFFFFC000  }
0x181: {  	[tilespmem:s21], [sflag:$0x2] =	stream.indirect.gather [hbm4b:s4+s19], $0x80, s11, s19, $0xb8;
	[tilespmem:$0x1D000] =	vst v63  }
0x182: {  	_ =	swait.ge [sflag:s22], $0x4000  }
0x183: {  	[sflag:s22] =	ssyncset.done $0x0  }
0x184: {  	s11 =	simm.s32 $0x14900;
	[sflag:s22] =	ssyncadd.s32 $0xFFFFC000  }
0x185: {  	[spmem:s1] =	stream.indirect.scatter.add.f32 [tilespmem:s15], [sflag:$0x3], $0x80, s11, s19, $0xb8;
	[tilespmem:$0x1D000] =	vst v63  }
0x186: {  	_ =	swait.ge [sflag:s16], $0x4000  }
0x187: {  	[sflag:s16] =	ssyncset.done $0x0  }
0x188: {  	s11 =	simm.s32 $0x14200;
	[sflag:s16] =	ssyncadd.s32 $0xFFFFC000  }
0x189: {  	[tilespmem:s15], [sflag:$0x1] =	stream.indirect.gather [hbm4b:s4+s19], $0x80, s11, s19, $0xb8;
	[tilespmem:$0x1D000] =	vst v63  }
0x18a: {  	_ =	swait.ge [sflag:s24], $0x4000  }
0x18b: {  	[sflag:s24] =	ssyncset.done $0x0  }
0x18c: {  	s11 =	simm.s32 $0x14980;
	[sflag:s24] =	ssyncadd.s32 $0xFFFFC000  }
0x18d: {  	[spmem:s1] =	stream.indirect.scatter.add.f32 [tilespmem:s21], [sflag:$0x3], $0x80, s11, s19, $0xb8;
	[tilespmem:$0x1D000] =	vst v63  }
0x18e: {  	_ =	swait.ge [sflag:s16], $0x4000  }
0x18f: {  	[sflag:s16] =	ssyncset.done $0x0  }
0x190: {  	s11 =	simm.s32 $0x14280;
	[sflag:s16] =	ssyncadd.s32 $0xFFFFC000  }
0x191: {  	[tilespmem:s21], [sflag:$0x2] =	stream.indirect.gather [hbm4b:s4+s19], $0x80, s11, s19, $0xb8;
	[tilespmem:$0x1D000] =	vst v63  }
0x192: {  	_ =	swait.ge [sflag:s22], $0x4000  }
0x193: {  	[sflag:s22] =	ssyncset.done $0x0  }
0x194: {  	s11 =	simm.s32 $0x14A00;
	[sflag:s22] =	ssyncadd.s32 $0xFFFFC000  }
0x195: {  	[spmem:s1] =	stream.indirect.scatter.add.f32 [tilespmem:s15], [sflag:$0x3], $0x80, s11, s19, $0xb8;
	[tilespmem:$0x1D000] =	vst v63  }
0x196: {  	_ =	swait.ge [sflag:s16], $0x4000  }
0x197: {  	[sflag:s16] =	ssyncset.done $0x0  }
0x198: {  	s11 =	simm.s32 $0x14300;
	[sflag:s16] =	ssyncadd.s32 $0xFFFFC000  }
0x199: {  	[tilespmem:s15], [sflag:$0x1] =	stream.indirect.gather [hbm4b:s4+s19], $0x80, s11, s19, $0xb8;
	[tilespmem:$0x1D000] =	vst v63  }
0x19a: {  	_ =	swait.ge [sflag:s24], $0x4000  }
0x19b: {  	[sflag:s24] =	ssyncset.done $0x0  }
0x19c: {  	s11 =	simm.s32 $0x14A80;
	[sflag:s24] =	ssyncadd.s32 $0xFFFFC000  }
0x19d: {  	[spmem:s1] =	stream.indirect.scatter.add.f32 [tilespmem:s21], [sflag:$0x3], $0x80, s11, s19, $0xb8;
	[tilespmem:$0x1D000] =	vst v63  }
0x19e: {  	_ =	swait.ge [sflag:s16], $0x4000  }
0x19f: {  	[sflag:s16] =	ssyncset.done $0x0  }
0x1a0: {  	s11 =	simm.s32 $0x14380;
	[sflag:s16] =	ssyncadd.s32 $0xFFFFC000  }
0x1a1: {  	[tilespmem:s21], [sflag:$0x2] =	stream.indirect.gather [hbm4b:s4+s19], $0x80, s11, s19, $0xb8;
	[tilespmem:$0x1D000] =	vst v63  }
0x1a2: {  	_ =	swait.ge [sflag:s22], $0x4000  }
0x1a3: {  	[sflag:s22] =	ssyncset.done $0x0  }
0x1a4: {  	s11 =	simm.s32 $0x14B00;
	[sflag:s22] =	ssyncadd.s32 $0xFFFFC000  }
0x1a5: {  	[spmem:s1] =	stream.indirect.scatter.add.f32 [tilespmem:s15], [sflag:$0x3], $0x80, s11, s19, $0xb8;
	[tilespmem:$0x1D000] =	vst v63  }
0x1a6: {  	_ =	swait.ge [sflag:s16], $0x4000  }
0x1a7: {  	[sflag:s16] =	ssyncset.done $0x0  }
0x1a8: {  	[sflag:s16] =	ssyncadd.s32 $0xFFFFC000  }
0x1a9: {  	[tilespmem:s15], [sflag:$0x1] =	stream.indirect.gather [hbm4b:s4+s19], $0x80, s30, s19, $0xb8;
	[tilespmem:$0x1D000] =	vst v63  }
0x1aa: {  	_ =	swait.ge [sflag:s24], $0x4000  }
0x1ab: {  	[sflag:s24] =	ssyncset.done $0x0  }
0x1ac: {  	[sflag:s24] =	ssyncadd.s32 $0xFFFFC000  }
0x1ad: {  	[spmem:s1] =	stream.indirect.scatter.add.f32 [tilespmem:s21], [sflag:$0x3], $0x80, s31, s19, $0xb8;
	[tilespmem:$0x1D000] =	vst v63  }
0x1ae: {  	_ =	swait.ge [sflag:s16], $0x4000  }
0x1af: {  	[sflag:s16] =	ssyncset.done $0x0  }
0x1b0: {  	[sflag:s16] =	ssyncadd.s32 $0xFFFFC000  }
0x1b1: {  	[tilespmem:s21], [sflag:$0x2] =	stream.indirect.gather [hbm4b:s4+s19], $0x80, s0, s19, $0xb8;
	[tilespmem:$0x1D000] =	vst v63  }
0x1b2: {  	_ =	swait.ge [sflag:s22], $0x4000  }
0x1b3: {  	[sflag:s22] =	ssyncset.done $0x0  }
0x1b4: {  	[sflag:s22] =	ssyncadd.s32 $0xFFFFC000  }
0x1b5: {  	[spmem:s1] =	stream.indirect.scatter.add.f32 [tilespmem:s15], [sflag:$0x3], $0x80, s2, s19, $0xb8;
	[tilespmem:$0x1D000] =	vst v63  }
0x1b6: {  	_ =	swait.ge [sflag:s16], $0x4000  }
0x1b7: {  	[sflag:s16] =	ssyncset.done $0x0  }
0x1b8: {  	[sflag:s16] =	ssyncadd.s32 $0xFFFFC000  }
0x1b9: {  	[tilespmem:s15], [sflag:$0x1] =	stream.indirect.gather [hbm4b:s4+s19], $0x80, s12, s19, $0xb8;
	[tilespmem:$0x1D000] =	vst v63  }
0x1ba: {  	_ =	swait.ge [sflag:s24], $0x4000  }
0x1bb: {  	[sflag:s24] =	ssyncset.done $0x0  }
0x1bc: {  	[sflag:s24] =	ssyncadd.s32 $0xFFFFC000  }
0x1bd: {  	[spmem:s1] =	stream.indirect.scatter.add.f32 [tilespmem:s21], [sflag:$0x3], $0x80, s13, s19, $0xb8;
	[tilespmem:$0x1D000] =	vst v63  }
0x1be: {  	_ =	swait.ge [sflag:s16], $0x4000  }
0x1bf: {  	[sflag:s16] =	ssyncset.done $0x0  }
0x1c0: {  	[sflag:s16] =	ssyncadd.s32 $0xFFFFC000  }
0x1c1: {  	[tilespmem:s21], [sflag:$0x2] =	stream.indirect.gather [hbm4b:s4+s19], $0x80, s14, s19, $0xb8;
	[tilespmem:$0x1D000] =	vst v63  }
0x1c2: {  	_ =	swait.ge [sflag:s22], $0x4000  }
0x1c3: {  	[sflag:s22] =	ssyncset.done $0x0  }
0x1c4: {  	[sflag:s22] =	ssyncadd.s32 $0xFFFFC000  }
0x1c5: {  	[spmem:s1] =	stream.indirect.scatter.add.f32 [tilespmem:s15], [sflag:$0x3], $0x80, s7, s19, $0xb8;
	[tilespmem:$0x1D000] =	vst v63  }
0x1c6: {  	_ =	swait.ge [sflag:s16], $0x4000  }
0x1c7: {  	[sflag:s16] =	ssyncset.done $0x0  }
0x1c8: {  	[sflag:s16] =	ssyncadd.s32 $0xFFFFC000  }
0x1c9: {  	[tilespmem:s15], [sflag:$0x1] =	stream.indirect.gather [hbm4b:s4+s19], $0x80, s5, s19, $0xb8;
	[tilespmem:$0x1D000] =	vst v63  }
0x1ca: {  	_ =	swait.ge [sflag:s24], $0x4000  }
0x1cb: {  	[sflag:s24] =	ssyncset.done $0x0  }
0x1cc: {  	[sflag:s24] =	ssyncadd.s32 $0xFFFFC000  }
0x1cd: {  	[spmem:s1] =	stream.indirect.scatter.add.f32 [tilespmem:s21], [sflag:$0x3], $0x80, s6, s19, $0xb8;
	[tilespmem:$0x1D000] =	vst v63  }
0x1ce: {  	_ =	swait.ge [sflag:s16], $0x4000  }
0x1cf: {  	[sflag:s16] =	ssyncset.done $0x0  }
0x1d0: {  	[sflag:s16] =	ssyncadd.s32 $0xFFFFC000  }
0x1d1: {  	[tilespmem:s21], [sflag:$0x2] =	stream.indirect.gather [hbm4b:s4+s19], $0x80, s8, s19, $0xb8;
	[tilespmem:$0x1D000] =	vst v63  }
0x1d2: {  	_ =	swait.ge [sflag:s22], $0x4000  }
0x1d3: {  	[sflag:s22] =	ssyncset.done $0x0  }
0x1d4: {  	[sflag:s22] =	ssyncadd.s32 $0xFFFFC000  }
0x1d5: {  	[spmem:s1] =	stream.indirect.scatter.add.f32 [tilespmem:s15], [sflag:$0x3], $0x80, s20, s19, $0xb8;
	[tilespmem:$0x1D000] =	vst v63  }
0x1d6: {  	_ =	swait.ge [sflag:s16], $0x4000  }
0x1d7: {  	[sflag:s16] =	ssyncset.done $0x0  }
0x1d8: {  	[sflag:s16] =	ssyncadd.s32 $0xFFFFC000  }
0x1d9: {  	[tilespmem:s15], [sflag:$0x1] =	stream.indirect.gather [hbm4b:s4+s19], $0x80, s23, s19, $0xb8;
	[tilespmem:$0x1D000] =	vst v63  }
0x1da: {  	_ =	swait.ge [sflag:s24], $0x4000  }
0x1db: {  	[sflag:s24] =	ssyncset.done $0x0  }
0x1dc: {  	[sflag:s24] =	ssyncadd.s32 $0xFFFFC000  }
0x1dd: {  	[spmem:s1] =	stream.indirect.scatter.add.f32 [tilespmem:s21], [sflag:$0x3], $0x80, s25, s19, $0xb8;
	[tilespmem:$0x1D000] =	vst v63  }
0x1de: {  	_ =	swait.ge [sflag:s16], $0x4000  }
0x1df: {  	[sflag:s16] =	ssyncset.done $0x0  }
0x1e0: {  	[sflag:s16] =	ssyncadd.s32 $0xFFFFC000  }
0x1e1: {  	[tilespmem:s21], [sflag:$0x2] =	stream.indirect.gather [hbm4b:s4+s19], $0x80, s26, s19, $0xb8;
	[tilespmem:$0x1D000] =	vst v63  }
0x1e2: {  	_ =	swait.ge [sflag:s22], $0x4000  }
0x1e3: {  	[sflag:s22] =	ssyncset.done $0x0  }
0x1e4: {  	[sflag:s22] =	ssyncadd.s32 $0xFFFFC000  }
0x1e5: {  	[spmem:s1] =	stream.indirect.scatter.add.f32 [tilespmem:s15], [sflag:$0x3], $0x80, s28, s19, $0xb8;
	[tilespmem:$0x1D000] =	vst v63  }
0x1e6: {  	_ =	swait.ge [sflag:s16], $0x4000  }
0x1e7: {  	[sflag:s16] =	ssyncset.done $0x0  }
0x1e8: {  	p1 =	seq.s32 s9, $0x700;
	[sflag:s16] =	ssyncadd.s32 $0xFFFFC000  }
.Ltmp6:
0x1e9: {  	_ =	swait.ge [sflag:s24], $0x4000;
	(pc) =	sbr.rel @!p1 .LBB2_5-.Ltmp6, $4  }
0x1ea: {  	[sflag:s24] =	ssyncset.done $0x0  }
0x1eb: {  	[sflag:s24] =	ssyncadd.s32 $0xFFFFC000  }
0x1ec: {  	[spmem:s1] =	stream.indirect.scatter.add.f32 [tilespmem:s21], [sflag:$0x3], $0x80, s29, s19, $0xb8;
	[tilespmem:$0x1D000] =	vst v63  }
0x1ed: {  	s9 =	sadd.s32 $0x100, s9;
	_ =	swait.ge [sflag:s16], $0x4000  }
.Ltmp7:
0x1ee: {  	_ = 	snop;
	(pc) =	sbr.rel .LBB2_6-.Ltmp7, $1  }
0x1ef: {  	_ =	sdelay $0x3  }
.LBB2_9:
0x1f0: {  	_ =	sfence.sel $0x180000  }
0x1f1: {  	[bflag:$0x0] =	sbarrier.arrive $0xFFFF  }
0x1f2: {  	_ =	strace $0x9000004D  }
0x1f3: {  	s0 =	stileid.u32;
	[bflag:$0x2] =	sbarrier.arrive $0xFFFF  }
0x1f4: {  	p0 =	sne.s32 s0, $0x0;
	s0 =	rddreg [dreg:$0x2]  }
0x1f5: {  	s0 =	sadd.s32 @!p0 $0x100000, s0  }
0x1f6: {  	[sflag:s0] =	ssyncadd.tile.s32 @!p0 $0x1;
	_ =	shalt  }
.Lfunc_end2:
_tile_overlayer_lowered:
.L_overlay_start_2:
0x1f7: {  	(tag) =	ssettag $0x2  }
0x1f8: {  	s0 =	rddreg [dreg:$0x0];
	s2 =	stileid.u32  }
0x1f9: {  	s1 =	rddreg [dreg:$0x1];
	p0 =	sne.s32 s2, $0x0  }
0x1fa: {  	s3 =	rddreg [dreg:$0x2];
	[bflag:$0x3] =	sbarrier.arrive $0xFFFF;
	s2 =	simm.s32 @!p0 $0x1C03  }
0x1fb: {  	[timem:s3], [sflag:s2] =	dma.local @!p0 [hbm:s0], s1  }
0x1fc: {  	s0 =	simm.s32 @!p0 $0x3  }
0x1fd: {  	_ =	swait.ge @!p0 [sflag:s0], s1  }
0x1fe: {  	s1 =	ssub.s32 @!p0 $0x0, s1;
	[sflag:s0] =	ssyncset.done @!p0 $0x0  }
0x1ff: {  	[sflag:s0] =	ssyncadd.s32 @!p0 s1  }
0x200: {  	[bflag:$0x3] =	sbarrier.arrive $0xFFFF  }
0x201: {  	_ =	shalt  }

// kernel: kernel.19.cloned.1.call-start
scs
__scs_entry_jumppad:
0x0: {  	(pc) =	sbr.rel $0x88, $3  }
0x1: {  	(tag) =	ssettag $0x0;
	lr =	simm.s32 $0x1  }
0x2: {  	[smem:$0x3F94] =	sst lr;
	_ =	strace $0xD0000000  }
0x3: {  	_ = 	snop  }
0x4: {  	_ = 	snop  }
0x5: {  	_ = 	snop  }
0x6: {  	_ = 	snop  }
0x7: {  	_ = 	snop  }
__scs_overlays_trampoline_lowered:
0x8: {  	[smem:$0x3FA3] =	sst s0  }
0x9: {  	[smem:$0x3FA4] =	sst s1  }
0xa: {  	[smem:$0x3FA5] =	sst s2  }
0xb: {  	[smem:$0x3FA6] =	sst s3  }
0xc: {  	[smem:$0x3FA7] =	sst s4  }
0xd: {  	[smem:$0x3FA8] =	sst s5  }
0xe: {  	[smem:$0x3FA9] =	sst s6  }
0xf: {  	[smem:$0x3FAA] =	sst s7  }
0x10: {  	[smem:$0x3FAB] =	sst s8  }
0x11: {  	[smem:$0x3FAC] =	sst s9;
	s0 =	simm.s32 @!p0 $0x0  }
0x12: {  	s1 =	sld [smem:$0x3F92];
	s0 =	simm.s32 @p0 $0x1  }
0x13: {  	[smem:$0x3FAD] =	sst s0;
	s0 =	simm.s32 @!p1 $0x0  }
0x14: {  	s2 =	sld [smem:$0x3F91];
	s0 =	simm.s32 @p1 $0x1  }
0x15: {  	[smem:$0x3FAE] =	sst s0;
	s0 =	simm.s32 @!p2 $0x0  }
0x16: {  	s3 =	sld [smem:$0x3FDB];
	s0 =	simm.s32 @p2 $0x1  }
0x17: {  	s4 =	simm.s32 $0x1BF5;
	[smem:$0x3FB0] =	sst s0  }
0x18: {  	s0 =	sld [smem:$0x3F93];
	_ =	swait.ge [sflag:s4], $0x0  }
0x19: {  	s7 =	sld [smem:$0x3F94]  }
0x1a: {  	s8 =	sadd.s32 $0xFFFFE003, lr  }
0x1b: {  	s9 =	sadd.s32 $0xFFFFFEF7, lr;
	s5 =	simm.s32 $0xFFFFFFFF;
	p2 =	slt.u32 s8, $0xFFFFF086  }
0x1c: {  	p1 =	slt.u32 s9, $0xF7A;
	s5 =	simm.s32 @!p2 $0x0  }
0x1d: {  	s5 =	simm.s32 @p1 $0x1;
	p0 =	seq.s32 s7, s2  }
0x1e: {  	s7 =	smul.u32 @!p0 $0xF7A, s2;
	p2 =	seq.s32 @!p0 s5, $0x0  }
0x1f: {  	s9 =	smul.u32 $0xF7A, s1;
	s8 =	simm.s32 @!p0 $0x1BF5;
	p2 =	por !p2, p0  }
0x20: {  	[sflag:s8] =	ssyncset.s32 @!p0 $0xFFFFF086;
	s6 =	sadd.s32 @!p0 s3, s7;
	s7 =	simm.s32 @!p0 $0x108  }
0x21: {  	s3 =	sadd.s32 s3, s9;
	s6 =	sadd.s32 @!p0 $0x88, s6;
	s7 =	simm.s32 @p2 $0x1082  }
0x22: {  	[simem:s7], [sflag:s8] =	dma.local @!p0 [hbm:s6], $0xF7A  }
0x23: {  	s9 =	sor.u32 $0xD0000000, s2;
	s6 =	simm.s32 $0x108;
	_ =	swait.ge @!p0 [sflag:s8], $0x0  }
0x24: {  	s3 =	sadd.s32 $0x88, s3;
	s6 =	simm.s32 @!p1 $0x1082;
	[sflag:s4] =	ssyncset.s32 $0xFFFFF086  }
0x25: {  	[simem:s6], [sflag:s4] =	dma.local [hbm:s3], $0xF7A  }
0x26: {  	[smem:$0x3F94] =	sst s1;
	(tag) =	ssettag s2;
	_ =	strace s9  }
0x27: {  	s1 =	sld [smem:$0x3FA4]  }
0x28: {  	s2 =	sld [smem:$0x3FA5]  }
0x29: {  	s4 =	sld [smem:$0x3FA7]  }
0x2a: {  	p0 =	seq.s32 s5, $0x0;
	s5 =	sld [smem:$0x3FA8]  }
0x2b: {  	s6 =	sld [smem:$0x3FA9]  }
0x2c: {  	s7 =	sld [smem:$0x3FAA]  }
0x2d: {  	s3 =	simm.s32 $0x108;
	s8 =	sld [smem:$0x3FAB]  }
0x2e: {  	s3 =	simm.s32 @!p0 $0x1082;
	s9 =	sld [smem:$0x3FAC]  }
0x2f: {  	lr =	sadd.s32 s0, s3;
	s0 =	sld [smem:$0x3FA3]  }
0x30: {  	s3 =	sld [smem:$0x3FA6]  }
0x31: {  	[smem:$0x3FAF] =	sst s10  }
0x32: {  	s10 =	sld [smem:$0x3FAD];
	_ =	sdelay $0x3  }
0x33: {  	p0 =	seq.s32 s10, $0x1;
	s10 =	sld [smem:$0x3FAF];
	_ =	sdelay $0x3  }
0x34: {  	[smem:$0x3FAF] =	sst s10  }
0x35: {  	s10 =	sld [smem:$0x3FAE];
	_ =	sdelay $0x3  }
0x36: {  	p1 =	seq.s32 s10, $0x1;
	s10 =	sld [smem:$0x3FAF];
	_ =	sdelay $0x3  }
0x37: {  	[smem:$0x3FAF] =	sst s10  }
0x38: {  	s10 =	sld [smem:$0x3FB0]  }
0x39: {  	_ = 	snop;
	(pc) =	sbr.ind lr, $3  }
0x3a: {  	_ = 	snop  }
0x3b: {  	_ = 	snop  }
0x3c: {  	p2 =	seq.s32 s10, $0x1;
	s10 =	sld [smem:$0x3FAF]  }
0x3d: {  	_ =	shalt  }
0x3e: {  	_ =	shalt  }
0x3f: {  	_ =	shalt  }
0x40: {  	_ =	shalt  }
0x41: {  	_ =	shalt  }
0x42: {  	_ =	shalt  }
0x43: {  	_ =	shalt  }
0x44: {  	_ =	shalt  }
0x45: {  	_ =	shalt  }
0x46: {  	_ =	shalt  }
0x47: {  	_ =	shalt  }
0x48: {  	_ =	shalt  }
0x49: {  	_ =	shalt  }
0x4a: {  	_ =	shalt  }
0x4b: {  	_ =	shalt  }
0x4c: {  	_ =	shalt  }
0x4d: {  	_ =	shalt  }
0x4e: {  	_ =	shalt  }
0x4f: {  	_ =	shalt  }
0x50: {  	_ =	shalt  }
0x51: {  	_ =	shalt  }
0x52: {  	_ =	shalt  }
0x53: {  	_ =	shalt  }
0x54: {  	_ =	shalt  }
0x55: {  	_ =	shalt  }
0x56: {  	_ =	shalt  }
0x57: {  	_ =	shalt  }
0x58: {  	_ =	shalt  }
0x59: {  	_ =	shalt  }
0x5a: {  	_ =	shalt  }
0x5b: {  	_ =	shalt  }
0x5c: {  	_ =	shalt  }
0x5d: {  	_ =	shalt  }
0x5e: {  	_ =	shalt  }
0x5f: {  	_ =	shalt  }
0x60: {  	_ =	shalt  }
0x61: {  	_ =	shalt  }
0x62: {  	_ =	shalt  }
0x63: {  	_ =	shalt  }
0x64: {  	_ =	shalt  }
0x65: {  	_ =	shalt  }
0x66: {  	_ =	shalt  }
0x67: {  	_ =	shalt  }
0x68: {  	_ =	shalt  }
0x69: {  	_ =	shalt  }
0x6a: {  	_ =	shalt  }
0x6b: {  	_ =	shalt  }
0x6c: {  	_ =	shalt  }
0x6d: {  	_ =	shalt  }
0x6e: {  	_ =	shalt  }
0x6f: {  	_ =	shalt  }
0x70: {  	_ =	shalt  }
0x71: {  	_ =	shalt  }
0x72: {  	_ =	shalt  }
0x73: {  	_ =	shalt  }
0x74: {  	_ =	shalt  }
0x75: {  	_ =	shalt  }
0x76: {  	_ =	shalt  }
0x77: {  	_ =	shalt  }
0x78: {  	_ =	shalt  }
0x79: {  	_ =	shalt  }
0x7a: {  	_ =	shalt  }
0x7b: {  	_ =	shalt  }
0x7c: {  	_ =	shalt  }
0x7d: {  	_ =	shalt  }
0x7e: {  	_ =	shalt  }
0x7f: {  	_ =	shalt  }
0x80: {  	_ =	shalt  }
0x81: {  	_ =	shalt  }
0x82: {  	_ =	shalt  }
0x83: {  	_ =	shalt  }
0x84: {  	_ =	shalt  }
0x85: {  	_ =	shalt  }
0x86: {  	_ =	shalt  }
0x87: {  	_ =	shalt  }
.Lfunc_end0:
.L_simem_size_0:
called_computation.3_lowered:
.L_overlay_start_0:
0x88: {  	s2 =	sld [smem:$0x3FD9]  }
0x89: {  	s3 =	sld [smem:$0x3FFE];
	_ =	sdelay $0x1  }
0x8a: {  	s1 =	srdreg.scid  }
0x8b: {  	s0 =	sand.u32 $0x1, s1  }
0x8c: {  	s16 =	sshll.u32 s0, $0xA;
	s2 =	sadd.s32 s3, s2  }
0x8d: {  	s2 =	sadd.s32 s2, s16  }
0x8e: {  	[smem:$0x3FBB] =	sst s2  }
0x8f: {  	_ = 	snop  }
0x90: {  	(tm) =	ssettm $0x1  }
0x91: {  	s17 =	sld [smem:$0x3FFB];
	_ =	sdelay $0x3  }
0x92: {  	_ =	strace s17  }
0x93: {  	s2 =	sld [smem:$0x3FFC];
	_ =	sdelay $0x3  }
0x94: {  	_ =	strace s2  }
0x95: {  	s2 =	sld [smem:$0x3FFD];
	_ =	sdelay $0x3  }
0x96: {  	_ =	strace s2  }
0x97: {  	_ =	strace $0x8FFFFFFF  }
0x98: {  	s18 =	sld [smem:$0x3FDB];
	_ =	sdelay $0x1  }
0x99: {  	s19 =	simm.s32 $_scs_section_size  }
0x9a: {  	s4 =	simm.s32 $_size__tile_overlayer_lowered;
	s5 =	simm.s32 $_tile_overlayer_lowered  }
0x9b: {  	s22 =	simm.s32 $0x1BFF;
	s21 =	sshll.u32 s5, $0x1;
	s2 =	sadd.s32 s19, s18  }
0x9c: {  	s6 =	simm.s32 $0x0;
	s20 =	sshll.u32 s4, $0x1;
	s4 =	sadd.s32 s21, s2  }
0x9d: {  	[timem:s6], [sflag:s22] =	dma.local [hbm:s4], s20  }
0x9e: {  	_ =	swait.ge [sflag:s22], s20  }
0x9f: {  	s3 =	ssub.s32 $0x0, s20;
	[sflag:s22] =	ssyncset.done $0x0  }
0xa0: {  	[sflag:s22] =	ssyncadd.s32 s3;
	_ =	sdelay $0x1  }
0xa1: {  	s23 =	simm.s32 $0x1B8B  }
0xa2: {  	_ =	swait.ge [sflag:s23], $0x1  }
0xa3: {  	[sflag:s23] =	ssyncset.done $0x0  }
0xa4: {  	s25 =	simm.s32 $0x1B8E;
	s24 =	sld [smem:$0x3FFE];
	[sflag:s23] =	ssyncadd.s32 $0xFFFFFFFF  }
0xa5: {  	s26 =	simm.s32 $execute0_lowered;
	[smem:$0x3FD2] =	sst s25  }
0xa6: {  	s4 =	sshll.u32 s26, $0x1;
	_ =	strace $0x8000004F;
	[dreg:$0x1] =	wrdreg $0xFFFFFFFF  }
0xa7: {  	s28 =	simm.s32 $_size_execute0_lowered;
	s2 =	sadd.s32 s2, s4;
	[dreg:$0x0] =	wrdreg $0x0  }
0xa8: {  	s4 =	sshll.u32 s28, $0x1;
	[dreg:$0x2] =	wrdreg s2  }
0xa9: {  	[dreg:$0x3] =	wrdreg s4  }
0xaa: {  	[dreg:$0x4] =	wrdreg $0xC0  }
0xab: {  	_ =	task [dreg:s6], $0x5FFFF  }
0xac: {  	[dreg:$0x1] =	wrdreg $0xFFFFFFFF  }
0xad: {  	[dreg:$0x0] =	wrdreg $0x60  }
0xae: {  	[dreg:$0x2] =	wrdreg s24  }
0xaf: {  	[dreg:$0x3] =	wrdreg $0x9  }
0xb0: {  	_ =	task.clear_ibuf [dreg:s6], $0x4FFFF;
	_ =	strace $0x9000004F  }
0xb1: {  	s29 =	simm.s32 $0x9;
	_ =	strace $0x80000051  }
0xb2: {  	_ =	swait.ge [sflag:s29], $0x1  }
0xb3: {  	[sflag:s29] =	ssyncadd.s32 $0xFFFFFFFF  }
0xb4: {  	_ =	strace $0x90000051  }
0xb5: {  	_ =	sfence  }
0xb6: {  	s30 =	sld [smem:$0x0];
	_ =	sdelay $0x2  }
0xb7: {  	s31 =	sshll.u32 s1, $0xD;
	s1 =	sshrl.u32 s1, $0x2  }
0xb8: {  	s3 =	sand.u32 $0x4000, s31;
	s1 =	sadd.s32 s1, s30  }
0xb9: {  	s0 =	sor.u32 s3, s0;
	s1 =	sshll.u32 s1, $0x11  }
0xba: {  	s0 =	sor.u32 s1, s0  }
0xbb: {  	s0 =	sadd.s32 $0x8F2B, s0  }
0xbc: {  	[sflag:s0] =	ssyncadd.remote.s32 $0x1  }
0xbd: {  	_ =	sfence.sel $0xFFFF  }
0xbe: {  	[dreg:$0x0] =	wrdreg $0xFFFFFFFF;
	(pc) =	sbr.abs _section_cstart, $3  }
0xbf: {  	[dreg:$0x1] =	wrdreg $0xFFFFFFFF  }
0xc0: {  	_ =	task.clear_ibuf [dreg:s6], $0x2FFFF;
	_ =	strace $0x9FFFFFFF  }
0xc1: {  	(tm) =	ssettm $0x7FFFFFFF  }
tec
execute0_lowered:
.L_overlay_start_1:
0x0: {  	(tag) =	ssettag $0x1  }
0x1: {  	s6 =	rddreg [dreg:$0x0]  }
0x2: {  	s0 =	rddreg [dreg:$0x1]  }
0x3: {  	s1 =	simm.s32 $0x0;
	s5 =	srdreg.scid;
	s2 =	stileid.u32  }
0x4: {  	s18 =	simm.s32 $0x3;
	s19 =	simm.s32 $0x1400;
	s20 =	simm.s32 $0x80  }
0x5: {  	s21 =	simm.s32 $0x2800;
	s22 =	simm.s32 $0x6800;
	s23 =	simm.s32 $0x1  }
0x6: {  	s24 =	simm.s32 $0x2;
	s25 =	simm.s32 $0x0;
	[smem:$0x7FF] =	sst s1  }
0x7: {  	s3 =	sadd.s32 $0x2E00, s6;
	s4 =	sadd.s32 $0x2AE00, s6;
	s10 =	smul.u32 $0x1400, s2  }
0x8: {  	s7 =	sand.u32 $0x1, s5;
	s9 =	sadd.s32 $0xE2000, s6;
	s13 =	smul.u32 $0x500, s2  }
0x9: {  	s11 =	sadd.s32 $0xDEE00, s6;
	s5 =	sadd.s32 $0xE5200, s6;
	s15 =	smul.u32 $0x14000, s2  }
0xa: {  	s6 =	sadd.s32 $0x275200, s6;
	s17 =	smul.u32 $0x5000, s2;
	s8 =	ssub.s32 $0x2, s7  }
0xb: {  	_ =	strace $0x80000050;
	p0 =	seq.s32 s7, $0x1;
	s12 =	sshrl.u32 s8, $0x1  }
0xc: {  	s30 =	sshrl.u32 s10, $0x3;
	s31 =	sshrl.u32 s13, $0x3;
	s13 =	sadd.s32 $0x144800, s17  }
.Ltmp0:
0xd: {  	s14 =	sadd.s32 s15, s5;
	s16 =	sadd.s32 s17, s5;
	(pc) =	sbr.rel .LBB2_1-.Ltmp0, $4  }
0xe: {  	s17 =	sadd.s32 s17, s6;
	s12 =	ssub.s32 s8, s12;
	s7 =	sadd.s32 s9, s30  }
0xf: {  	s10 =	sadd.s32 $0x2800, s31;
	s8 =	sadd.s32 s11, s30;
	s16 =	sadd.s32 $0x140000, s16  }
0x10: {  	s17 =	sadd.s32 $0x140000, s17;
	s9 =	sadd.s32 s9, s10;
	s10 =	sadd.s32 s11, s10  }
0x11: {  	s11 =	smax.u32 s12, $0x1;
	s12 =	sadd.s32 $0x13800, s15;
	s15 =	sadd.s32 s15, s6  }
.LBB2_7:
0x12: {  	[tilespmem:s22], [sflag:$0x2] =	stream.indirect.gather [hbm4b:s4+s20], $0x80, s30, s20, $0xb8;
	[tilespmem:$0xA800] =	vst v63  }
0x13: {  	s26 =	smov.u32 s13  }
.LBB2_8:
0x14: {  	_ =	swait.ge [sflag:s23], $0x4000  }
0x15: {  	[sflag:s23] =	ssyncset.done $0x0  }
0x16: {  	s28 =	sadd.s32 s5, s26;
	[sflag:s23] =	ssyncadd.s32 $0xFFFFC000  }
0x17: {  	[hbm4b:s28+s1] =	stream.linear.scatter [tilespmem:s21], [sflag:$0x3], $0x4000, $0x38;
	[tilespmem:$0xA800] =	vst v63  }
0x18: {  	_ =	swait.ge [sflag:s18], $0x4000  }
0x19: {  	[sflag:s18] =	ssyncset.done $0x0  }
0x1a: {  	[sflag:s18] =	ssyncadd.s32 $0xFFFFC000  }
0x1b: {  	s25 =	sadd.s32 $0x1, s25;
	_ =	swait.ge [sflag:s24], $0x4000  }
0x1c: {  	p1 =	sne.s32 s25, s11;
	[sflag:s24] =	ssyncset.done $0x0  }
.Ltmp1:
0x1d: {  	s31 =	sadd.s32 s6, s26;
	[sflag:s24] =	ssyncadd.s32 $0xFFFFC000;
	(pc) =	sbr.rel @!p1 .LBB2_9-.Ltmp1, $4  }
0x1e: {  	[hbm4b:s31+s1] =	stream.linear.scatter [tilespmem:s22], [sflag:$0x3], $0x4000, $0x38;
	[tilespmem:$0xA800] =	vst v63  }
0x1f: {  	_ =	swait.ge [sflag:s18], $0x4000  }
0x20: {  	[sflag:s18] =	ssyncset.done $0x0  }
0x21: {  	[sflag:s18] =	ssyncadd.s32 $0xFFFFC000  }
.LBB2_1:
.Ltmp2:
0x22: {  	(pc) =	sbr.rel @!p0 .LBB2_2-.Ltmp2, $1  }
0x23: {  	_ =	sdelay $0x3  }
0x24: {  	[tilespmem:s1], [sflag:$0x3] =	stream.linear.gather [hbm4b:s9+s1], $0x500, $0x38;
	[tilespmem:$0xA800] =	vst v63  }
0x25: {  	_ =	swait.ge [sflag:s18], $0x500  }
0x26: {  	[sflag:s18] =	ssyncset.done $0x0  }
0x27: {  	[sflag:s18] =	ssyncadd.s32 $0xFFFFFB00  }
0x28: {  	[tilespmem:s19], [sflag:$0x3] =	stream.linear.gather [hbm4b:s10+s1], $0x500, $0x38;
	[tilespmem:$0xA800] =	vst v63  }
0x29: {  	_ =	swait.ge [sflag:s18], $0x500  }
0x2a: {  	[sflag:s18] =	ssyncset.done $0x0  }
0x2b: {  	[sflag:s18] =	ssyncadd.s32 $0xFFFFFB00  }
0x2c: {  	[tilespmem:s21], [sflag:$0x1] =	stream.indirect.gather [hbm4b:s3+s20], $0x80, s1, s20, $0xb8;
	[tilespmem:$0xA800] =	vst v63  }
0x2d: {  	_ = 	snop  }
0x2e: {  	[tilespmem:s22], [sflag:$0x2] =	stream.indirect.gather [hbm4b:s4+s20], $0x80, s19, s20, $0xb8;
	[tilespmem:$0xA800] =	vst v63  }
0x2f: {  	_ =	swait.ge [sflag:s23], $0x4000  }
0x30: {  	[sflag:s23] =	ssyncset.done $0x0  }
0x31: {  	[sflag:s23] =	ssyncadd.s32 $0xFFFFC000  }
0x32: {  	[hbm4b:s16+s1] =	stream.linear.scatter [tilespmem:s21], [sflag:$0x3], $0x4000, $0x38;
	[tilespmem:$0xA800] =	vst v63  }
0x33: {  	_ =	swait.ge [sflag:s18], $0x4000  }
0x34: {  	[sflag:s18] =	ssyncset.done $0x0  }
0x35: {  	s26 =	simm.s32 $0x80;
	[sflag:s18] =	ssyncadd.s32 $0xFFFFC000  }
0x36: {  	[tilespmem:s21], [sflag:$0x1] =	stream.indirect.gather [hbm4b:s3+s20], $0x80, s26, s20, $0xb8;
	[tilespmem:$0xA800] =	vst v63  }
0x37: {  	_ =	swait.ge [sflag:s24], $0x4000  }
0x38: {  	[sflag:s24] =	ssyncset.done $0x0  }
0x39: {  	[sflag:s24] =	ssyncadd.s32 $0xFFFFC000  }
0x3a: {  	[hbm4b:s17+s1] =	stream.linear.scatter [tilespmem:s22], [sflag:$0x3], $0x4000, $0x38;
	[tilespmem:$0xA800] =	vst v63  }
0x3b: {  	_ =	swait.ge [sflag:s18], $0x4000  }
0x3c: {  	s28 =	sadd.s32 $0x800, s17;
	s30 =	simm.s32 $0x1480;
	[sflag:s18] =	ssyncset.done $0x0  }
0x3d: {  	s29 =	sadd.s32 $0x800, s16;
	s26 =	simm.s32 $0x400;
	[sflag:s18] =	ssyncadd.s32 $0xFFFFC000  }
.LBB2_6:
0x3e: {  	[tilespmem:s22], [sflag:$0x2] =	stream.indirect.gather [hbm4b:s4+s20], $0x80, s30, s20, $0xb8;
	[tilespmem:$0xA800] =	vst v63  }
0x3f: {  	s30 =	smov.u32 s26  }
0x40: {  	p1 =	sne.s32 s26, $0x1200;
	s26 =	sadd.s32 $0x200, s26;
	_ =	swait.ge [sflag:s23], $0x4000  }
0x41: {  	[sflag:s23] =	ssyncset.done $0x0  }
0x42: {  	[sflag:s23] =	ssyncadd.s32 $0xFFFFC000  }
0x43: {  	[hbm4b:s29+s1] =	stream.linear.scatter [tilespmem:s21], [sflag:$0x3], $0x4000, $0x38;
	[tilespmem:$0xA800] =	vst v63  }
0x44: {  	_ =	swait.ge [sflag:s18], $0x4000  }
0x45: {  	[sflag:s18] =	ssyncset.done $0x0  }
0x46: {  	s30 =	sshra.s32 s30, $0x2;
	[sflag:s18] =	ssyncadd.s32 $0xFFFFC000  }
0x47: {  	[tilespmem:s21], [sflag:$0x1] =	stream.indirect.gather [hbm4b:s3+s20], $0x80, s30, s20, $0xb8;
	[tilespmem:$0xA800] =	vst v63  }
0x48: {  	_ =	swait.ge [sflag:s24], $0x4000  }
0x49: {  	[sflag:s24] =	ssyncset.done $0x0  }
.Ltmp3:
0x4a: {  	[sflag:s24] =	ssyncadd.s32 $0xFFFFC000;
	(pc) =	sbr.rel @p1 .LBB2_6-.Ltmp3, $4  }
0x4b: {  	[hbm4b:s28+s1] =	stream.linear.scatter [tilespmem:s22], [sflag:$0x3], $0x4000, $0x38;
	[tilespmem:$0xA800] =	vst v63  }
0x4c: {  	_ =	swait.ge [sflag:s18], $0x4000  }
0x4d: {  	s28 =	sadd.s32 $0x800, s28;
	[sflag:s18] =	ssyncset.done $0x0  }
0x4e: {  	s29 =	sadd.s32 $0x800, s29;
	s30 =	sadd.s32 $0x1400, s30;
	[sflag:s18] =	ssyncadd.s32 $0xFFFFC000  }
.Ltmp4:
0x4f: {  	_ = 	snop;
	(pc) =	sbr.rel .LBB2_7-.Ltmp4, $1  }
0x50: {  	_ =	sdelay $0x3  }
.LBB2_2:
0x51: {  	[tilespmem:s1], [sflag:$0x3] =	stream.linear.gather [hbm4b:s7+s1], $0x1400, $0x38;
	[tilespmem:$0xA800] =	vst v63  }
0x52: {  	_ =	swait.ge [sflag:s18], $0x1400  }
0x53: {  	[sflag:s18] =	ssyncset.done $0x0  }
0x54: {  	[sflag:s18] =	ssyncadd.s32 $0xFFFFEC00  }
0x55: {  	[tilespmem:s19], [sflag:$0x3] =	stream.linear.gather [hbm4b:s8+s1], $0x1400, $0x38;
	[tilespmem:$0xA800] =	vst v63  }
0x56: {  	_ =	swait.ge [sflag:s18], $0x1400  }
0x57: {  	[sflag:s18] =	ssyncset.done $0x0  }
0x58: {  	[sflag:s18] =	ssyncadd.s32 $0xFFFFEC00  }
0x59: {  	[tilespmem:s21], [sflag:$0x1] =	stream.indirect.gather [hbm4b:s3+s20], $0x80, s1, s20, $0xb8;
	[tilespmem:$0xA800] =	vst v63  }
0x5a: {  	_ = 	snop  }
0x5b: {  	[tilespmem:s22], [sflag:$0x2] =	stream.indirect.gather [hbm4b:s4+s20], $0x80, s19, s20, $0xb8;
	[tilespmem:$0xA800] =	vst v63  }
0x5c: {  	_ =	swait.ge [sflag:s23], $0x4000  }
0x5d: {  	[sflag:s23] =	ssyncset.done $0x0  }
0x5e: {  	[sflag:s23] =	ssyncadd.s32 $0xFFFFC000  }
0x5f: {  	[hbm4b:s14+s1] =	stream.linear.scatter [tilespmem:s21], [sflag:$0x3], $0x4000, $0x38;
	[tilespmem:$0xA800] =	vst v63  }
0x60: {  	_ =	swait.ge [sflag:s18], $0x4000  }
0x61: {  	[sflag:s18] =	ssyncset.done $0x0  }
0x62: {  	s26 =	simm.s32 $0x80;
	[sflag:s18] =	ssyncadd.s32 $0xFFFFC000  }
0x63: {  	[tilespmem:s21], [sflag:$0x1] =	stream.indirect.gather [hbm4b:s3+s20], $0x80, s26, s20, $0xb8;
	[tilespmem:$0xA800] =	vst v63  }
0x64: {  	_ =	swait.ge [sflag:s24], $0x4000  }
0x65: {  	[sflag:s24] =	ssyncset.done $0x0  }
0x66: {  	[sflag:s24] =	ssyncadd.s32 $0xFFFFC000  }
0x67: {  	[hbm4b:s15+s1] =	stream.linear.scatter [tilespmem:s22], [sflag:$0x3], $0x4000, $0x38;
	[tilespmem:$0xA800] =	vst v63  }
0x68: {  	_ =	swait.ge [sflag:s18], $0x4000  }
0x69: {  	s28 =	sadd.s32 $0x800, s15;
	s30 =	simm.s32 $0x1480;
	[sflag:s18] =	ssyncset.done $0x0  }
0x6a: {  	s29 =	sadd.s32 $0x800, s14;
	s26 =	simm.s32 $0x400;
	[sflag:s18] =	ssyncadd.s32 $0xFFFFC000  }
.LBB2_3:
0x6b: {  	[tilespmem:s22], [sflag:$0x2] =	stream.indirect.gather [hbm4b:s4+s20], $0x80, s30, s20, $0xb8;
	[tilespmem:$0xA800] =	vst v63  }
0x6c: {  	s30 =	smov.u32 s26  }
0x6d: {  	p1 =	seq.s32 s26, $0x4E00;
	s26 =	sadd.s32 $0x200, s26;
	_ =	swait.ge [sflag:s23], $0x4000  }
0x6e: {  	[sflag:s23] =	ssyncset.done $0x0  }
0x6f: {  	[sflag:s23] =	ssyncadd.s32 $0xFFFFC000  }
0x70: {  	[hbm4b:s29+s1] =	stream.linear.scatter [tilespmem:s21], [sflag:$0x3], $0x4000, $0x38;
	[tilespmem:$0xA800] =	vst v63  }
0x71: {  	_ =	swait.ge [sflag:s18], $0x4000  }
0x72: {  	[sflag:s18] =	ssyncset.done $0x0  }
0x73: {  	s30 =	sshra.s32 s30, $0x2;
	[sflag:s18] =	ssyncadd.s32 $0xFFFFC000  }
0x74: {  	[tilespmem:s21], [sflag:$0x1] =	stream.indirect.gather [hbm4b:s3+s20], $0x80, s30, s20, $0xb8;
	[tilespmem:$0xA800] =	vst v63  }
0x75: {  	_ =	swait.ge [sflag:s24], $0x4000  }
0x76: {  	[sflag:s24] =	ssyncset.done $0x0  }
.Ltmp5:
0x77: {  	[sflag:s24] =	ssyncadd.s32 $0xFFFFC000;
	(pc) =	sbr.rel @!p1 .LBB2_3-.Ltmp5, $4  }
0x78: {  	[hbm4b:s28+s1] =	stream.linear.scatter [tilespmem:s22], [sflag:$0x3], $0x4000, $0x38;
	[tilespmem:$0xA800] =	vst v63  }
0x79: {  	_ =	swait.ge [sflag:s18], $0x4000  }
0x7a: {  	s28 =	sadd.s32 $0x800, s28;
	[sflag:s18] =	ssyncset.done $0x0  }
0x7b: {  	s29 =	sadd.s32 $0x800, s29;
	s30 =	sadd.s32 $0x1400, s30;
	[sflag:s18] =	ssyncadd.s32 $0xFFFFC000  }
.Ltmp6:
0x7c: {  	(pc) =	sbr.rel .LBB2_8-.Ltmp6, $3  }
0x7d: {  	_ =	sdelay $0x1  }
0x7e: {  	[tilespmem:s22], [sflag:$0x2] =	stream.indirect.gather [hbm4b:s4+s20], $0x80, s30, s20, $0xb8;
	[tilespmem:$0xA800] =	vst v63  }
0x7f: {  	s26 =	smov.u32 s12  }
.LBB2_9:
0x80: {  	_ =	sfence.sel $0x180000  }
0x81: {  	[bflag:$0x0] =	sbarrier.arrive $0xFFFF  }
0x82: {  	p0 =	sne.s32 s2, $0x0;
	_ =	strace $0x90000050  }
0x83: {  	s0 =	sadd.s32 @!p0 $0x100000, s0;
	[bflag:$0x2] =	sbarrier.arrive $0xFFFF  }
0x84: {  	[sflag:s0] =	ssyncadd.tile.s32 @!p0 $0x1;
	_ =	shalt  }
.Lfunc_end2:
_tile_overlayer_lowered:
.L_overlay_start_2:
0x85: {  	(tag) =	ssettag $0x2  }
0x86: {  	s0 =	rddreg [dreg:$0x0];
	s2 =	stileid.u32  }
0x87: {  	s1 =	rddreg [dreg:$0x1];
	p0 =	sne.s32 s2, $0x0  }
0x88: {  	s3 =	rddreg [dreg:$0x2];
	[bflag:$0x3] =	sbarrier.arrive $0xFFFF;
	s2 =	simm.s32 @!p0 $0x1C03  }
0x89: {  	[timem:s3], [sflag:s2] =	dma.local @!p0 [hbm:s0], s1  }
0x8a: {  	s0 =	simm.s32 @!p0 $0x3  }
0x8b: {  	_ =	swait.ge @!p0 [sflag:s0], s1  }
0x8c: {  	s1 =	ssub.s32 @!p0 $0x0, s1;
	[sflag:s0] =	ssyncset.done @!p0 $0x0  }
0x8d: {  	[sflag:s0] =	ssyncadd.s32 @!p0 s1  }
0x8e: {  	[bflag:$0x3] =	sbarrier.arrive $0xFFFF  }
0x8f: {  	_ =	shalt  }

</sc_bundles>
